<compile_context>
chip_gen: v7x
topology: tpu7x:2x2x1
jax: 0.10.2.dev20260603
libtpu: 0.0.44.dev20260713+nightly
codegen_flags: <defaults>
</compile_context>

<pallas_src>
import functools

import jax
import jax.numpy as jnp
from jax.experimental import pallas as pl
from jax.experimental.pallas import tpu as pltpu
import numpy as np

_NUM_CLASSES = 80
_ANCHOR_NUM = 8
_HW = 2500
_PRE_K = 1000
_PAD_K = 1024
_POST_K = 300
_NMS_THR = 0.5
_SCORE_THR = 0.05
_IMG = 800.0
_CLIP = float(np.log(1000.0 / 16.0))


def _prep_kernel(d_ref, a_ref, o_ref):
    sc = d_ref[0, 0, 4:4 + _NUM_CLASSES, :]
    mx = jnp.max(sc, axis=0, keepdims=True)
    cio = jax.lax.broadcasted_iota(jnp.int32, (_NUM_CLASSES, _HW), 0)
    cls = jnp.min(jnp.where(sc == mx, cio, jnp.int32(2 ** 30)),
                  axis=0, keepdims=True).astype(jnp.float32)

    dx = d_ref[0, 0, 0:1, :]
    dy = d_ref[0, 0, 1:2, :]
    dw = jnp.minimum(d_ref[0, 0, 2:3, :], _CLIP)
    dh = jnp.minimum(d_ref[0, 0, 3:4, :], _CLIP)

    ax1 = a_ref[0, 0, 0:1, :]
    ay1 = a_ref[0, 0, 1:2, :]
    ax2 = a_ref[0, 0, 2:3, :]
    ay2 = a_ref[0, 0, 3:4, :]

    w = ax2 - ax1
    h = ay2 - ay1
    cx = ax1 + 0.5 * w
    cy = ay1 + 0.5 * h
    pcx = dx * w + cx
    pcy = dy * h + cy
    pw = jnp.exp(dw) * w
    ph = jnp.exp(dh) * h

    x1 = jnp.clip(pcx - 0.5 * pw, 0.0, _IMG)
    y1 = jnp.clip(pcy - 0.5 * ph, 0.0, _IMG)
    x2 = jnp.clip(pcx + 0.5 * pw, 0.0, _IMG)
    y2 = jnp.clip(pcy + 0.5 * ph, 0.0, _IMG)

    o_ref[0, 0, 0:1, :] = x1
    o_ref[0, 0, 1:2, :] = y1
    o_ref[0, 0, 2:3, :] = x2
    o_ref[0, 0, 3:4, :] = y2
    o_ref[0, 0, 4:5, :] = cls
    o_ref[0, 0, 5:6, :] = mx


def _nms_kernel(rows_ref, cols_ref, o_ref, sup_s):
    B = rows_ref.shape[0]
    TILE = 128

    keep0 = []
    for b in range(B):
        x1r = rows_ref[b, 0:1, :]
        y1r = rows_ref[b, 1:2, :]
        x2r = rows_ref[b, 2:3, :]
        y2r = rows_ref[b, 3:4, :]
        scr = rows_ref[b, 5:6, :]
        area_r = (x2r - x1r) * (y2r - y1r)
        keep0.append(((scr >= _SCORE_THR) & (x1r < x2r) &
                      (y1r < y2r)).astype(jnp.float32))
        for t in range(_PAD_K // TILE):
            sl = pl.ds(t * TILE, TILE)
            x1c = cols_ref[b, sl, 0:1]
            y1c = cols_ref[b, sl, 1:2]
            x2c = cols_ref[b, sl, 2:3]
            y2c = cols_ref[b, sl, 3:4]
            area_c = (x2c - x1c) * (y2c - y1c)
            ix1 = jnp.maximum(x1c, x1r)
            iy1 = jnp.maximum(y1c, y1r)
            ix2 = jnp.minimum(x2c, x2r)
            iy2 = jnp.minimum(y2c, y2r)
            inter = (jnp.maximum(ix2 - ix1, 0.0) *
                     jnp.maximum(iy2 - iy1, 0.0))
            union = area_c + area_r - inter
            iou = jnp.where(union > 0.0, inter / union, 0.0)
            jj = jax.lax.broadcasted_iota(jnp.int32, (TILE, _PAD_K), 0)
            ii = jax.lax.broadcasted_iota(jnp.int32, (TILE, _PAD_K), 1)
            sup_s[b, sl, :] = ((iou > _NMS_THR) &
                               (jj + t * TILE < ii)).astype(jnp.float32)

    keep0 = jnp.concatenate(keep0, axis=0)

    def cond(carry):
        _, changed = carry
        return changed

    def body(carry):
        keep, _ = carry
        new = []
        for b in range(B):
            sup = jax.lax.dot_general(
                keep[b:b + 1, :], sup_s[b, :, :], (((1,), (0,)), ((), ())),
                preferred_element_type=jnp.float32)
            new.append(keep0[b:b + 1, :] *
                       (1.0 - (sup > 0.0).astype(jnp.float32)))
        new = jnp.concatenate(new, axis=0)
        return new, jnp.any(new != keep)

    keep, _ = jax.lax.while_loop(cond, body, (keep0, jnp.bool_(True)))

    jo = jax.lax.broadcasted_iota(jnp.int32, (_PAD_K, _PAD_K), 0)
    io = jax.lax.broadcasted_iota(jnp.int32, (_PAD_K, _PAD_K), 1)
    tri = (jo <= io).astype(jnp.float32)
    ro = jax.lax.broadcasted_iota(jnp.int32, (304, _PAD_K), 0)
    for b in range(B):
        kb = keep[b:b + 1, :]
        csum = jax.lax.dot_general(
            kb, tri, (((1,), (0,)), ((), ())),
            preferred_element_type=jnp.float32)
        idx = csum.astype(jnp.int32) - 1
        oh = ((jnp.broadcast_to(idx, (304, _PAD_K)) == ro) & (kb > 0.0))
        res = jax.lax.dot_general(
            oh.astype(jnp.float32), cols_ref[b, :, :],
            (((1,), (0,)), ((), ())),
            preferred_element_type=jnp.float32)
        o_ref[b] = res


@jax.jit
def kernel(data, anchors):
    B = data.shape[0]
    data4 = data.reshape(B, _ANCHOR_NUM, 4 + _NUM_CLASSES, _HW)
    anch4 = anchors.reshape(B, _ANCHOR_NUM, 4, _HW)

    out6 = pl.pallas_call(
        _prep_kernel,
        grid=(B, _ANCHOR_NUM),
        in_specs=[
            pl.BlockSpec((1, 1, 4 + _NUM_CLASSES, _HW), lambda b, a: (b, a, 0, 0)),
            pl.BlockSpec((1, 1, 4, _HW), lambda b, a: (b, a, 0, 0)),
        ],
        out_specs=pl.BlockSpec((1, 1, 6, _HW), lambda b, a: (b, a, 0, 0)),
        out_shape=jax.ShapeDtypeStruct((B, _ANCHOR_NUM, 6, _HW), jnp.float32),
    )(data4, anch4)

    comb = jnp.transpose(out6, (0, 2, 1, 3)).reshape(B, 6, _ANCHOR_NUM * _HW)
    scores_pa = jnp.transpose(out6[:, :, 5, :], (0, 2, 1)).reshape(
        B, _ANCHOR_NUM * _HW)
    _, order = jax.lax.top_k(scores_pa, _PRE_K)
    order = (order % _ANCHOR_NUM) * _HW + order // _ANCHOR_NUM
    top = jnp.take_along_axis(comb, order[:, None, :], axis=2)

    rows = jnp.zeros((B, 8, _PAD_K), jnp.float32)
    rows = rows.at[:, :6, :_PRE_K].set(top)
    cols = jnp.zeros((B, _PAD_K, 128), jnp.float32)
    cols = cols.at[:, :_PRE_K, :6].set(jnp.transpose(top, (0, 2, 1)))

    out = pl.pallas_call(
        _nms_kernel,
        grid=(1,),
        in_specs=[
            pl.BlockSpec((B, 8, _PAD_K), lambda i: (0, 0, 0)),
            pl.BlockSpec((B, _PAD_K, 128), lambda i: (0, 0, 0)),
        ],
        out_specs=pl.BlockSpec((B, 304, 128), lambda i: (0, 0, 0)),
        out_shape=jax.ShapeDtypeStruct((B, 304, 128), jnp.float32),
        scratch_shapes=[pltpu.VMEM((B, _PAD_K, _PAD_K), jnp.float32)],
    )(rows, cols)

    return out[:, :_POST_K, :6]

# --- scband reference (transcript-rebuilt; emitter-appended) ---
"""Pipeline reference for scband-detection-post-process-v1-15719580304110 (READ-ONLY COPY).

The authoritative reference and input builder live on the scoring server;
editing this copy changes nothing except your own understanding.
"""

import jax, jax.numpy as jnp
import numpy as np

NUM_CLASSES = 80
ANCHOR_NUM = 8
H = 50
W = 50
BATCH = 4
PRE_K = 1000
POST_K = 300
NMS_THR = 0.5
SCORE_THR = 0.05
IMG_H = 800.0
IMG_W = 800.0
MIN_H = 0.0
MIN_W = 0.0
BBOX_XFORM_CLIP = float(np.log(1000.0 / 16.0))


def setup_inputs(seed: int = 0) -> dict:
    key = jax.random.key(seed)
    k1, k2 = jax.random.split(key)
    data = jax.random.normal(k1, (BATCH, (4 + NUM_CLASSES) * ANCHOR_NUM, H, W), dtype=jnp.float32)
    anchors = jax.random.uniform(k2, (BATCH, ANCHOR_NUM * 4, H, W), dtype=jnp.float32)
    return {"data": data, "anchors": anchors}


def _decode(deltas, anchors):
    # BoxCoder((1,1,1,1)).decode_single, torchvision-style
    widths = anchors[:, 2] - anchors[:, 0]
    heights = anchors[:, 3] - anchors[:, 1]
    ctr_x = anchors[:, 0] + 0.5 * widths
    ctr_y = anchors[:, 1] + 0.5 * heights
    dx = deltas[:, 0]
    dy = deltas[:, 1]
    dw = jnp.minimum(deltas[:, 2], BBOX_XFORM_CLIP)
    dh = jnp.minimum(deltas[:, 3], BBOX_XFORM_CLIP)
    pred_ctr_x = dx * widths + ctr_x
    pred_ctr_y = dy * heights + ctr_y
    pred_w = jnp.exp(dw) * widths
    pred_h = jnp.exp(dh) * heights
    return jnp.stack([
        pred_ctr_x - 0.5 * pred_w,
        pred_ctr_y - 0.5 * pred_h,
        pred_ctr_x + 0.5 * pred_w,
        pred_ctr_y + 0.5 * pred_h,
    ], axis=1)


def _nms_single(boxes6):
    # boxes6: [PRE_K, 6] = (x1, y1, x2, y2, cls, score), sorted by score desc
    K = boxes6.shape[0]
    x1, y1, x2, y2 = boxes6[:, 0], boxes6[:, 1], boxes6[:, 2], boxes6[:, 3]
    score = boxes6[:, 5]
    valid = (score >= SCORE_THR) & (x1 < x2 - MIN_W) & (y1 < y2 - MIN_H)
    areas = (x2 - x1) * (y2 - y1)
    ix1 = jnp.maximum(x1[:, None], x1[None, :])
    iy1 = jnp.maximum(y1[:, None], y1[None, :])
    ix2 = jnp.minimum(x2[:, None], x2[None, :])
    iy2 = jnp.minimum(y2[:, None], y2[None, :])
    inter = jnp.clip(ix2 - ix1, 0.0) * jnp.clip(iy2 - iy1, 0.0)
    union = areas[:, None] + areas[None, :] - inter
    iou = jnp.where(union > 0.0, inter / union, 0.0)
    rng = jnp.arange(K)

    def body(i, keep):
        cur = keep[i]
        sup = cur & (iou[i] > NMS_THR) & (rng > i)
        return keep & (~sup)

    keep = jax.lax.fori_loop(0, K, body, valid)
    # pad_zero padding to POST_K outputs
    idx = jnp.cumsum(keep) - 1
    tgt = jnp.where(keep & (idx < POST_K), idx, POST_K)
    out = jnp.zeros((POST_K + 1, 6), boxes6.dtype)
    out = out.at[tgt].set(boxes6 * keep[:, None].astype(boxes6.dtype))
    return out[:POST_K]


def reference(data, anchors):
    B = data.shape[0]
    flat_anchors = jnp.transpose(anchors, (0, 2, 3, 1)).reshape(B, -1, 4)
    unfolded = jnp.transpose(data, (0, 2, 3, 1)).reshape(B, -1, 4 + NUM_CLASSES)
    deltas = unfolded[..., :4]
    scores = unfolded[..., 4:]
    max_scores = jnp.max(scores, axis=-1)
    cls_idxs = jnp.argmax(scores, axis=-1).astype(jnp.float32)  # class_offsets = [0]
    pred = _decode(deltas.reshape(-1, 4), flat_anchors.reshape(-1, 4)).reshape(B, -1, 4)
    # clip_boxes_to_image with image_size = (800, 800)
    px1 = jnp.clip(pred[..., 0], 0.0, IMG_W)
    py1 = jnp.clip(pred[..., 1], 0.0, IMG_H)
    px2 = jnp.clip(pred[..., 2], 0.0, IMG_W)
    py2 = jnp.clip(pred[..., 3], 0.0, IMG_H)
    combine = jnp.stack([px1, py1, px2, py2, cls_idxs, max_scores], axis=-1)
    # sort by score desc + pre-NMS top-k
    _, order = jax.lax.top_k(max_scores, PRE_K)
    top = jnp.take_along_axis(combine, order[..., None], axis=1)
    return jax.vmap(_nms_single)(top)  # [B, POST_K, 6] = bbox(4), cls, score

if __name__ == "__main__":
    import jax
    _d = setup_inputs()
    print(jax.jit(kernel)(*tuple(_d.values())))

</pallas_src>

<mosaic_0001>
module attributes {stable_mosaic.version = 14 : i64} {
  func.func @_prep_kernel(%arg0: i32, %arg1: i32, %arg2: memref<1x1x84x2500xf32, #tpu.memory_space<vmem>>, %arg3: memref<1x1x4x2500xf32, #tpu.memory_space<vmem>>, %arg4: memref<1x1x6x2500xf32, #tpu.memory_space<vmem>>) attributes {dimension_semantics = [#tpu.dimension_semantics<arbitrary>, #tpu.dimension_semantics<arbitrary>], iteration_bounds = array<i64: 4, 8>, scalar_prefetch = 0 : i64, scratch_operands = 0 : i64, tpu.core_type = #tpu.core_type<tc>, window_params = [{transform_indices = @transform_0, window_bounds = array<i64: 1, 1, 84, 2500>}, {transform_indices = @transform_1, window_bounds = array<i64: 1, 1, 4, 2500>}, {transform_indices = @transform_2, window_bounds = array<i64: 1, 1, 6, 2500>}]} {
    %get3A = arith.constant 0 : index
    %get3A_0 = arith.constant 0 : index
    %get3A_1 = arith.constant 4 : index
    %get3A_2 = arith.constant 0 : index
    %get3A_3 = vector.load %arg2[%get3A, %get3A_0, %get3A_1, %get3A_2] : memref<1x1x84x2500xf32, #tpu.memory_space<vmem>>, vector<1x1x80x2500xf32>
    %get3A_4 = vector.shape_cast %get3A_3 : vector<1x1x80x2500xf32> to vector<80x2500xf32>
    %reduce_max3A = arith.constant dense<0xFF800000> : vector<2500xf32>
    %reduce_max3A_5 = vector.multi_reduction <maximumf>, %get3A_4, %reduce_max3A [0] : vector<80x2500xf32> to vector<2500xf32>
    %broadcast_in_dim3A = vector.shape_cast %reduce_max3A_5 : vector<2500xf32> to vector<1x2500xf32>
    %iota3A = tpu.iota {dimensions = array<i32: 0>} : vector<80x2500xi32>
    %eq3A = vector.broadcast %broadcast_in_dim3A : vector<1x2500xf32> to vector<80x2500xf32>
    %eq3A_6 = arith.cmpf oeq, %get3A_4, %eq3A : vector<80x2500xf32>
    %jit3A = arith.constant 1073741824 : i32
    %broadcast_in_dim3A_7 = vector.broadcast %jit3A : i32 to vector<80x2500xi32>
    %select_n3A = arith.select %eq3A_6, %iota3A, %broadcast_in_dim3A_7 : vector<80x2500xi1>, vector<80x2500xi32>
    %reduce_min3A = arith.constant dense<2147483647> : vector<2500xi32>
    %reduce_min3A_8 = vector.multi_reduction <minsi>, %select_n3A, %reduce_min3A [0] : vector<80x2500xi32> to vector<2500xi32>
    %broadcast_in_dim3A_9 = vector.shape_cast %reduce_min3A_8 : vector<2500xi32> to vector<1x2500xi32>
    %convert_element_type3A = arith.sitofp %broadcast_in_dim3A_9 : vector<1x2500xi32> to vector<1x2500xf32>
    %get3A_10 = arith.constant 0 : index
    %get3A_11 = arith.constant 0 : index
    %get3A_12 = arith.constant 0 : index
    %get3A_13 = arith.constant 0 : index
    %get3A_14 = vector.load %arg2[%get3A_10, %get3A_11, %get3A_12, %get3A_13] : memref<1x1x84x2500xf32, #tpu.memory_space<vmem>>, vector<1x1x1x2500xf32>
    %get3A_15 = vector.shape_cast %get3A_14 : vector<1x1x1x2500xf32> to vector<1x2500xf32>
    %get3A_16 = arith.constant 0 : index
    %get3A_17 = arith.constant 0 : index
    %get3A_18 = arith.constant 1 : index
    %get3A_19 = arith.constant 0 : index
    %get3A_20 = vector.load %arg2[%get3A_16, %get3A_17, %get3A_18, %get3A_19] : memref<1x1x84x2500xf32, #tpu.memory_space<vmem>>, vector<1x1x1x2500xf32>
    %get3A_21 = vector.shape_cast %get3A_20 : vector<1x1x1x2500xf32> to vector<1x2500xf32>
    %get3A_22 = arith.constant 0 : index
    %get3A_23 = arith.constant 0 : index
    %get3A_24 = arith.constant 2 : index
    %get3A_25 = arith.constant 0 : index
    %get3A_26 = vector.load %arg2[%get3A_22, %get3A_23, %get3A_24, %get3A_25] : memref<1x1x84x2500xf32, #tpu.memory_space<vmem>>, vector<1x1x1x2500xf32>
    %get3A_27 = vector.shape_cast %get3A_26 : vector<1x1x1x2500xf32> to vector<1x2500xf32>
    %min3A = arith.constant 4.13516665 : f32
    %min3A_28 = vector.broadcast %min3A : f32 to vector<1x2500xf32>
    %min3A_29 = arith.minimumf %get3A_27, %min3A_28 : vector<1x2500xf32>
    %get3A_30 = arith.constant 0 : index
    %get3A_31 = arith.constant 0 : index
    %get3A_32 = arith.constant 3 : index
    %get3A_33 = arith.constant 0 : index
    %get3A_34 = vector.load %arg2[%get3A_30, %get3A_31, %get3A_32, %get3A_33] : memref<1x1x84x2500xf32, #tpu.memory_space<vmem>>, vector<1x1x1x2500xf32>
    %get3A_35 = vector.shape_cast %get3A_34 : vector<1x1x1x2500xf32> to vector<1x2500xf32>
    %min3A_36 = arith.constant 4.13516665 : f32
    %min3A_37 = vector.broadcast %min3A_36 : f32 to vector<1x2500xf32>
    %min3A_38 = arith.minimumf %get3A_35, %min3A_37 : vector<1x2500xf32>
    %get3A_39 = arith.constant 0 : index
    %get3A_40 = arith.constant 0 : index
    %get3A_41 = arith.constant 0 : index
    %get3A_42 = arith.constant 0 : index
    %get3A_43 = vector.load %arg3[%get3A_39, %get3A_40, %get3A_41, %get3A_42] : memref<1x1x4x2500xf32, #tpu.memory_space<vmem>>, vector<1x1x1x2500xf32>
    %get3A_44 = vector.shape_cast %get3A_43 : vector<1x1x1x2500xf32> to vector<1x2500xf32>
    %get3A_45 = arith.constant 0 : index
    %get3A_46 = arith.constant 0 : index
    %get3A_47 = arith.constant 1 : index
    %get3A_48 = arith.constant 0 : index
    %get3A_49 = vector.load %arg3[%get3A_45, %get3A_46, %get3A_47, %get3A_48] : memref<1x1x4x2500xf32, #tpu.memory_space<vmem>>, vector<1x1x1x2500xf32>
    %get3A_50 = vector.shape_cast %get3A_49 : vector<1x1x1x2500xf32> to vector<1x2500xf32>
    %get3A_51 = arith.constant 0 : index
    %get3A_52 = arith.constant 0 : index
    %get3A_53 = arith.constant 2 : index
    %get3A_54 = arith.constant 0 : index
    %get3A_55 = vector.load %arg3[%get3A_51, %get3A_52, %get3A_53, %get3A_54] : memref<1x1x4x2500xf32, #tpu.memory_space<vmem>>, vector<1x1x1x2500xf32>
    %get3A_56 = vector.shape_cast %get3A_55 : vector<1x1x1x2500xf32> to vector<1x2500xf32>
    %get3A_57 = arith.constant 0 : index
    %get3A_58 = arith.constant 0 : index
    %get3A_59 = arith.constant 3 : index
    %get3A_60 = arith.constant 0 : index
    %get3A_61 = vector.load %arg3[%get3A_57, %get3A_58, %get3A_59, %get3A_60] : memref<1x1x4x2500xf32, #tpu.memory_space<vmem>>, vector<1x1x1x2500xf32>
    %get3A_62 = vector.shape_cast %get3A_61 : vector<1x1x1x2500xf32> to vector<1x2500xf32>
    %sub3A = arith.subf %get3A_56, %get3A_44 : vector<1x2500xf32>
    %sub3A_63 = arith.subf %get3A_62, %get3A_50 : vector<1x2500xf32>
    %mul3A = arith.constant 5.000000e-01 : f32
    %mul3A_64 = vector.broadcast %mul3A : f32 to vector<1x2500xf32>
    %mul3A_65 = arith.mulf %mul3A_64, %sub3A : vector<1x2500xf32>
    %add3A = arith.addf %get3A_44, %mul3A_65 : vector<1x2500xf32>
    %mul3A_66 = arith.constant 5.000000e-01 : f32
    %mul3A_67 = vector.broadcast %mul3A_66 : f32 to vector<1x2500xf32>
    %mul3A_68 = arith.mulf %mul3A_67, %sub3A_63 : vector<1x2500xf32>
    %add3A_69 = arith.addf %get3A_50, %mul3A_68 : vector<1x2500xf32>
    %mul3A_70 = arith.mulf %get3A_15, %sub3A : vector<1x2500xf32>
    %add3A_71 = arith.addf %mul3A_70, %add3A : vector<1x2500xf32>
    %mul3A_72 = arith.mulf %get3A_21, %sub3A_63 : vector<1x2500xf32>
    %add3A_73 = arith.addf %mul3A_72, %add3A_69 : vector<1x2500xf32>
    %exp3A = math.exp %min3A_29 : vector<1x2500xf32>
    %mul3A_74 = arith.mulf %exp3A, %sub3A : vector<1x2500xf32>
    %exp3A_75 = math.exp %min3A_38 : vector<1x2500xf32>
    %mul3A_76 = arith.mulf %exp3A_75, %sub3A_63 : vector<1x2500xf32>
    %mul3A_77 = arith.constant 5.000000e-01 : f32
    %mul3A_78 = vector.broadcast %mul3A_77 : f32 to vector<1x2500xf32>
    %mul3A_79 = arith.mulf %mul3A_78, %mul3A_74 : vector<1x2500xf32>
    %sub3A_80 = arith.subf %add3A_71, %mul3A_79 : vector<1x2500xf32>
    %jit3A_81 = arith.constant 0.000000e+00 : f32
    %jit3A_82 = arith.constant 8.000000e+02 : f32
    %max3A = vector.broadcast %jit3A_81 : f32 to vector<1x2500xf32>
    %max3A_83 = arith.maximumf %max3A, %sub3A_80 : vector<1x2500xf32>
    %min3A_84 = vector.broadcast %jit3A_82 : f32 to vector<1x2500xf32>
    %min3A_85 = arith.minimumf %min3A_84, %max3A_83 : vector<1x2500xf32>
    %mul3A_86 = arith.constant 5.000000e-01 : f32
    %mul3A_87 = vector.broadcast %mul3A_86 : f32 to vector<1x2500xf32>
    %mul3A_88 = arith.mulf %mul3A_87, %mul3A_76 : vector<1x2500xf32>
    %sub3A_89 = arith.subf %add3A_73, %mul3A_88 : vector<1x2500xf32>
    %jit3A_90 = arith.constant 0.000000e+00 : f32
    %jit3A_91 = arith.constant 8.000000e+02 : f32
    %max3A_92 = vector.broadcast %jit3A_90 : f32 to vector<1x2500xf32>
    %max3A_93 = arith.maximumf %max3A_92, %sub3A_89 : vector<1x2500xf32>
    %min3A_94 = vector.broadcast %jit3A_91 : f32 to vector<1x2500xf32>
    %min3A_95 = arith.minimumf %min3A_94, %max3A_93 : vector<1x2500xf32>
    %mul3A_96 = arith.constant 5.000000e-01 : f32
    %mul3A_97 = vector.broadcast %mul3A_96 : f32 to vector<1x2500xf32>
    %mul3A_98 = arith.mulf %mul3A_97, %mul3A_74 : vector<1x2500xf32>
    %add3A_99 = arith.addf %add3A_71, %mul3A_98 : vector<1x2500xf32>
    %jit3A_100 = arith.constant 0.000000e+00 : f32
    %jit3A_101 = arith.constant 8.000000e+02 : f32
    %max3A_102 = vector.broadcast %jit3A_100 : f32 to vector<1x2500xf32>
    %max3A_103 = arith.maximumf %max3A_102, %add3A_99 : vector<1x2500xf32>
    %min3A_104 = vector.broadcast %jit3A_101 : f32 to vector<1x2500xf32>
    %min3A_105 = arith.minimumf %min3A_104, %max3A_103 : vector<1x2500xf32>
    %mul3A_106 = arith.constant 5.000000e-01 : f32
    %mul3A_107 = vector.broadcast %mul3A_106 : f32 to vector<1x2500xf32>
    %mul3A_108 = arith.mulf %mul3A_107, %mul3A_76 : vector<1x2500xf32>
    %add3A_109 = arith.addf %add3A_73, %mul3A_108 : vector<1x2500xf32>
    %jit3A_110 = arith.constant 0.000000e+00 : f32
    %jit3A_111 = arith.constant 8.000000e+02 : f32
    %max3A_112 = vector.broadcast %jit3A_110 : f32 to vector<1x2500xf32>
    %max3A_113 = arith.maximumf %max3A_112, %add3A_109 : vector<1x2500xf32>
    %min3A_114 = vector.broadcast %jit3A_111 : f32 to vector<1x2500xf32>
    %min3A_115 = arith.minimumf %min3A_114, %max3A_113 : vector<1x2500xf32>
    %swap3A = arith.constant 0 : index
    %swap3A_116 = arith.constant 0 : index
    %swap3A_117 = arith.constant 0 : index
    %swap3A_118 = arith.constant 0 : index
    %swap3A_119 = vector.load %arg4[%swap3A, %swap3A_116, %swap3A_117, %swap3A_118] : memref<1x1x6x2500xf32, #tpu.memory_space<vmem>>, vector<1x1x1x2500xf32>
    %swap3A_120 = vector.shape_cast %swap3A_119 : vector<1x1x1x2500xf32> to vector<1x2500xf32>
    %swap3A_121 = vector.shape_cast %min3A_85 : vector<1x2500xf32> to vector<1x1x1x2500xf32>
    tpu.vector_store %arg4[%swap3A, %swap3A_116, %swap3A_117, %swap3A_118], %swap3A_121 {strides = array<i32>} : memref<1x1x6x2500xf32, #tpu.memory_space<vmem>>, vector<1x1x1x2500xf32>,
    %swap3A_122 = arith.constant 0 : index
    %swap3A_123 = arith.constant 0 : index
    %swap3A_124 = arith.constant 1 : index
    %swap3A_125 = arith.constant 0 : index
    %swap3A_126 = vector.load %arg4[%swap3A_122, %swap3A_123, %swap3A_124, %swap3A_125] : memref<1x1x6x2500xf32, #tpu.memory_space<vmem>>, vector<1x1x1x2500xf32>
    %swap3A_127 = vector.shape_cast %swap3A_126 : vector<1x1x1x2500xf32> to vector<1x2500xf32>
    %swap3A_128 = vector.shape_cast %min3A_95 : vector<1x2500xf32> to vector<1x1x1x2500xf32>
    tpu.vector_store %arg4[%swap3A_122, %swap3A_123, %swap3A_124, %swap3A_125], %swap3A_128 {strides = array<i32>} : memref<1x1x6x2500xf32, #tpu.memory_space<vmem>>, vector<1x1x1x2500xf32>,
    %swap3A_129 = arith.constant 0 : index
    %swap3A_130 = arith.constant 0 : index
    %swap3A_131 = arith.constant 2 : index
    %swap3A_132 = arith.constant 0 : index
    %swap3A_133 = vector.load %arg4[%swap3A_129, %swap3A_130, %swap3A_131, %swap3A_132] : memref<1x1x6x2500xf32, #tpu.memory_space<vmem>>, vector<1x1x1x2500xf32>
    %swap3A_134 = vector.shape_cast %swap3A_133 : vector<1x1x1x2500xf32> to vector<1x2500xf32>
    %swap3A_135 = vector.shape_cast %min3A_105 : vector<1x2500xf32> to vector<1x1x1x2500xf32>
    tpu.vector_store %arg4[%swap3A_129, %swap3A_130, %swap3A_131, %swap3A_132], %swap3A_135 {strides = array<i32>} : memref<1x1x6x2500xf32, #tpu.memory_space<vmem>>, vector<1x1x1x2500xf32>,
    %swap3A_136 = arith.constant 0 : index
    %swap3A_137 = arith.constant 0 : index
    %swap3A_138 = arith.constant 3 : index
    %swap3A_139 = arith.constant 0 : index
    %swap3A_140 = vector.load %arg4[%swap3A_136, %swap3A_137, %swap3A_138, %swap3A_139] : memref<1x1x6x2500xf32, #tpu.memory_space<vmem>>, vector<1x1x1x2500xf32>
    %swap3A_141 = vector.shape_cast %swap3A_140 : vector<1x1x1x2500xf32> to vector<1x2500xf32>
    %swap3A_142 = vector.shape_cast %min3A_115 : vector<1x2500xf32> to vector<1x1x1x2500xf32>
    tpu.vector_store %arg4[%swap3A_136, %swap3A_137, %swap3A_138, %swap3A_139], %swap3A_142 {strides = array<i32>} : memref<1x1x6x2500xf32, #tpu.memory_space<vmem>>, vector<1x1x1x2500xf32>,
    %swap3A_143 = arith.constant 0 : index
    %swap3A_144 = arith.constant 0 : index
    %swap3A_145 = arith.constant 4 : index
    %swap3A_146 = arith.constant 0 : index
    %swap3A_147 = vector.load %arg4[%swap3A_143, %swap3A_144, %swap3A_145, %swap3A_146] : memref<1x1x6x2500xf32, #tpu.memory_space<vmem>>, vector<1x1x1x2500xf32>
    %swap3A_148 = vector.shape_cast %swap3A_147 : vector<1x1x1x2500xf32> to vector<1x2500xf32>
    %swap3A_149 = vector.shape_cast %convert_element_type3A : vector<1x2500xf32> to vector<1x1x1x2500xf32>
    tpu.vector_store %arg4[%swap3A_143, %swap3A_144, %swap3A_145, %swap3A_146], %swap3A_149 {strides = array<i32>} : memref<1x1x6x2500xf32, #tpu.memory_space<vmem>>, vector<1x1x1x2500xf32>,
    %swap3A_150 = arith.constant 0 : index
    %swap3A_151 = arith.constant 0 : index
    %swap3A_152 = arith.constant 5 : index
    %swap3A_153 = arith.constant 0 : index
    %swap3A_154 = vector.load %arg4[%swap3A_150, %swap3A_151, %swap3A_152, %swap3A_153] : memref<1x1x6x2500xf32, #tpu.memory_space<vmem>>, vector<1x1x1x2500xf32>
    %swap3A_155 = vector.shape_cast %swap3A_154 : vector<1x1x1x2500xf32> to vector<1x2500xf32>
    %swap3A_156 = vector.shape_cast %broadcast_in_dim3A : vector<1x2500xf32> to vector<1x1x1x2500xf32>
    tpu.vector_store %arg4[%swap3A_150, %swap3A_151, %swap3A_152, %swap3A_153], %swap3A_156 {strides = array<i32>} : memref<1x1x6x2500xf32, #tpu.memory_space<vmem>>, vector<1x1x1x2500xf32>,
    return
  }
  func.func @transform_0(%arg0: i32, %arg1: i32) -> (i32, i32, i32, i32) {
    %c0_i32 = arith.constant 0 : i32
    %c0_i32_0 = arith.constant 0 : i32
    %c0_i32_1 = arith.constant 0 : i32
    return %arg0, %arg1, %c0_i32, %c0_i32_0 : i32, i32, i32, i32
  }
  func.func @transform_1(%arg0: i32, %arg1: i32) -> (i32, i32, i32, i32) {
    %c0_i32 = arith.constant 0 : i32
    %c0_i32_0 = arith.constant 0 : i32
    %c0_i32_1 = arith.constant 0 : i32
    return %arg0, %arg1, %c0_i32, %c0_i32_0 : i32, i32, i32, i32
  }
  func.func @transform_2(%arg0: i32, %arg1: i32) -> (i32, i32, i32, i32) {
    %c0_i32 = arith.constant 0 : i32
    %c0_i32_0 = arith.constant 0 : i32
    %c0_i32_1 = arith.constant 0 : i32
    return %arg0, %arg1, %c0_i32, %c0_i32_0 : i32, i32, i32, i32
  }
}

module attributes {stable_mosaic.version = 14 : i64} {
  func.func @_nms_kernel(%arg0: i32, %arg1: memref<4x8x1024xf32, #tpu.memory_space<vmem>>, %arg2: memref<4x1024x128xf32, #tpu.memory_space<vmem>>, %arg3: memref<4x304x128xf32, #tpu.memory_space<vmem>>, %arg4: memref<4x1024x1024xf32, #tpu.memory_space<vmem>>) attributes {dimension_semantics = [#tpu.dimension_semantics<arbitrary>], iteration_bounds = array<i64: 1>, scalar_prefetch = 0 : i64, scratch_operands = 1 : i64, tpu.core_type = #tpu.core_type<tc>, window_params = [{pipeline_mode = #tpu.pipeline_mode<synchronous>, transform_indices = @transform_0, window_bounds = array<i64: 4, 8, 1024>}, {pipeline_mode = #tpu.pipeline_mode<synchronous>, transform_indices = @transform_1, window_bounds = array<i64: 4, 1024, 128>}, {pipeline_mode = #tpu.pipeline_mode<synchronous>, transform_indices = @transform_2, window_bounds = array<i64: 4, 304, 128>}]} {
    %get3A = arith.constant 0 : index
    %get3A_0 = arith.constant 0 : index
    %get3A_1 = arith.constant 0 : index
    %get3A_2 = vector.load %arg1[%get3A, %get3A_0, %get3A_1] : memref<4x8x1024xf32, #tpu.memory_space<vmem>>, vector<1x1x1024xf32>
    %get3A_3 = vector.shape_cast %get3A_2 : vector<1x1x1024xf32> to vector<1x1024xf32>
    %get3A_4 = arith.constant 0 : index
    %get3A_5 = arith.constant 1 : index
    %get3A_6 = arith.constant 0 : index
    %get3A_7 = vector.load %arg1[%get3A_4, %get3A_5, %get3A_6] : memref<4x8x1024xf32, #tpu.memory_space<vmem>>, vector<1x1x1024xf32>
    %get3A_8 = vector.shape_cast %get3A_7 : vector<1x1x1024xf32> to vector<1x1024xf32>
    %get3A_9 = arith.constant 0 : index
    %get3A_10 = arith.constant 2 : index
    %get3A_11 = arith.constant 0 : index
    %get3A_12 = vector.load %arg1[%get3A_9, %get3A_10, %get3A_11] : memref<4x8x1024xf32, #tpu.memory_space<vmem>>, vector<1x1x1024xf32>
    %get3A_13 = vector.shape_cast %get3A_12 : vector<1x1x1024xf32> to vector<1x1024xf32>
    %get3A_14 = arith.constant 0 : index
    %get3A_15 = arith.constant 3 : index
    %get3A_16 = arith.constant 0 : index
    %get3A_17 = vector.load %arg1[%get3A_14, %get3A_15, %get3A_16] : memref<4x8x1024xf32, #tpu.memory_space<vmem>>, vector<1x1x1024xf32>
    %get3A_18 = vector.shape_cast %get3A_17 : vector<1x1x1024xf32> to vector<1x1024xf32>
    %get3A_19 = arith.constant 0 : index
    %get3A_20 = arith.constant 5 : index
    %get3A_21 = arith.constant 0 : index
    %get3A_22 = vector.load %arg1[%get3A_19, %get3A_20, %get3A_21] : memref<4x8x1024xf32, #tpu.memory_space<vmem>>, vector<1x1x1024xf32>
    %get3A_23 = vector.shape_cast %get3A_22 : vector<1x1x1024xf32> to vector<1x1024xf32>
    %sub3A = arith.subf %get3A_13, %get3A_3 : vector<1x1024xf32>
    %sub3A_24 = arith.subf %get3A_18, %get3A_8 : vector<1x1024xf32>
    %mul3A = arith.mulf %sub3A, %sub3A_24 : vector<1x1024xf32>
    %ge3A = arith.constant 5.000000e-02 : f32
    %ge3A_25 = vector.broadcast %ge3A : f32 to vector<1x1024xf32>
    %ge3A_26 = arith.cmpf oge, %get3A_23, %ge3A_25 : vector<1x1024xf32>
    %lt3A = arith.cmpf olt, %get3A_3, %get3A_13 : vector<1x1024xf32>
    %and3A = arith.andi %ge3A_26, %lt3A : vector<1x1024xi1>
    %lt3A_27 = arith.cmpf olt, %get3A_8, %get3A_18 : vector<1x1024xf32>
    %and3A_28 = arith.andi %and3A, %lt3A_27 : vector<1x1024xi1>
    %convert_element_type3A = arith.extui %and3A_28 : vector<1x1024xi1> to vector<1x1024xi32>
    %convert_element_type3A_29 = arith.sitofp %convert_element_type3A : vector<1x1024xi32> to vector<1x1024xf32>
    %get3A_30 = arith.constant 0 : index
    %get3A_31 = arith.constant 0 : index
    %get3A_32 = arith.constant 0 : index
    %get3A_33 = vector.load %arg2[%get3A_30, %get3A_31, %get3A_32] : memref<4x1024x128xf32, #tpu.memory_space<vmem>>, vector<1x128x1xf32>
    %get3A_34 = vector.shape_cast %get3A_33 : vector<1x128x1xf32> to vector<128x1xf32>
    %get3A_35 = arith.constant 0 : index
    %get3A_36 = arith.constant 0 : index
    %get3A_37 = arith.constant 1 : index
    %get3A_38 = vector.load %arg2[%get3A_35, %get3A_36, %get3A_37] : memref<4x1024x128xf32, #tpu.memory_space<vmem>>, vector<1x128x1xf32>
    %get3A_39 = vector.shape_cast %get3A_38 : vector<1x128x1xf32> to vector<128x1xf32>
    %get3A_40 = arith.constant 0 : index
    %get3A_41 = arith.constant 0 : index
    %get3A_42 = arith.constant 2 : index
    %get3A_43 = vector.load %arg2[%get3A_40, %get3A_41, %get3A_42] : memref<4x1024x128xf32, #tpu.memory_space<vmem>>, vector<1x128x1xf32>
    %get3A_44 = vector.shape_cast %get3A_43 : vector<1x128x1xf32> to vector<128x1xf32>
    %get3A_45 = arith.constant 0 : index
    %get3A_46 = arith.constant 0 : index
    %get3A_47 = arith.constant 3 : index
    %get3A_48 = vector.load %arg2[%get3A_45, %get3A_46, %get3A_47] : memref<4x1024x128xf32, #tpu.memory_space<vmem>>, vector<1x128x1xf32>
    %get3A_49 = vector.shape_cast %get3A_48 : vector<1x128x1xf32> to vector<128x1xf32>
    %sub3A_50 = arith.subf %get3A_44, %get3A_34 : vector<128x1xf32>
    %sub3A_51 = arith.subf %get3A_49, %get3A_39 : vector<128x1xf32>
    %mul3A_52 = arith.mulf %sub3A_50, %sub3A_51 : vector<128x1xf32>
    %max3A = vector.broadcast %get3A_34 : vector<128x1xf32> to vector<128x1024xf32>
    %max3A_53 = vector.broadcast %get3A_3 : vector<1x1024xf32> to vector<128x1024xf32>
    %max3A_54 = arith.maximumf %max3A, %max3A_53 : vector<128x1024xf32>
    %max3A_55 = vector.broadcast %get3A_39 : vector<128x1xf32> to vector<128x1024xf32>
    %max3A_56 = vector.broadcast %get3A_8 : vector<1x1024xf32> to vector<128x1024xf32>
    %max3A_57 = arith.maximumf %max3A_55, %max3A_56 : vector<128x1024xf32>
    %min3A = vector.broadcast %get3A_44 : vector<128x1xf32> to vector<128x1024xf32>
    %min3A_58 = vector.broadcast %get3A_13 : vector<1x1024xf32> to vector<128x1024xf32>
    %min3A_59 = arith.minimumf %min3A, %min3A_58 : vector<128x1024xf32>
    %min3A_60 = vector.broadcast %get3A_49 : vector<128x1xf32> to vector<128x1024xf32>
    %min3A_61 = vector.broadcast %get3A_18 : vector<1x1024xf32> to vector<128x1024xf32>
    %min3A_62 = arith.minimumf %min3A_60, %min3A_61 : vector<128x1024xf32>
    %sub3A_63 = arith.subf %min3A_59, %max3A_54 : vector<128x1024xf32>
    %max3A_64 = arith.constant 0.000000e+00 : f32
    %max3A_65 = vector.broadcast %max3A_64 : f32 to vector<128x1024xf32>
    %max3A_66 = arith.maximumf %sub3A_63, %max3A_65 : vector<128x1024xf32>
    %sub3A_67 = arith.subf %min3A_62, %max3A_57 : vector<128x1024xf32>
    %max3A_68 = arith.constant 0.000000e+00 : f32
    %max3A_69 = vector.broadcast %max3A_68 : f32 to vector<128x1024xf32>
    %max3A_70 = arith.maximumf %sub3A_67, %max3A_69 : vector<128x1024xf32>
    %mul3A_71 = arith.mulf %max3A_66, %max3A_70 : vector<128x1024xf32>
    %add3A = vector.broadcast %mul3A_52 : vector<128x1xf32> to vector<128x1024xf32>
    %add3A_72 = vector.broadcast %mul3A : vector<1x1024xf32> to vector<128x1024xf32>
    %add3A_73 = arith.addf %add3A, %add3A_72 : vector<128x1024xf32>
    %sub3A_74 = arith.subf %add3A_73, %mul3A_71 : vector<128x1024xf32>
    %gt3A = arith.constant 0.000000e+00 : f32
    %gt3A_75 = vector.broadcast %gt3A : f32 to vector<128x1024xf32>
    %gt3A_76 = arith.cmpf ogt, %sub3A_74, %gt3A_75 : vector<128x1024xf32>
    %div3A = arith.divf %mul3A_71, %sub3A_74 : vector<128x1024xf32>
    %jit3A = arith.constant 0.000000e+00 : f32
    %broadcast_in_dim3A = vector.broadcast %jit3A : f32 to vector<128x1024xf32>
    %select_n3A = arith.select %gt3A_76, %div3A, %broadcast_in_dim3A : vector<128x1024xi1>, vector<128x1024xf32>
    %iota3A = tpu.iota {dimensions = array<i32: 0>} : vector<128x1024xi32>
    %iota3A_77 = tpu.iota {dimensions = array<i32: 1>} : vector<128x1024xi32>
    %gt3A_78 = arith.constant 5.000000e-01 : f32
    %gt3A_79 = vector.broadcast %gt3A_78 : f32 to vector<128x1024xf32>
    %gt3A_80 = arith.cmpf ogt, %select_n3A, %gt3A_79 : vector<128x1024xf32>
    %add3A_81 = arith.constant 0 : i32
    %add3A_82 = vector.broadcast %add3A_81 : i32 to vector<128x1024xi32>
    %add3A_83 = arith.addi %iota3A, %add3A_82 : vector<128x1024xi32>
    %lt3A_84 = arith.cmpi slt, %add3A_83, %iota3A_77 : vector<128x1024xi32>
    %and3A_85 = arith.andi %gt3A_80, %lt3A_84 : vector<128x1024xi1>
    %convert_element_type3A_86 = arith.extui %and3A_85 : vector<128x1024xi1> to vector<128x1024xi32>
    %convert_element_type3A_87 = arith.sitofp %convert_element_type3A_86 : vector<128x1024xi32> to vector<128x1024xf32>
    %swap3A = arith.constant 0 : index
    %swap3A_88 = arith.constant 0 : index
    %swap3A_89 = arith.constant 0 : index
    %swap3A_90 = vector.load %arg4[%swap3A, %swap3A_88, %swap3A_89] : memref<4x1024x1024xf32, #tpu.memory_space<vmem>>, vector<1x128x1024xf32>
    %swap3A_91 = vector.shape_cast %swap3A_90 : vector<1x128x1024xf32> to vector<128x1024xf32>
    %swap3A_92 = vector.shape_cast %convert_element_type3A_87 : vector<128x1024xf32> to vector<1x128x1024xf32>
    tpu.vector_store %arg4[%swap3A, %swap3A_88, %swap3A_89], %swap3A_92 {strides = array<i32>} : memref<4x1024x1024xf32, #tpu.memory_space<vmem>>, vector<1x128x1024xf32>,
    %get3A_93 = arith.constant 0 : index
    %get3A_94 = arith.constant 128 : index
    %get3A_95 = arith.constant 0 : index
    %get3A_96 = vector.load %arg2[%get3A_93, %get3A_94, %get3A_95] : memref<4x1024x128xf32, #tpu.memory_space<vmem>>, vector<1x128x1xf32>
    %get3A_97 = vector.shape_cast %get3A_96 : vector<1x128x1xf32> to vector<128x1xf32>
    %get3A_98 = arith.constant 0 : index
    %get3A_99 = arith.constant 128 : index
    %get3A_100 = arith.constant 1 : index
    %get3A_101 = vector.load %arg2[%get3A_98, %get3A_99, %get3A_100] : memref<4x1024x128xf32, #tpu.memory_space<vmem>>, vector<1x128x1xf32>
    %get3A_102 = vector.shape_cast %get3A_101 : vector<1x128x1xf32> to vector<128x1xf32>
    %get3A_103 = arith.constant 0 : index
    %get3A_104 = arith.constant 128 : index
    %get3A_105 = arith.constant 2 : index
    %get3A_106 = vector.load %arg2[%get3A_103, %get3A_104, %get3A_105] : memref<4x1024x128xf32, #tpu.memory_space<vmem>>, vector<1x128x1xf32>
    %get3A_107 = vector.shape_cast %get3A_106 : vector<1x128x1xf32> to vector<128x1xf32>
    %get3A_108 = arith.constant 0 : index
    %get3A_109 = arith.constant 128 : index
    %get3A_110 = arith.constant 3 : index
    %get3A_111 = vector.load %arg2[%get3A_108, %get3A_109, %get3A_110] : memref<4x1024x128xf32, #tpu.memory_space<vmem>>, vector<1x128x1xf32>
    %get3A_112 = vector.shape_cast %get3A_111 : vector<1x128x1xf32> to vector<128x1xf32>
    %sub3A_113 = arith.subf %get3A_107, %get3A_97 : vector<128x1xf32>
    %sub3A_114 = arith.subf %get3A_112, %get3A_102 : vector<128x1xf32>
    %mul3A_115 = arith.mulf %sub3A_113, %sub3A_114 : vector<128x1xf32>
    %max3A_116 = vector.broadcast %get3A_97 : vector<128x1xf32> to vector<128x1024xf32>
    %max3A_117 = vector.broadcast %get3A_3 : vector<1x1024xf32> to vector<128x1024xf32>
    %max3A_118 = arith.maximumf %max3A_116, %max3A_117 : vector<128x1024xf32>
    %max3A_119 = vector.broadcast %get3A_102 : vector<128x1xf32> to vector<128x1024xf32>
    %max3A_120 = vector.broadcast %get3A_8 : vector<1x1024xf32> to vector<128x1024xf32>
    %max3A_121 = arith.maximumf %max3A_119, %max3A_120 : vector<128x1024xf32>
    %min3A_122 = vector.broadcast %get3A_107 : vector<128x1xf32> to vector<128x1024xf32>
    %min3A_123 = vector.broadcast %get3A_13 : vector<1x1024xf32> to vector<128x1024xf32>
    %min3A_124 = arith.minimumf %min3A_122, %min3A_123 : vector<128x1024xf32>
    %min3A_125 = vector.broadcast %get3A_112 : vector<128x1xf32> to vector<128x1024xf32>
    %min3A_126 = vector.broadcast %get3A_18 : vector<1x1024xf32> to vector<128x1024xf32>
    %min3A_127 = arith.minimumf %min3A_125, %min3A_126 : vector<128x1024xf32>
    %sub3A_128 = arith.subf %min3A_124, %max3A_118 : vector<128x1024xf32>
    %max3A_129 = arith.constant 0.000000e+00 : f32
    %max3A_130 = vector.broadcast %max3A_129 : f32 to vector<128x1024xf32>
    %max3A_131 = arith.maximumf %sub3A_128, %max3A_130 : vector<128x1024xf32>
    %sub3A_132 = arith.subf %min3A_127, %max3A_121 : vector<128x1024xf32>
    %max3A_133 = arith.constant 0.000000e+00 : f32
    %max3A_134 = vector.broadcast %max3A_133 : f32 to vector<128x1024xf32>
    %max3A_135 = arith.maximumf %sub3A_132, %max3A_134 : vector<128x1024xf32>
    %mul3A_136 = arith.mulf %max3A_131, %max3A_135 : vector<128x1024xf32>
    %add3A_137 = vector.broadcast %mul3A_115 : vector<128x1xf32> to vector<128x1024xf32>
    %add3A_138 = vector.broadcast %mul3A : vector<1x1024xf32> to vector<128x1024xf32>
    %add3A_139 = arith.addf %add3A_137, %add3A_138 : vector<128x1024xf32>
    %sub3A_140 = arith.subf %add3A_139, %mul3A_136 : vector<128x1024xf32>
    %gt3A_141 = arith.constant 0.000000e+00 : f32
    %gt3A_142 = vector.broadcast %gt3A_141 : f32 to vector<128x1024xf32>
    %gt3A_143 = arith.cmpf ogt, %sub3A_140, %gt3A_142 : vector<128x1024xf32>
    %div3A_144 = arith.divf %mul3A_136, %sub3A_140 : vector<128x1024xf32>
    %jit3A_145 = arith.constant 0.000000e+00 : f32
    %broadcast_in_dim3A_146 = vector.broadcast %jit3A_145 : f32 to vector<128x1024xf32>
    %select_n3A_147 = arith.select %gt3A_143, %div3A_144, %broadcast_in_dim3A_146 : vector<128x1024xi1>, vector<128x1024xf32>
    %iota3A_148 = tpu.iota {dimensions = array<i32: 0>} : vector<128x1024xi32>
    %iota3A_149 = tpu.iota {dimensions = array<i32: 1>} : vector<128x1024xi32>
    %gt3A_150 = arith.constant 5.000000e-01 : f32
    %gt3A_151 = vector.broadcast %gt3A_150 : f32 to vector<128x1024xf32>
    %gt3A_152 = arith.cmpf ogt, %select_n3A_147, %gt3A_151 : vector<128x1024xf32>
    %add3A_153 = arith.constant 128 : i32
    %add3A_154 = vector.broadcast %add3A_153 : i32 to vector<128x1024xi32>
    %add3A_155 = arith.addi %iota3A_148, %add3A_154 : vector<128x1024xi32>
    %lt3A_156 = arith.cmpi slt, %add3A_155, %iota3A_149 : vector<128x1024xi32>
    %and3A_157 = arith.andi %gt3A_152, %lt3A_156 : vector<128x1024xi1>
    %convert_element_type3A_158 = arith.extui %and3A_157 : vector<128x1024xi1> to vector<128x1024xi32>
    %convert_element_type3A_159 = arith.sitofp %convert_element_type3A_158 : vector<128x1024xi32> to vector<128x1024xf32>
    %swap3A_160 = arith.constant 0 : index
    %swap3A_161 = arith.constant 128 : index
    %swap3A_162 = arith.constant 0 : index
    %swap3A_163 = vector.load %arg4[%swap3A_160, %swap3A_161, %swap3A_162] : memref<4x1024x1024xf32, #tpu.memory_space<vmem>>, vector<1x128x1024xf32>
    %swap3A_164 = vector.shape_cast %swap3A_163 : vector<1x128x1024xf32> to vector<128x1024xf32>
    %swap3A_165 = vector.shape_cast %convert_element_type3A_159 : vector<128x1024xf32> to vector<1x128x1024xf32>
    tpu.vector_store %arg4[%swap3A_160, %swap3A_161, %swap3A_162], %swap3A_165 {strides = array<i32>} : memref<4x1024x1024xf32, #tpu.memory_space<vmem>>, vector<1x128x1024xf32>,
    %get3A_166 = arith.constant 0 : index
    %get3A_167 = arith.constant 256 : index
    %get3A_168 = arith.constant 0 : index
    %get3A_169 = vector.load %arg2[%get3A_166, %get3A_167, %get3A_168] : memref<4x1024x128xf32, #tpu.memory_space<vmem>>, vector<1x128x1xf32>
    %get3A_170 = vector.shape_cast %get3A_169 : vector<1x128x1xf32> to vector<128x1xf32>
    %get3A_171 = arith.constant 0 : index
    %get3A_172 = arith.constant 256 : index
    %get3A_173 = arith.constant 1 : index
    %get3A_174 = vector.load %arg2[%get3A_171, %get3A_172, %get3A_173] : memref<4x1024x128xf32, #tpu.memory_space<vmem>>, vector<1x128x1xf32>
    %get3A_175 = vector.shape_cast %get3A_174 : vector<1x128x1xf32> to vector<128x1xf32>
    %get3A_176 = arith.constant 0 : index
    %get3A_177 = arith.constant 256 : index
    %get3A_178 = arith.constant 2 : index
    %get3A_179 = vector.load %arg2[%get3A_176, %get3A_177, %get3A_178] : memref<4x1024x128xf32, #tpu.memory_space<vmem>>, vector<1x128x1xf32>
    %get3A_180 = vector.shape_cast %get3A_179 : vector<1x128x1xf32> to vector<128x1xf32>
    %get3A_181 = arith.constant 0 : index
    %get3A_182 = arith.constant 256 : index
    %get3A_183 = arith.constant 3 : index
    %get3A_184 = vector.load %arg2[%get3A_181, %get3A_182, %get3A_183] : memref<4x1024x128xf32, #tpu.memory_space<vmem>>, vector<1x128x1xf32>
    %get3A_185 = vector.shape_cast %get3A_184 : vector<1x128x1xf32> to vector<128x1xf32>
    %sub3A_186 = arith.subf %get3A_180, %get3A_170 : vector<128x1xf32>
    %sub3A_187 = arith.subf %get3A_185, %get3A_175 : vector<128x1xf32>
    %mul3A_188 = arith.mulf %sub3A_186, %sub3A_187 : vector<128x1xf32>
    %max3A_189 = vector.broadcast %get3A_170 : vector<128x1xf32> to vector<128x1024xf32>
    %max3A_190 = vector.broadcast %get3A_3 : vector<1x1024xf32> to vector<128x1024xf32>
    %max3A_191 = arith.maximumf %max3A_189, %max3A_190 : vector<128x1024xf32>
    %max3A_192 = vector.broadcast %get3A_175 : vector<128x1xf32> to vector<128x1024xf32>
    %max3A_193 = vector.broadcast %get3A_8 : vector<1x1024xf32> to vector<128x1024xf32>
    %max3A_194 = arith.maximumf %max3A_192, %max3A_193 : vector<128x1024xf32>
    %min3A_195 = vector.broadcast %get3A_180 : vector<128x1xf32> to vector<128x1024xf32>
    %min3A_196 = vector.broadcast %get3A_13 : vector<1x1024xf32> to vector<128x1024xf32>
    %min3A_197 = arith.minimumf %min3A_195, %min3A_196 : vector<128x1024xf32>
    %min3A_198 = vector.broadcast %get3A_185 : vector<128x1xf32> to vector<128x1024xf32>
    %min3A_199 = vector.broadcast %get3A_18 : vector<1x1024xf32> to vector<128x1024xf32>
    %min3A_200 = arith.minimumf %min3A_198, %min3A_199 : vector<128x1024xf32>
    %sub3A_201 = arith.subf %min3A_197, %max3A_191 : vector<128x1024xf32>
    %max3A_202 = arith.constant 0.000000e+00 : f32
    %max3A_203 = vector.broadcast %max3A_202 : f32 to vector<128x1024xf32>
    %max3A_204 = arith.maximumf %sub3A_201, %max3A_203 : vector<128x1024xf32>
    %sub3A_205 = arith.subf %min3A_200, %max3A_194 : vector<128x1024xf32>
    %max3A_206 = arith.constant 0.000000e+00 : f32
    %max3A_207 = vector.broadcast %max3A_206 : f32 to vector<128x1024xf32>
    %max3A_208 = arith.maximumf %sub3A_205, %max3A_207 : vector<128x1024xf32>
    %mul3A_209 = arith.mulf %max3A_204, %max3A_208 : vector<128x1024xf32>
    %add3A_210 = vector.broadcast %mul3A_188 : vector<128x1xf32> to vector<128x1024xf32>
    %add3A_211 = vector.broadcast %mul3A : vector<1x1024xf32> to vector<128x1024xf32>
    %add3A_212 = arith.addf %add3A_210, %add3A_211 : vector<128x1024xf32>
    %sub3A_213 = arith.subf %add3A_212, %mul3A_209 : vector<128x1024xf32>
    %gt3A_214 = arith.constant 0.000000e+00 : f32
    %gt3A_215 = vector.broadcast %gt3A_214 : f32 to vector<128x1024xf32>
    %gt3A_216 = arith.cmpf ogt, %sub3A_213, %gt3A_215 : vector<128x1024xf32>
    %div3A_217 = arith.divf %mul3A_209, %sub3A_213 : vector<128x1024xf32>
    %jit3A_218 = arith.constant 0.000000e+00 : f32
    %broadcast_in_dim3A_219 = vector.broadcast %jit3A_218 : f32 to vector<128x1024xf32>
    %select_n3A_220 = arith.select %gt3A_216, %div3A_217, %broadcast_in_dim3A_219 : vector<128x1024xi1>, vector<128x1024xf32>
    %iota3A_221 = tpu.iota {dimensions = array<i32: 0>} : vector<128x1024xi32>
    %iota3A_222 = tpu.iota {dimensions = array<i32: 1>} : vector<128x1024xi32>
    %gt3A_223 = arith.constant 5.000000e-01 : f32
    %gt3A_224 = vector.broadcast %gt3A_223 : f32 to vector<128x1024xf32>
    %gt3A_225 = arith.cmpf ogt, %select_n3A_220, %gt3A_224 : vector<128x1024xf32>
    %add3A_226 = arith.constant 256 : i32
    %add3A_227 = vector.broadcast %add3A_226 : i32 to vector<128x1024xi32>
    %add3A_228 = arith.addi %iota3A_221, %add3A_227 : vector<128x1024xi32>
    %lt3A_229 = arith.cmpi slt, %add3A_228, %iota3A_222 : vector<128x1024xi32>
    %and3A_230 = arith.andi %gt3A_225, %lt3A_229 : vector<128x1024xi1>
    %convert_element_type3A_231 = arith.extui %and3A_230 : vector<128x1024xi1> to vector<128x1024xi32>
    %convert_element_type3A_232 = arith.sitofp %convert_element_type3A_231 : vector<128x1024xi32> to vector<128x1024xf32>
    %swap3A_233 = arith.constant 0 : index
    %swap3A_234 = arith.constant 256 : index
    %swap3A_235 = arith.constant 0 : index
    %swap3A_236 = vector.load %arg4[%swap3A_233, %swap3A_234, %swap3A_235] : memref<4x1024x1024xf32, #tpu.memory_space<vmem>>, vector<1x128x1024xf32>
    %swap3A_237 = vector.shape_cast %swap3A_236 : vector<1x128x1024xf32> to vector<128x1024xf32>
    %swap3A_238 = vector.shape_cast %convert_element_type3A_232 : vector<128x1024xf32> to vector<1x128x1024xf32>
    tpu.vector_store %arg4[%swap3A_233, %swap3A_234, %swap3A_235], %swap3A_238 {strides = array<i32>} : memref<4x1024x1024xf32, #tpu.memory_space<vmem>>, vector<1x128x1024xf32>,
    %get3A_239 = arith.constant 0 : index
    %get3A_240 = arith.constant 384 : index
    %get3A_241 = arith.constant 0 : index
    %get3A_242 = vector.load %arg2[%get3A_239, %get3A_240, %get3A_241] : memref<4x1024x128xf32, #tpu.memory_space<vmem>>, vector<1x128x1xf32>
    %get3A_243 = vector.shape_cast %get3A_242 : vector<1x128x1xf32> to vector<128x1xf32>
    %get3A_244 = arith.constant 0 : index
    %get3A_245 = arith.constant 384 : index
    %get3A_246 = arith.constant 1 : index
    %get3A_247 = vector.load %arg2[%get3A_244, %get3A_245, %get3A_246] : memref<4x1024x128xf32, #tpu.memory_space<vmem>>, vector<1x128x1xf32>
    %get3A_248 = vector.shape_cast %get3A_247 : vector<1x128x1xf32> to vector<128x1xf32>
    %get3A_249 = arith.constant 0 : index
    %get3A_250 = arith.constant 384 : index
    %get3A_251 = arith.constant 2 : index
    %get3A_252 = vector.load %arg2[%get3A_249, %get3A_250, %get3A_251] : memref<4x1024x128xf32, #tpu.memory_space<vmem>>, vector<1x128x1xf32>
    %get3A_253 = vector.shape_cast %get3A_252 : vector<1x128x1xf32> to vector<128x1xf32>
    %get3A_254 = arith.constant 0 : index
    %get3A_255 = arith.constant 384 : index
    %get3A_256 = arith.constant 3 : index
    %get3A_257 = vector.load %arg2[%get3A_254, %get3A_255, %get3A_256] : memref<4x1024x128xf32, #tpu.memory_space<vmem>>, vector<1x128x1xf32>
    %get3A_258 = vector.shape_cast %get3A_257 : vector<1x128x1xf32> to vector<128x1xf32>
    %sub3A_259 = arith.subf %get3A_253, %get3A_243 : vector<128x1xf32>
    %sub3A_260 = arith.subf %get3A_258, %get3A_248 : vector<128x1xf32>
    %mul3A_261 = arith.mulf %sub3A_259, %sub3A_260 : vector<128x1xf32>
    %max3A_262 = vector.broadcast %get3A_243 : vector<128x1xf32> to vector<128x1024xf32>
    %max3A_263 = vector.broadcast %get3A_3 : vector<1x1024xf32> to vector<128x1024xf32>
    %max3A_264 = arith.maximumf %max3A_262, %max3A_263 : vector<128x1024xf32>
    %max3A_265 = vector.broadcast %get3A_248 : vector<128x1xf32> to vector<128x1024xf32>
    %max3A_266 = vector.broadcast %get3A_8 : vector<1x1024xf32> to vector<128x1024xf32>
    %max3A_267 = arith.maximumf %max3A_265, %max3A_266 : vector<128x1024xf32>
    %min3A_268 = vector.broadcast %get3A_253 : vector<128x1xf32> to vector<128x1024xf32>
    %min3A_269 = vector.broadcast %get3A_13 : vector<1x1024xf32> to vector<128x1024xf32>
    %min3A_270 = arith.minimumf %min3A_268, %min3A_269 : vector<128x1024xf32>
    %min3A_271 = vector.broadcast %get3A_258 : vector<128x1xf32> to vector<128x1024xf32>
    %min3A_272 = vector.broadcast %get3A_18 : vector<1x1024xf32> to vector<128x1024xf32>
    %min3A_273 = arith.minimumf %min3A_271, %min3A_272 : vector<128x1024xf32>
    %sub3A_274 = arith.subf %min3A_270, %max3A_264 : vector<128x1024xf32>
    %max3A_275 = arith.constant 0.000000e+00 : f32
    %max3A_276 = vector.broadcast %max3A_275 : f32 to vector<128x1024xf32>
    %max3A_277 = arith.maximumf %sub3A_274, %max3A_276 : vector<128x1024xf32>
    %sub3A_278 = arith.subf %min3A_273, %max3A_267 : vector<128x1024xf32>
    %max3A_279 = arith.constant 0.000000e+00 : f32
    %max3A_280 = vector.broadcast %max3A_279 : f32 to vector<128x1024xf32>
    %max3A_281 = arith.maximumf %sub3A_278, %max3A_280 : vector<128x1024xf32>
    %mul3A_282 = arith.mulf %max3A_277, %max3A_281 : vector<128x1024xf32>
    %add3A_283 = vector.broadcast %mul3A_261 : vector<128x1xf32> to vector<128x1024xf32>
    %add3A_284 = vector.broadcast %mul3A : vector<1x1024xf32> to vector<128x1024xf32>
    %add3A_285 = arith.addf %add3A_283, %add3A_284 : vector<128x1024xf32>
    %sub3A_286 = arith.subf %add3A_285, %mul3A_282 : vector<128x1024xf32>
    %gt3A_287 = arith.constant 0.000000e+00 : f32
    %gt3A_288 = vector.broadcast %gt3A_287 : f32 to vector<128x1024xf32>
    %gt3A_289 = arith.cmpf ogt, %sub3A_286, %gt3A_288 : vector<128x1024xf32>
    %div3A_290 = arith.divf %mul3A_282, %sub3A_286 : vector<128x1024xf32>
    %jit3A_291 = arith.constant 0.000000e+00 : f32
    %broadcast_in_dim3A_292 = vector.broadcast %jit3A_291 : f32 to vector<128x1024xf32>
    %select_n3A_293 = arith.select %gt3A_289, %div3A_290, %broadcast_in_dim3A_292 : vector<128x1024xi1>, vector<128x1024xf32>
    %iota3A_294 = tpu.iota {dimensions = array<i32: 0>} : vector<128x1024xi32>
    %iota3A_295 = tpu.iota {dimensions = array<i32: 1>} : vector<128x1024xi32>
    %gt3A_296 = arith.constant 5.000000e-01 : f32
    %gt3A_297 = vector.broadcast %gt3A_296 : f32 to vector<128x1024xf32>
    %gt3A_298 = arith.cmpf ogt, %select_n3A_293, %gt3A_297 : vector<128x1024xf32>
    %add3A_299 = arith.constant 384 : i32
    %add3A_300 = vector.broadcast %add3A_299 : i32 to vector<128x1024xi32>
    %add3A_301 = arith.addi %iota3A_294, %add3A_300 : vector<128x1024xi32>
    %lt3A_302 = arith.cmpi slt, %add3A_301, %iota3A_295 : vector<128x1024xi32>
    %and3A_303 = arith.andi %gt3A_298, %lt3A_302 : vector<128x1024xi1>
    %convert_element_type3A_304 = arith.extui %and3A_303 : vector<128x1024xi1> to vector<128x1024xi32>
    %convert_element_type3A_305 = arith.sitofp %convert_element_type3A_304 : vector<128x1024xi32> to vector<128x1024xf32>
    %swap3A_306 = arith.constant 0 : index
    %swap3A_307 = arith.constant 384 : index
    %swap3A_308 = arith.constant 0 : index
    %swap3A_309 = vector.load %arg4[%swap3A_306, %swap3A_307, %swap3A_308] : memref<4x1024x1024xf32, #tpu.memory_space<vmem>>, vector<1x128x1024xf32>
    %swap3A_310 = vector.shape_cast %swap3A_309 : vector<1x128x1024xf32> to vector<128x1024xf32>
    %swap3A_311 = vector.shape_cast %convert_element_type3A_305 : vector<128x1024xf32> to vector<1x128x1024xf32>
    tpu.vector_store %arg4[%swap3A_306, %swap3A_307, %swap3A_308], %swap3A_311 {strides = array<i32>} : memref<4x1024x1024xf32, #tpu.memory_space<vmem>>, vector<1x128x1024xf32>,
    %get3A_312 = arith.constant 0 : index
    %get3A_313 = arith.constant 512 : index
    %get3A_314 = arith.constant 0 : index
    %get3A_315 = vector.load %arg2[%get3A_312, %get3A_313, %get3A_314] : memref<4x1024x128xf32, #tpu.memory_space<vmem>>, vector<1x128x1xf32>
    %get3A_316 = vector.shape_cast %get3A_315 : vector<1x128x1xf32> to vector<128x1xf32>
    %get3A_317 = arith.constant 0 : index
    %get3A_318 = arith.constant 512 : index
    %get3A_319 = arith.constant 1 : index
    %get3A_320 = vector.load %arg2[%get3A_317, %get3A_318, %get3A_319] : memref<4x1024x128xf32, #tpu.memory_space<vmem>>, vector<1x128x1xf32>
    %get3A_321 = vector.shape_cast %get3A_320 : vector<1x128x1xf32> to vector<128x1xf32>
    %get3A_322 = arith.constant 0 : index
    %get3A_323 = arith.constant 512 : index
    %get3A_324 = arith.constant 2 : index
    %get3A_325 = vector.load %arg2[%get3A_322, %get3A_323, %get3A_324] : memref<4x1024x128xf32, #tpu.memory_space<vmem>>, vector<1x128x1xf32>
    %get3A_326 = vector.shape_cast %get3A_325 : vector<1x128x1xf32> to vector<128x1xf32>
    %get3A_327 = arith.constant 0 : index
    %get3A_328 = arith.constant 512 : index
    %get3A_329 = arith.constant 3 : index
    %get3A_330 = vector.load %arg2[%get3A_327, %get3A_328, %get3A_329] : memref<4x1024x128xf32, #tpu.memory_space<vmem>>, vector<1x128x1xf32>
    %get3A_331 = vector.shape_cast %get3A_330 : vector<1x128x1xf32> to vector<128x1xf32>
    %sub3A_332 = arith.subf %get3A_326, %get3A_316 : vector<128x1xf32>
    %sub3A_333 = arith.subf %get3A_331, %get3A_321 : vector<128x1xf32>
    %mul3A_334 = arith.mulf %sub3A_332, %sub3A_333 : vector<128x1xf32>
    %max3A_335 = vector.broadcast %get3A_316 : vector<128x1xf32> to vector<128x1024xf32>
    %max3A_336 = vector.broadcast %get3A_3 : vector<1x1024xf32> to vector<128x1024xf32>
    %max3A_337 = arith.maximumf %max3A_335, %max3A_336 : vector<128x1024xf32>
    %max3A_338 = vector.broadcast %get3A_321 : vector<128x1xf32> to vector<128x1024xf32>
    %max3A_339 = vector.broadcast %get3A_8 : vector<1x1024xf32> to vector<128x1024xf32>
    %max3A_340 = arith.maximumf %max3A_338, %max3A_339 : vector<128x1024xf32>
    %min3A_341 = vector.broadcast %get3A_326 : vector<128x1xf32> to vector<128x1024xf32>
    %min3A_342 = vector.broadcast %get3A_13 : vector<1x1024xf32> to vector<128x1024xf32>
    %min3A_343 = arith.minimumf %min3A_341, %min3A_342 : vector<128x1024xf32>
    %min3A_344 = vector.broadcast %get3A_331 : vector<128x1xf32> to vector<128x1024xf32>
    %min3A_345 = vector.broadcast %get3A_18 : vector<1x1024xf32> to vector<128x1024xf32>
    %min3A_346 = arith.minimumf %min3A_344, %min3A_345 : vector<128x1024xf32>
    %sub3A_347 = arith.subf %min3A_343, %max3A_337 : vector<128x1024xf32>
    %max3A_348 = arith.constant 0.000000e+00 : f32
    %max3A_349 = vector.broadcast %max3A_348 : f32 to vector<128x1024xf32>
    %max3A_350 = arith.maximumf %sub3A_347, %max3A_349 : vector<128x1024xf32>
    %sub3A_351 = arith.subf %min3A_346, %max3A_340 : vector<128x1024xf32>
    %max3A_352 = arith.constant 0.000000e+00 : f32
    %max3A_353 = vector.broadcast %max3A_352 : f32 to vector<128x1024xf32>
    %max3A_354 = arith.maximumf %sub3A_351, %max3A_353 : vector<128x1024xf32>
    %mul3A_355 = arith.mulf %max3A_350, %max3A_354 : vector<128x1024xf32>
    %add3A_356 = vector.broadcast %mul3A_334 : vector<128x1xf32> to vector<128x1024xf32>
    %add3A_357 = vector.broadcast %mul3A : vector<1x1024xf32> to vector<128x1024xf32>
    %add3A_358 = arith.addf %add3A_356, %add3A_357 : vector<128x1024xf32>
    %sub3A_359 = arith.subf %add3A_358, %mul3A_355 : vector<128x1024xf32>
    %gt3A_360 = arith.constant 0.000000e+00 : f32
    %gt3A_361 = vector.broadcast %gt3A_360 : f32 to vector<128x1024xf32>
    %gt3A_362 = arith.cmpf ogt, %sub3A_359, %gt3A_361 : vector<128x1024xf32>
    %div3A_363 = arith.divf %mul3A_355, %sub3A_359 : vector<128x1024xf32>
    %jit3A_364 = arith.constant 0.000000e+00 : f32
    %broadcast_in_dim3A_365 = vector.broadcast %jit3A_364 : f32 to vector<128x1024xf32>
    %select_n3A_366 = arith.select %gt3A_362, %div3A_363, %broadcast_in_dim3A_365 : vector<128x1024xi1>, vector<128x1024xf32>
    %iota3A_367 = tpu.iota {dimensions = array<i32: 0>} : vector<128x1024xi32>
    %iota3A_368 = tpu.iota {dimensions = array<i32: 1>} : vector<128x1024xi32>
    %gt3A_369 = arith.constant 5.000000e-01 : f32
    %gt3A_370 = vector.broadcast %gt3A_369 : f32 to vector<128x1024xf32>
    %gt3A_371 = arith.cmpf ogt, %select_n3A_366, %gt3A_370 : vector<128x1024xf32>
    %add3A_372 = arith.constant 512 : i32
    %add3A_373 = vector.broadcast %add3A_372 : i32 to vector<128x1024xi32>
    %add3A_374 = arith.addi %iota3A_367, %add3A_373 : vector<128x1024xi32>
    %lt3A_375 = arith.cmpi slt, %add3A_374, %iota3A_368 : vector<128x1024xi32>
    %and3A_376 = arith.andi %gt3A_371, %lt3A_375 : vector<128x1024xi1>
    %convert_element_type3A_377 = arith.extui %and3A_376 : vector<128x1024xi1> to vector<128x1024xi32>
    %convert_element_type3A_378 = arith.sitofp %convert_element_type3A_377 : vector<128x1024xi32> to vector<128x1024xf32>
    %swap3A_379 = arith.constant 0 : index
    %swap3A_380 = arith.constant 512 : index
    %swap3A_381 = arith.constant 0 : index
    %swap3A_382 = vector.load %arg4[%swap3A_379, %swap3A_380, %swap3A_381] : memref<4x1024x1024xf32, #tpu.memory_space<vmem>>, vector<1x128x1024xf32>
    %swap3A_383 = vector.shape_cast %swap3A_382 : vector<1x128x1024xf32> to vector<128x1024xf32>
    %swap3A_384 = vector.shape_cast %convert_element_type3A_378 : vector<128x1024xf32> to vector<1x128x1024xf32>
    tpu.vector_store %arg4[%swap3A_379, %swap3A_380, %swap3A_381], %swap3A_384 {strides = array<i32>} : memref<4x1024x1024xf32, #tpu.memory_space<vmem>>, vector<1x128x1024xf32>,
    %get3A_385 = arith.constant 0 : index
    %get3A_386 = arith.constant 640 : index
    %get3A_387 = arith.constant 0 : index
    %get3A_388 = vector.load %arg2[%get3A_385, %get3A_386, %get3A_387] : memref<4x1024x128xf32, #tpu.memory_space<vmem>>, vector<1x128x1xf32>
    %get3A_389 = vector.shape_cast %get3A_388 : vector<1x128x1xf32> to vector<128x1xf32>
    %get3A_390 = arith.constant 0 : index
    %get3A_391 = arith.constant 640 : index
    %get3A_392 = arith.constant 1 : index
    %get3A_393 = vector.load %arg2[%get3A_390, %get3A_391, %get3A_392] : memref<4x1024x128xf32, #tpu.memory_space<vmem>>, vector<1x128x1xf32>
    %get3A_394 = vector.shape_cast %get3A_393 : vector<1x128x1xf32> to vector<128x1xf32>
    %get3A_395 = arith.constant 0 : index
    %get3A_396 = arith.constant 640 : index
    %get3A_397 = arith.constant 2 : index
    %get3A_398 = vector.load %arg2[%get3A_395, %get3A_396, %get3A_397] : memref<4x1024x128xf32, #tpu.memory_space<vmem>>, vector<1x128x1xf32>
    %get3A_399 = vector.shape_cast %get3A_398 : vector<1x128x1xf32> to vector<128x1xf32>
    %get3A_400 = arith.constant 0 : index
    %get3A_401 = arith.constant 640 : index
    %get3A_402 = arith.constant 3 : index
    %get3A_403 = vector.load %arg2[%get3A_400, %get3A_401, %get3A_402] : memref<4x1024x128xf32, #tpu.memory_space<vmem>>, vector<1x128x1xf32>
    %get3A_404 = vector.shape_cast %get3A_403 : vector<1x128x1xf32> to vector<128x1xf32>
    %sub3A_405 = arith.subf %get3A_399, %get3A_389 : vector<128x1xf32>
    %sub3A_406 = arith.subf %get3A_404, %get3A_394 : vector<128x1xf32>
    %mul3A_407 = arith.mulf %sub3A_405, %sub3A_406 : vector<128x1xf32>
    %max3A_408 = vector.broadcast %get3A_389 : vector<128x1xf32> to vector<128x1024xf32>
    %max3A_409 = vector.broadcast %get3A_3 : vector<1x1024xf32> to vector<128x1024xf32>
    %max3A_410 = arith.maximumf %max3A_408, %max3A_409 : vector<128x1024xf32>
    %max3A_411 = vector.broadcast %get3A_394 : vector<128x1xf32> to vector<128x1024xf32>
    %max3A_412 = vector.broadcast %get3A_8 : vector<1x1024xf32> to vector<128x1024xf32>
    %max3A_413 = arith.maximumf %max3A_411, %max3A_412 : vector<128x1024xf32>
    %min3A_414 = vector.broadcast %get3A_399 : vector<128x1xf32> to vector<128x1024xf32>
    %min3A_415 = vector.broadcast %get3A_13 : vector<1x1024xf32> to vector<128x1024xf32>
    %min3A_416 = arith.minimumf %min3A_414, %min3A_415 : vector<128x1024xf32>
    %min3A_417 = vector.broadcast %get3A_404 : vector<128x1xf32> to vector<128x1024xf32>
    %min3A_418 = vector.broadcast %get3A_18 : vector<1x1024xf32> to vector<128x1024xf32>
    %min3A_419 = arith.minimumf %min3A_417, %min3A_418 : vector<128x1024xf32>
    %sub3A_420 = arith.subf %min3A_416, %max3A_410 : vector<128x1024xf32>
    %max3A_421 = arith.constant 0.000000e+00 : f32
    %max3A_422 = vector.broadcast %max3A_421 : f32 to vector<128x1024xf32>
    %max3A_423 = arith.maximumf %sub3A_420, %max3A_422 : vector<128x1024xf32>
    %sub3A_424 = arith.subf %min3A_419, %max3A_413 : vector<128x1024xf32>
    %max3A_425 = arith.constant 0.000000e+00 : f32
    %max3A_426 = vector.broadcast %max3A_425 : f32 to vector<128x1024xf32>
    %max3A_427 = arith.maximumf %sub3A_424, %max3A_426 : vector<128x1024xf32>
    %mul3A_428 = arith.mulf %max3A_423, %max3A_427 : vector<128x1024xf32>
    %add3A_429 = vector.broadcast %mul3A_407 : vector<128x1xf32> to vector<128x1024xf32>
    %add3A_430 = vector.broadcast %mul3A : vector<1x1024xf32> to vector<128x1024xf32>
    %add3A_431 = arith.addf %add3A_429, %add3A_430 : vector<128x1024xf32>
    %sub3A_432 = arith.subf %add3A_431, %mul3A_428 : vector<128x1024xf32>
    %gt3A_433 = arith.constant 0.000000e+00 : f32
    %gt3A_434 = vector.broadcast %gt3A_433 : f32 to vector<128x1024xf32>
    %gt3A_435 = arith.cmpf ogt, %sub3A_432, %gt3A_434 : vector<128x1024xf32>
    %div3A_436 = arith.divf %mul3A_428, %sub3A_432 : vector<128x1024xf32>
    %jit3A_437 = arith.constant 0.000000e+00 : f32
    %broadcast_in_dim3A_438 = vector.broadcast %jit3A_437 : f32 to vector<128x1024xf32>
    %select_n3A_439 = arith.select %gt3A_435, %div3A_436, %broadcast_in_dim3A_438 : vector<128x1024xi1>, vector<128x1024xf32>
    %iota3A_440 = tpu.iota {dimensions = array<i32: 0>} : vector<128x1024xi32>
    %iota3A_441 = tpu.iota {dimensions = array<i32: 1>} : vector<128x1024xi32>
    %gt3A_442 = arith.constant 5.000000e-01 : f32
    %gt3A_443 = vector.broadcast %gt3A_442 : f32 to vector<128x1024xf32>
    %gt3A_444 = arith.cmpf ogt, %select_n3A_439, %gt3A_443 : vector<128x1024xf32>
    %add3A_445 = arith.constant 640 : i32
    %add3A_446 = vector.broadcast %add3A_445 : i32 to vector<128x1024xi32>
    %add3A_447 = arith.addi %iota3A_440, %add3A_446 : vector<128x1024xi32>
    %lt3A_448 = arith.cmpi slt, %add3A_447, %iota3A_441 : vector<128x1024xi32>
    %and3A_449 = arith.andi %gt3A_444, %lt3A_448 : vector<128x1024xi1>
    %convert_element_type3A_450 = arith.extui %and3A_449 : vector<128x1024xi1> to vector<128x1024xi32>
    %convert_element_type3A_451 = arith.sitofp %convert_element_type3A_450 : vector<128x1024xi32> to vector<128x1024xf32>
    %swap3A_452 = arith.constant 0 : index
    %swap3A_453 = arith.constant 640 : index
    %swap3A_454 = arith.constant 0 : index
    %swap3A_455 = vector.load %arg4[%swap3A_452, %swap3A_453, %swap3A_454] : memref<4x1024x1024xf32, #tpu.memory_space<vmem>>, vector<1x128x1024xf32>
    %swap3A_456 = vector.shape_cast %swap3A_455 : vector<1x128x1024xf32> to vector<128x1024xf32>
    %swap3A_457 = vector.shape_cast %convert_element_type3A_451 : vector<128x1024xf32> to vector<1x128x1024xf32>
    tpu.vector_store %arg4[%swap3A_452, %swap3A_453, %swap3A_454], %swap3A_457 {strides = array<i32>} : memref<4x1024x1024xf32, #tpu.memory_space<vmem>>, vector<1x128x1024xf32>,
    %get3A_458 = arith.constant 0 : index
    %get3A_459 = arith.constant 768 : index
    %get3A_460 = arith.constant 0 : index
    %get3A_461 = vector.load %arg2[%get3A_458, %get3A_459, %get3A_460] : memref<4x1024x128xf32, #tpu.memory_space<vmem>>, vector<1x128x1xf32>
    %get3A_462 = vector.shape_cast %get3A_461 : vector<1x128x1xf32> to vector<128x1xf32>
    %get3A_463 = arith.constant 0 : index
    %get3A_464 = arith.constant 768 : index
    %get3A_465 = arith.constant 1 : index
    %get3A_466 = vector.load %arg2[%get3A_463, %get3A_464, %get3A_465] : memref<4x1024x128xf32, #tpu.memory_space<vmem>>, vector<1x128x1xf32>
    %get3A_467 = vector.shape_cast %get3A_466 : vector<1x128x1xf32> to vector<128x1xf32>
    %get3A_468 = arith.constant 0 : index
    %get3A_469 = arith.constant 768 : index
    %get3A_470 = arith.constant 2 : index
    %get3A_471 = vector.load %arg2[%get3A_468, %get3A_469, %get3A_470] : memref<4x1024x128xf32, #tpu.memory_space<vmem>>, vector<1x128x1xf32>
    %get3A_472 = vector.shape_cast %get3A_471 : vector<1x128x1xf32> to vector<128x1xf32>
    %get3A_473 = arith.constant 0 : index
    %get3A_474 = arith.constant 768 : index
    %get3A_475 = arith.constant 3 : index
    %get3A_476 = vector.load %arg2[%get3A_473, %get3A_474, %get3A_475] : memref<4x1024x128xf32, #tpu.memory_space<vmem>>, vector<1x128x1xf32>
    %get3A_477 = vector.shape_cast %get3A_476 : vector<1x128x1xf32> to vector<128x1xf32>
    %sub3A_478 = arith.subf %get3A_472, %get3A_462 : vector<128x1xf32>
    %sub3A_479 = arith.subf %get3A_477, %get3A_467 : vector<128x1xf32>
    %mul3A_480 = arith.mulf %sub3A_478, %sub3A_479 : vector<128x1xf32>
    %max3A_481 = vector.broadcast %get3A_462 : vector<128x1xf32> to vector<128x1024xf32>
    %max3A_482 = vector.broadcast %get3A_3 : vector<1x1024xf32> to vector<128x1024xf32>
    %max3A_483 = arith.maximumf %max3A_481, %max3A_482 : vector<128x1024xf32>
    %max3A_484 = vector.broadcast %get3A_467 : vector<128x1xf32> to vector<128x1024xf32>
    %max3A_485 = vector.broadcast %get3A_8 : vector<1x1024xf32> to vector<128x1024xf32>
    %max3A_486 = arith.maximumf %max3A_484, %max3A_485 : vector<128x1024xf32>
    %min3A_487 = vector.broadcast %get3A_472 : vector<128x1xf32> to vector<128x1024xf32>
    %min3A_488 = vector.broadcast %get3A_13 : vector<1x1024xf32> to vector<128x1024xf32>
    %min3A_489 = arith.minimumf %min3A_487, %min3A_488 : vector<128x1024xf32>
    %min3A_490 = vector.broadcast %get3A_477 : vector<128x1xf32> to vector<128x1024xf32>
    %min3A_491 = vector.broadcast %get3A_18 : vector<1x1024xf32> to vector<128x1024xf32>
    %min3A_492 = arith.minimumf %min3A_490, %min3A_491 : vector<128x1024xf32>
    %sub3A_493 = arith.subf %min3A_489, %max3A_483 : vector<128x1024xf32>
    %max3A_494 = arith.constant 0.000000e+00 : f32
    %max3A_495 = vector.broadcast %max3A_494 : f32 to vector<128x1024xf32>
    %max3A_496 = arith.maximumf %sub3A_493, %max3A_495 : vector<128x1024xf32>
    %sub3A_497 = arith.subf %min3A_492, %max3A_486 : vector<128x1024xf32>
    %max3A_498 = arith.constant 0.000000e+00 : f32
    %max3A_499 = vector.broadcast %max3A_498 : f32 to vector<128x1024xf32>
    %max3A_500 = arith.maximumf %sub3A_497, %max3A_499 : vector<128x1024xf32>
    %mul3A_501 = arith.mulf %max3A_496, %max3A_500 : vector<128x1024xf32>
    %add3A_502 = vector.broadcast %mul3A_480 : vector<128x1xf32> to vector<128x1024xf32>
    %add3A_503 = vector.broadcast %mul3A : vector<1x1024xf32> to vector<128x1024xf32>
    %add3A_504 = arith.addf %add3A_502, %add3A_503 : vector<128x1024xf32>
    %sub3A_505 = arith.subf %add3A_504, %mul3A_501 : vector<128x1024xf32>
    %gt3A_506 = arith.constant 0.000000e+00 : f32
    %gt3A_507 = vector.broadcast %gt3A_506 : f32 to vector<128x1024xf32>
    %gt3A_508 = arith.cmpf ogt, %sub3A_505, %gt3A_507 : vector<128x1024xf32>
    %div3A_509 = arith.divf %mul3A_501, %sub3A_505 : vector<128x1024xf32>
    %jit3A_510 = arith.constant 0.000000e+00 : f32
    %broadcast_in_dim3A_511 = vector.broadcast %jit3A_510 : f32 to vector<128x1024xf32>
    %select_n3A_512 = arith.select %gt3A_508, %div3A_509, %broadcast_in_dim3A_511 : vector<128x1024xi1>, vector<128x1024xf32>
    %iota3A_513 = tpu.iota {dimensions = array<i32: 0>} : vector<128x1024xi32>
    %iota3A_514 = tpu.iota {dimensions = array<i32: 1>} : vector<128x1024xi32>
    %gt3A_515 = arith.constant 5.000000e-01 : f32
    %gt3A_516 = vector.broadcast %gt3A_515 : f32 to vector<128x1024xf32>
    %gt3A_517 = arith.cmpf ogt, %select_n3A_512, %gt3A_516 : vector<128x1024xf32>
    %add3A_518 = arith.constant 768 : i32
    %add3A_519 = vector.broadcast %add3A_518 : i32 to vector<128x1024xi32>
    %add3A_520 = arith.addi %iota3A_513, %add3A_519 : vector<128x1024xi32>
    %lt3A_521 = arith.cmpi slt, %add3A_520, %iota3A_514 : vector<128x1024xi32>
    %and3A_522 = arith.andi %gt3A_517, %lt3A_521 : vector<128x1024xi1>
    %convert_element_type3A_523 = arith.extui %and3A_522 : vector<128x1024xi1> to vector<128x1024xi32>
    %convert_element_type3A_524 = arith.sitofp %convert_element_type3A_523 : vector<128x1024xi32> to vector<128x1024xf32>
    %swap3A_525 = arith.constant 0 : index
    %swap3A_526 = arith.constant 768 : index
    %swap3A_527 = arith.constant 0 : index
    %swap3A_528 = vector.load %arg4[%swap3A_525, %swap3A_526, %swap3A_527] : memref<4x1024x1024xf32, #tpu.memory_space<vmem>>, vector<1x128x1024xf32>
    %swap3A_529 = vector.shape_cast %swap3A_528 : vector<1x128x1024xf32> to vector<128x1024xf32>
    %swap3A_530 = vector.shape_cast %convert_element_type3A_524 : vector<128x1024xf32> to vector<1x128x1024xf32>
    tpu.vector_store %arg4[%swap3A_525, %swap3A_526, %swap3A_527], %swap3A_530 {strides = array<i32>} : memref<4x1024x1024xf32, #tpu.memory_space<vmem>>, vector<1x128x1024xf32>,
    %get3A_531 = arith.constant 0 : index
    %get3A_532 = arith.constant 896 : index
    %get3A_533 = arith.constant 0 : index
    %get3A_534 = vector.load %arg2[%get3A_531, %get3A_532, %get3A_533] : memref<4x1024x128xf32, #tpu.memory_space<vmem>>, vector<1x128x1xf32>
    %get3A_535 = vector.shape_cast %get3A_534 : vector<1x128x1xf32> to vector<128x1xf32>
    %get3A_536 = arith.constant 0 : index
    %get3A_537 = arith.constant 896 : index
    %get3A_538 = arith.constant 1 : index
    %get3A_539 = vector.load %arg2[%get3A_536, %get3A_537, %get3A_538] : memref<4x1024x128xf32, #tpu.memory_space<vmem>>, vector<1x128x1xf32>
    %get3A_540 = vector.shape_cast %get3A_539 : vector<1x128x1xf32> to vector<128x1xf32>
    %get3A_541 = arith.constant 0 : index
    %get3A_542 = arith.constant 896 : index
    %get3A_543 = arith.constant 2 : index
    %get3A_544 = vector.load %arg2[%get3A_541, %get3A_542, %get3A_543] : memref<4x1024x128xf32, #tpu.memory_space<vmem>>, vector<1x128x1xf32>
    %get3A_545 = vector.shape_cast %get3A_544 : vector<1x128x1xf32> to vector<128x1xf32>
    %get3A_546 = arith.constant 0 : index
    %get3A_547 = arith.constant 896 : index
    %get3A_548 = arith.constant 3 : index
    %get3A_549 = vector.load %arg2[%get3A_546, %get3A_547, %get3A_548] : memref<4x1024x128xf32, #tpu.memory_space<vmem>>, vector<1x128x1xf32>
    %get3A_550 = vector.shape_cast %get3A_549 : vector<1x128x1xf32> to vector<128x1xf32>
    %sub3A_551 = arith.subf %get3A_545, %get3A_535 : vector<128x1xf32>
    %sub3A_552 = arith.subf %get3A_550, %get3A_540 : vector<128x1xf32>
    %mul3A_553 = arith.mulf %sub3A_551, %sub3A_552 : vector<128x1xf32>
    %max3A_554 = vector.broadcast %get3A_535 : vector<128x1xf32> to vector<128x1024xf32>
    %max3A_555 = vector.broadcast %get3A_3 : vector<1x1024xf32> to vector<128x1024xf32>
    %max3A_556 = arith.maximumf %max3A_554, %max3A_555 : vector<128x1024xf32>
    %max3A_557 = vector.broadcast %get3A_540 : vector<128x1xf32> to vector<128x1024xf32>
    %max3A_558 = vector.broadcast %get3A_8 : vector<1x1024xf32> to vector<128x1024xf32>
    %max3A_559 = arith.maximumf %max3A_557, %max3A_558 : vector<128x1024xf32>
    %min3A_560 = vector.broadcast %get3A_545 : vector<128x1xf32> to vector<128x1024xf32>
    %min3A_561 = vector.broadcast %get3A_13 : vector<1x1024xf32> to vector<128x1024xf32>
    %min3A_562 = arith.minimumf %min3A_560, %min3A_561 : vector<128x1024xf32>
    %min3A_563 = vector.broadcast %get3A_550 : vector<128x1xf32> to vector<128x1024xf32>
    %min3A_564 = vector.broadcast %get3A_18 : vector<1x1024xf32> to vector<128x1024xf32>
    %min3A_565 = arith.minimumf %min3A_563, %min3A_564 : vector<128x1024xf32>
    %sub3A_566 = arith.subf %min3A_562, %max3A_556 : vector<128x1024xf32>
    %max3A_567 = arith.constant 0.000000e+00 : f32
    %max3A_568 = vector.broadcast %max3A_567 : f32 to vector<128x1024xf32>
    %max3A_569 = arith.maximumf %sub3A_566, %max3A_568 : vector<128x1024xf32>
    %sub3A_570 = arith.subf %min3A_565, %max3A_559 : vector<128x1024xf32>
    %max3A_571 = arith.constant 0.000000e+00 : f32
    %max3A_572 = vector.broadcast %max3A_571 : f32 to vector<128x1024xf32>
    %max3A_573 = arith.maximumf %sub3A_570, %max3A_572 : vector<128x1024xf32>
    %mul3A_574 = arith.mulf %max3A_569, %max3A_573 : vector<128x1024xf32>
    %add3A_575 = vector.broadcast %mul3A_553 : vector<128x1xf32> to vector<128x1024xf32>
    %add3A_576 = vector.broadcast %mul3A : vector<1x1024xf32> to vector<128x1024xf32>
    %add3A_577 = arith.addf %add3A_575, %add3A_576 : vector<128x1024xf32>
    %sub3A_578 = arith.subf %add3A_577, %mul3A_574 : vector<128x1024xf32>
    %gt3A_579 = arith.constant 0.000000e+00 : f32
    %gt3A_580 = vector.broadcast %gt3A_579 : f32 to vector<128x1024xf32>
    %gt3A_581 = arith.cmpf ogt, %sub3A_578, %gt3A_580 : vector<128x1024xf32>
    %div3A_582 = arith.divf %mul3A_574, %sub3A_578 : vector<128x1024xf32>
    %jit3A_583 = arith.constant 0.000000e+00 : f32
    %broadcast_in_dim3A_584 = vector.broadcast %jit3A_583 : f32 to vector<128x1024xf32>
    %select_n3A_585 = arith.select %gt3A_581, %div3A_582, %broadcast_in_dim3A_584 : vector<128x1024xi1>, vector<128x1024xf32>
    %iota3A_586 = tpu.iota {dimensions = array<i32: 0>} : vector<128x1024xi32>
    %iota3A_587 = tpu.iota {dimensions = array<i32: 1>} : vector<128x1024xi32>
    %gt3A_588 = arith.constant 5.000000e-01 : f32
    %gt3A_589 = vector.broadcast %gt3A_588 : f32 to vector<128x1024xf32>
    %gt3A_590 = arith.cmpf ogt, %select_n3A_585, %gt3A_589 : vector<128x1024xf32>
    %add3A_591 = arith.constant 896 : i32
    %add3A_592 = vector.broadcast %add3A_591 : i32 to vector<128x1024xi32>
    %add3A_593 = arith.addi %iota3A_586, %add3A_592 : vector<128x1024xi32>
    %lt3A_594 = arith.cmpi slt, %add3A_593, %iota3A_587 : vector<128x1024xi32>
    %and3A_595 = arith.andi %gt3A_590, %lt3A_594 : vector<128x1024xi1>
    %convert_element_type3A_596 = arith.extui %and3A_595 : vector<128x1024xi1> to vector<128x1024xi32>
    %convert_element_type3A_597 = arith.sitofp %convert_element_type3A_596 : vector<128x1024xi32> to vector<128x1024xf32>
    %swap3A_598 = arith.constant 0 : index
    %swap3A_599 = arith.constant 896 : index
    %swap3A_600 = arith.constant 0 : index
    %swap3A_601 = vector.load %arg4[%swap3A_598, %swap3A_599, %swap3A_600] : memref<4x1024x1024xf32, #tpu.memory_space<vmem>>, vector<1x128x1024xf32>
    %swap3A_602 = vector.shape_cast %swap3A_601 : vector<1x128x1024xf32> to vector<128x1024xf32>
    %swap3A_603 = vector.shape_cast %convert_element_type3A_597 : vector<128x1024xf32> to vector<1x128x1024xf32>
    tpu.vector_store %arg4[%swap3A_598, %swap3A_599, %swap3A_600], %swap3A_603 {strides = array<i32>} : memref<4x1024x1024xf32, #tpu.memory_space<vmem>>, vector<1x128x1024xf32>,
    %get3A_604 = arith.constant 1 : index
    %get3A_605 = arith.constant 0 : index
    %get3A_606 = arith.constant 0 : index
    %get3A_607 = vector.load %arg1[%get3A_604, %get3A_605, %get3A_606] : memref<4x8x1024xf32, #tpu.memory_space<vmem>>, vector<1x1x1024xf32>
    %get3A_608 = vector.shape_cast %get3A_607 : vector<1x1x1024xf32> to vector<1x1024xf32>
    %get3A_609 = arith.constant 1 : index
    %get3A_610 = arith.constant 1 : index
    %get3A_611 = arith.constant 0 : index
    %get3A_612 = vector.load %arg1[%get3A_609, %get3A_610, %get3A_611] : memref<4x8x1024xf32, #tpu.memory_space<vmem>>, vector<1x1x1024xf32>
    %get3A_613 = vector.shape_cast %get3A_612 : vector<1x1x1024xf32> to vector<1x1024xf32>
    %get3A_614 = arith.constant 1 : index
    %get3A_615 = arith.constant 2 : index
    %get3A_616 = arith.constant 0 : index
    %get3A_617 = vector.load %arg1[%get3A_614, %get3A_615, %get3A_616] : memref<4x8x1024xf32, #tpu.memory_space<vmem>>, vector<1x1x1024xf32>
    %get3A_618 = vector.shape_cast %get3A_617 : vector<1x1x1024xf32> to vector<1x1024xf32>
    %get3A_619 = arith.constant 1 : index
    %get3A_620 = arith.constant 3 : index
    %get3A_621 = arith.constant 0 : index
    %get3A_622 = vector.load %arg1[%get3A_619, %get3A_620, %get3A_621] : memref<4x8x1024xf32, #tpu.memory_space<vmem>>, vector<1x1x1024xf32>
    %get3A_623 = vector.shape_cast %get3A_622 : vector<1x1x1024xf32> to vector<1x1024xf32>
    %get3A_624 = arith.constant 1 : index
    %get3A_625 = arith.constant 5 : index
    %get3A_626 = arith.constant 0 : index
    %get3A_627 = vector.load %arg1[%get3A_624, %get3A_625, %get3A_626] : memref<4x8x1024xf32, #tpu.memory_space<vmem>>, vector<1x1x1024xf32>
    %get3A_628 = vector.shape_cast %get3A_627 : vector<1x1x1024xf32> to vector<1x1024xf32>
    %sub3A_629 = arith.subf %get3A_618, %get3A_608 : vector<1x1024xf32>
    %sub3A_630 = arith.subf %get3A_623, %get3A_613 : vector<1x1024xf32>
    %mul3A_631 = arith.mulf %sub3A_629, %sub3A_630 : vector<1x1024xf32>
    %ge3A_632 = arith.constant 5.000000e-02 : f32
    %ge3A_633 = vector.broadcast %ge3A_632 : f32 to vector<1x1024xf32>
    %ge3A_634 = arith.cmpf oge, %get3A_628, %ge3A_633 : vector<1x1024xf32>
    %lt3A_635 = arith.cmpf olt, %get3A_608, %get3A_618 : vector<1x1024xf32>
    %and3A_636 = arith.andi %ge3A_634, %lt3A_635 : vector<1x1024xi1>
    %lt3A_637 = arith.cmpf olt, %get3A_613, %get3A_623 : vector<1x1024xf32>
    %and3A_638 = arith.andi %and3A_636, %lt3A_637 : vector<1x1024xi1>
    %convert_element_type3A_639 = arith.extui %and3A_638 : vector<1x1024xi1> to vector<1x1024xi32>
    %convert_element_type3A_640 = arith.sitofp %convert_element_type3A_639 : vector<1x1024xi32> to vector<1x1024xf32>
    %get3A_641 = arith.constant 1 : index
    %get3A_642 = arith.constant 0 : index
    %get3A_643 = arith.constant 0 : index
    %get3A_644 = vector.load %arg2[%get3A_641, %get3A_642, %get3A_643] : memref<4x1024x128xf32, #tpu.memory_space<vmem>>, vector<1x128x1xf32>
    %get3A_645 = vector.shape_cast %get3A_644 : vector<1x128x1xf32> to vector<128x1xf32>
    %get3A_646 = arith.constant 1 : index
    %get3A_647 = arith.constant 0 : index
    %get3A_648 = arith.constant 1 : index
    %get3A_649 = vector.load %arg2[%get3A_646, %get3A_647, %get3A_648] : memref<4x1024x128xf32, #tpu.memory_space<vmem>>, vector<1x128x1xf32>
    %get3A_650 = vector.shape_cast %get3A_649 : vector<1x128x1xf32> to vector<128x1xf32>
    %get3A_651 = arith.constant 1 : index
    %get3A_652 = arith.constant 0 : index
    %get3A_653 = arith.constant 2 : index
    %get3A_654 = vector.load %arg2[%get3A_651, %get3A_652, %get3A_653] : memref<4x1024x128xf32, #tpu.memory_space<vmem>>, vector<1x128x1xf32>
    %get3A_655 = vector.shape_cast %get3A_654 : vector<1x128x1xf32> to vector<128x1xf32>
    %get3A_656 = arith.constant 1 : index
    %get3A_657 = arith.constant 0 : index
    %get3A_658 = arith.constant 3 : index
    %get3A_659 = vector.load %arg2[%get3A_656, %get3A_657, %get3A_658] : memref<4x1024x128xf32, #tpu.memory_space<vmem>>, vector<1x128x1xf32>
    %get3A_660 = vector.shape_cast %get3A_659 : vector<1x128x1xf32> to vector<128x1xf32>
    %sub3A_661 = arith.subf %get3A_655, %get3A_645 : vector<128x1xf32>
    %sub3A_662 = arith.subf %get3A_660, %get3A_650 : vector<128x1xf32>
    %mul3A_663 = arith.mulf %sub3A_661, %sub3A_662 : vector<128x1xf32>
    %max3A_664 = vector.broadcast %get3A_645 : vector<128x1xf32> to vector<128x1024xf32>
    %max3A_665 = vector.broadcast %get3A_608 : vector<1x1024xf32> to vector<128x1024xf32>
    %max3A_666 = arith.maximumf %max3A_664, %max3A_665 : vector<128x1024xf32>
    %max3A_667 = vector.broadcast %get3A_650 : vector<128x1xf32> to vector<128x1024xf32>
    %max3A_668 = vector.broadcast %get3A_613 : vector<1x1024xf32> to vector<128x1024xf32>
    %max3A_669 = arith.maximumf %max3A_667, %max3A_668 : vector<128x1024xf32>
    %min3A_670 = vector.broadcast %get3A_655 : vector<128x1xf32> to vector<128x1024xf32>
    %min3A_671 = vector.broadcast %get3A_618 : vector<1x1024xf32> to vector<128x1024xf32>
    %min3A_672 = arith.minimumf %min3A_670, %min3A_671 : vector<128x1024xf32>
    %min3A_673 = vector.broadcast %get3A_660 : vector<128x1xf32> to vector<128x1024xf32>
    %min3A_674 = vector.broadcast %get3A_623 : vector<1x1024xf32> to vector<128x1024xf32>
    %min3A_675 = arith.minimumf %min3A_673, %min3A_674 : vector<128x1024xf32>
    %sub3A_676 = arith.subf %min3A_672, %max3A_666 : vector<128x1024xf32>
    %max3A_677 = arith.constant 0.000000e+00 : f32
    %max3A_678 = vector.broadcast %max3A_677 : f32 to vector<128x1024xf32>
    %max3A_679 = arith.maximumf %sub3A_676, %max3A_678 : vector<128x1024xf32>
    %sub3A_680 = arith.subf %min3A_675, %max3A_669 : vector<128x1024xf32>
    %max3A_681 = arith.constant 0.000000e+00 : f32
    %max3A_682 = vector.broadcast %max3A_681 : f32 to vector<128x1024xf32>
    %max3A_683 = arith.maximumf %sub3A_680, %max3A_682 : vector<128x1024xf32>
    %mul3A_684 = arith.mulf %max3A_679, %max3A_683 : vector<128x1024xf32>
    %add3A_685 = vector.broadcast %mul3A_663 : vector<128x1xf32> to vector<128x1024xf32>
    %add3A_686 = vector.broadcast %mul3A_631 : vector<1x1024xf32> to vector<128x1024xf32>
    %add3A_687 = arith.addf %add3A_685, %add3A_686 : vector<128x1024xf32>
    %sub3A_688 = arith.subf %add3A_687, %mul3A_684 : vector<128x1024xf32>
    %gt3A_689 = arith.constant 0.000000e+00 : f32
    %gt3A_690 = vector.broadcast %gt3A_689 : f32 to vector<128x1024xf32>
    %gt3A_691 = arith.cmpf ogt, %sub3A_688, %gt3A_690 : vector<128x1024xf32>
    %div3A_692 = arith.divf %mul3A_684, %sub3A_688 : vector<128x1024xf32>
    %jit3A_693 = arith.constant 0.000000e+00 : f32
    %broadcast_in_dim3A_694 = vector.broadcast %jit3A_693 : f32 to vector<128x1024xf32>
    %select_n3A_695 = arith.select %gt3A_691, %div3A_692, %broadcast_in_dim3A_694 : vector<128x1024xi1>, vector<128x1024xf32>
    %iota3A_696 = tpu.iota {dimensions = array<i32: 0>} : vector<128x1024xi32>
    %iota3A_697 = tpu.iota {dimensions = array<i32: 1>} : vector<128x1024xi32>
    %gt3A_698 = arith.constant 5.000000e-01 : f32
    %gt3A_699 = vector.broadcast %gt3A_698 : f32 to vector<128x1024xf32>
    %gt3A_700 = arith.cmpf ogt, %select_n3A_695, %gt3A_699 : vector<128x1024xf32>
    %add3A_701 = arith.constant 0 : i32
    %add3A_702 = vector.broadcast %add3A_701 : i32 to vector<128x1024xi32>
    %add3A_703 = arith.addi %iota3A_696, %add3A_702 : vector<128x1024xi32>
    %lt3A_704 = arith.cmpi slt, %add3A_703, %iota3A_697 : vector<128x1024xi32>
    %and3A_705 = arith.andi %gt3A_700, %lt3A_704 : vector<128x1024xi1>
    %convert_element_type3A_706 = arith.extui %and3A_705 : vector<128x1024xi1> to vector<128x1024xi32>
    %convert_element_type3A_707 = arith.sitofp %convert_element_type3A_706 : vector<128x1024xi32> to vector<128x1024xf32>
    %swap3A_708 = arith.constant 1 : index
    %swap3A_709 = arith.constant 0 : index
    %swap3A_710 = arith.constant 0 : index
    %swap3A_711 = vector.load %arg4[%swap3A_708, %swap3A_709, %swap3A_710] : memref<4x1024x1024xf32, #tpu.memory_space<vmem>>, vector<1x128x1024xf32>
    %swap3A_712 = vector.shape_cast %swap3A_711 : vector<1x128x1024xf32> to vector<128x1024xf32>
    %swap3A_713 = vector.shape_cast %convert_element_type3A_707 : vector<128x1024xf32> to vector<1x128x1024xf32>
    tpu.vector_store %arg4[%swap3A_708, %swap3A_709, %swap3A_710], %swap3A_713 {strides = array<i32>} : memref<4x1024x1024xf32, #tpu.memory_space<vmem>>, vector<1x128x1024xf32>,
    %get3A_714 = arith.constant 1 : index
    %get3A_715 = arith.constant 128 : index
    %get3A_716 = arith.constant 0 : index
    %get3A_717 = vector.load %arg2[%get3A_714, %get3A_715, %get3A_716] : memref<4x1024x128xf32, #tpu.memory_space<vmem>>, vector<1x128x1xf32>
    %get3A_718 = vector.shape_cast %get3A_717 : vector<1x128x1xf32> to vector<128x1xf32>
    %get3A_719 = arith.constant 1 : index
    %get3A_720 = arith.constant 128 : index
    %get3A_721 = arith.constant 1 : index
    %get3A_722 = vector.load %arg2[%get3A_719, %get3A_720, %get3A_721] : memref<4x1024x128xf32, #tpu.memory_space<vmem>>, vector<1x128x1xf32>
    %get3A_723 = vector.shape_cast %get3A_722 : vector<1x128x1xf32> to vector<128x1xf32>
    %get3A_724 = arith.constant 1 : index
    %get3A_725 = arith.constant 128 : index
    %get3A_726 = arith.constant 2 : index
    %get3A_727 = vector.load %arg2[%get3A_724, %get3A_725, %get3A_726] : memref<4x1024x128xf32, #tpu.memory_space<vmem>>, vector<1x128x1xf32>
    %get3A_728 = vector.shape_cast %get3A_727 : vector<1x128x1xf32> to vector<128x1xf32>
    %get3A_729 = arith.constant 1 : index
    %get3A_730 = arith.constant 128 : index
    %get3A_731 = arith.constant 3 : index
    %get3A_732 = vector.load %arg2[%get3A_729, %get3A_730, %get3A_731] : memref<4x1024x128xf32, #tpu.memory_space<vmem>>, vector<1x128x1xf32>
    %get3A_733 = vector.shape_cast %get3A_732 : vector<1x128x1xf32> to vector<128x1xf32>
    %sub3A_734 = arith.subf %get3A_728, %get3A_718 : vector<128x1xf32>
    %sub3A_735 = arith.subf %get3A_733, %get3A_723 : vector<128x1xf32>
    %mul3A_736 = arith.mulf %sub3A_734, %sub3A_735 : vector<128x1xf32>
    %max3A_737 = vector.broadcast %get3A_718 : vector<128x1xf32> to vector<128x1024xf32>
    %max3A_738 = vector.broadcast %get3A_608 : vector<1x1024xf32> to vector<128x1024xf32>
    %max3A_739 = arith.maximumf %max3A_737, %max3A_738 : vector<128x1024xf32>
    %max3A_740 = vector.broadcast %get3A_723 : vector<128x1xf32> to vector<128x1024xf32>
    %max3A_741 = vector.broadcast %get3A_613 : vector<1x1024xf32> to vector<128x1024xf32>
    %max3A_742 = arith.maximumf %max3A_740, %max3A_741 : vector<128x1024xf32>
    %min3A_743 = vector.broadcast %get3A_728 : vector<128x1xf32> to vector<128x1024xf32>
    %min3A_744 = vector.broadcast %get3A_618 : vector<1x1024xf32> to vector<128x1024xf32>
    %min3A_745 = arith.minimumf %min3A_743, %min3A_744 : vector<128x1024xf32>
    %min3A_746 = vector.broadcast %get3A_733 : vector<128x1xf32> to vector<128x1024xf32>
    %min3A_747 = vector.broadcast %get3A_623 : vector<1x1024xf32> to vector<128x1024xf32>
    %min3A_748 = arith.minimumf %min3A_746, %min3A_747 : vector<128x1024xf32>
    %sub3A_749 = arith.subf %min3A_745, %max3A_739 : vector<128x1024xf32>
    %max3A_750 = arith.constant 0.000000e+00 : f32
    %max3A_751 = vector.broadcast %max3A_750 : f32 to vector<128x1024xf32>
    %max3A_752 = arith.maximumf %sub3A_749, %max3A_751 : vector<128x1024xf32>
    %sub3A_753 = arith.subf %min3A_748, %max3A_742 : vector<128x1024xf32>
    %max3A_754 = arith.constant 0.000000e+00 : f32
    %max3A_755 = vector.broadcast %max3A_754 : f32 to vector<128x1024xf32>
    %max3A_756 = arith.maximumf %sub3A_753, %max3A_755 : vector<128x1024xf32>
    %mul3A_757 = arith.mulf %max3A_752, %max3A_756 : vector<128x1024xf32>
    %add3A_758 = vector.broadcast %mul3A_736 : vector<128x1xf32> to vector<128x1024xf32>
    %add3A_759 = vector.broadcast %mul3A_631 : vector<1x1024xf32> to vector<128x1024xf32>
    %add3A_760 = arith.addf %add3A_758, %add3A_759 : vector<128x1024xf32>
    %sub3A_761 = arith.subf %add3A_760, %mul3A_757 : vector<128x1024xf32>
    %gt3A_762 = arith.constant 0.000000e+00 : f32
    %gt3A_763 = vector.broadcast %gt3A_762 : f32 to vector<128x1024xf32>
    %gt3A_764 = arith.cmpf ogt, %sub3A_761, %gt3A_763 : vector<128x1024xf32>
    %div3A_765 = arith.divf %mul3A_757, %sub3A_761 : vector<128x1024xf32>
    %jit3A_766 = arith.constant 0.000000e+00 : f32
    %broadcast_in_dim3A_767 = vector.broadcast %jit3A_766 : f32 to vector<128x1024xf32>
    %select_n3A_768 = arith.select %gt3A_764, %div3A_765, %broadcast_in_dim3A_767 : vector<128x1024xi1>, vector<128x1024xf32>
    %iota3A_769 = tpu.iota {dimensions = array<i32: 0>} : vector<128x1024xi32>
    %iota3A_770 = tpu.iota {dimensions = array<i32: 1>} : vector<128x1024xi32>
    %gt3A_771 = arith.constant 5.000000e-01 : f32
    %gt3A_772 = vector.broadcast %gt3A_771 : f32 to vector<128x1024xf32>
    %gt3A_773 = arith.cmpf ogt, %select_n3A_768, %gt3A_772 : vector<128x1024xf32>
    %add3A_774 = arith.constant 128 : i32
    %add3A_775 = vector.broadcast %add3A_774 : i32 to vector<128x1024xi32>
    %add3A_776 = arith.addi %iota3A_769, %add3A_775 : vector<128x1024xi32>
    %lt3A_777 = arith.cmpi slt, %add3A_776, %iota3A_770 : vector<128x1024xi32>
    %and3A_778 = arith.andi %gt3A_773, %lt3A_777 : vector<128x1024xi1>
    %convert_element_type3A_779 = arith.extui %and3A_778 : vector<128x1024xi1> to vector<128x1024xi32>
    %convert_element_type3A_780 = arith.sitofp %convert_element_type3A_779 : vector<128x1024xi32> to vector<128x1024xf32>
    %swap3A_781 = arith.constant 1 : index
    %swap3A_782 = arith.constant 128 : index
    %swap3A_783 = arith.constant 0 : index
    %swap3A_784 = vector.load %arg4[%swap3A_781, %swap3A_782, %swap3A_783] : memref<4x1024x1024xf32, #tpu.memory_space<vmem>>, vector<1x128x1024xf32>
    %swap3A_785 = vector.shape_cast %swap3A_784 : vector<1x128x1024xf32> to vector<128x1024xf32>
    %swap3A_786 = vector.shape_cast %convert_element_type3A_780 : vector<128x1024xf32> to vector<1x128x1024xf32>
    tpu.vector_store %arg4[%swap3A_781, %swap3A_782, %swap3A_783], %swap3A_786 {strides = array<i32>} : memref<4x1024x1024xf32, #tpu.memory_space<vmem>>, vector<1x128x1024xf32>,
    %get3A_787 = arith.constant 1 : index
    %get3A_788 = arith.constant 256 : index
    %get3A_789 = arith.constant 0 : index
    %get3A_790 = vector.load %arg2[%get3A_787, %get3A_788, %get3A_789] : memref<4x1024x128xf32, #tpu.memory_space<vmem>>, vector<1x128x1xf32>
    %get3A_791 = vector.shape_cast %get3A_790 : vector<1x128x1xf32> to vector<128x1xf32>
    %get3A_792 = arith.constant 1 : index
    %get3A_793 = arith.constant 256 : index
    %get3A_794 = arith.constant 1 : index
    %get3A_795 = vector.load %arg2[%get3A_792, %get3A_793, %get3A_794] : memref<4x1024x128xf32, #tpu.memory_space<vmem>>, vector<1x128x1xf32>
    %get3A_796 = vector.shape_cast %get3A_795 : vector<1x128x1xf32> to vector<128x1xf32>
    %get3A_797 = arith.constant 1 : index
    %get3A_798 = arith.constant 256 : index
    %get3A_799 = arith.constant 2 : index
    %get3A_800 = vector.load %arg2[%get3A_797, %get3A_798, %get3A_799] : memref<4x1024x128xf32, #tpu.memory_space<vmem>>, vector<1x128x1xf32>
    %get3A_801 = vector.shape_cast %get3A_800 : vector<1x128x1xf32> to vector<128x1xf32>
    %get3A_802 = arith.constant 1 : index
    %get3A_803 = arith.constant 256 : index
    %get3A_804 = arith.constant 3 : index
    %get3A_805 = vector.load %arg2[%get3A_802, %get3A_803, %get3A_804] : memref<4x1024x128xf32, #tpu.memory_space<vmem>>, vector<1x128x1xf32>
    %get3A_806 = vector.shape_cast %get3A_805 : vector<1x128x1xf32> to vector<128x1xf32>
    %sub3A_807 = arith.subf %get3A_801, %get3A_791 : vector<128x1xf32>
    %sub3A_808 = arith.subf %get3A_806, %get3A_796 : vector<128x1xf32>
    %mul3A_809 = arith.mulf %sub3A_807, %sub3A_808 : vector<128x1xf32>
    %max3A_810 = vector.broadcast %get3A_791 : vector<128x1xf32> to vector<128x1024xf32>
    %max3A_811 = vector.broadcast %get3A_608 : vector<1x1024xf32> to vector<128x1024xf32>
    %max3A_812 = arith.maximumf %max3A_810, %max3A_811 : vector<128x1024xf32>
    %max3A_813 = vector.broadcast %get3A_796 : vector<128x1xf32> to vector<128x1024xf32>
    %max3A_814 = vector.broadcast %get3A_613 : vector<1x1024xf32> to vector<128x1024xf32>
    %max3A_815 = arith.maximumf %max3A_813, %max3A_814 : vector<128x1024xf32>
    %min3A_816 = vector.broadcast %get3A_801 : vector<128x1xf32> to vector<128x1024xf32>
    %min3A_817 = vector.broadcast %get3A_618 : vector<1x1024xf32> to vector<128x1024xf32>
    %min3A_818 = arith.minimumf %min3A_816, %min3A_817 : vector<128x1024xf32>
    %min3A_819 = vector.broadcast %get3A_806 : vector<128x1xf32> to vector<128x1024xf32>
    %min3A_820 = vector.broadcast %get3A_623 : vector<1x1024xf32> to vector<128x1024xf32>
    %min3A_821 = arith.minimumf %min3A_819, %min3A_820 : vector<128x1024xf32>
    %sub3A_822 = arith.subf %min3A_818, %max3A_812 : vector<128x1024xf32>
    %max3A_823 = arith.constant 0.000000e+00 : f32
    %max3A_824 = vector.broadcast %max3A_823 : f32 to vector<128x1024xf32>
    %max3A_825 = arith.maximumf %sub3A_822, %max3A_824 : vector<128x1024xf32>
    %sub3A_826 = arith.subf %min3A_821, %max3A_815 : vector<128x1024xf32>
    %max3A_827 = arith.constant 0.000000e+00 : f32
    %max3A_828 = vector.broadcast %max3A_827 : f32 to vector<128x1024xf32>
    %max3A_829 = arith.maximumf %sub3A_826, %max3A_828 : vector<128x1024xf32>
    %mul3A_830 = arith.mulf %max3A_825, %max3A_829 : vector<128x1024xf32>
    %add3A_831 = vector.broadcast %mul3A_809 : vector<128x1xf32> to vector<128x1024xf32>
    %add3A_832 = vector.broadcast %mul3A_631 : vector<1x1024xf32> to vector<128x1024xf32>
    %add3A_833 = arith.addf %add3A_831, %add3A_832 : vector<128x1024xf32>
    %sub3A_834 = arith.subf %add3A_833, %mul3A_830 : vector<128x1024xf32>
    %gt3A_835 = arith.constant 0.000000e+00 : f32
    %gt3A_836 = vector.broadcast %gt3A_835 : f32 to vector<128x1024xf32>
    %gt3A_837 = arith.cmpf ogt, %sub3A_834, %gt3A_836 : vector<128x1024xf32>
    %div3A_838 = arith.divf %mul3A_830, %sub3A_834 : vector<128x1024xf32>
    %jit3A_839 = arith.constant 0.000000e+00 : f32
    %broadcast_in_dim3A_840 = vector.broadcast %jit3A_839 : f32 to vector<128x1024xf32>
    %select_n3A_841 = arith.select %gt3A_837, %div3A_838, %broadcast_in_dim3A_840 : vector<128x1024xi1>, vector<128x1024xf32>
    %iota3A_842 = tpu.iota {dimensions = array<i32: 0>} : vector<128x1024xi32>
    %iota3A_843 = tpu.iota {dimensions = array<i32: 1>} : vector<128x1024xi32>
    %gt3A_844 = arith.constant 5.000000e-01 : f32
    %gt3A_845 = vector.broadcast %gt3A_844 : f32 to vector<128x1024xf32>
    %gt3A_846 = arith.cmpf ogt, %select_n3A_841, %gt3A_845 : vector<128x1024xf32>
    %add3A_847 = arith.constant 256 : i32
    %add3A_848 = vector.broadcast %add3A_847 : i32 to vector<128x1024xi32>
    %add3A_849 = arith.addi %iota3A_842, %add3A_848 : vector<128x1024xi32>
    %lt3A_850 = arith.cmpi slt, %add3A_849, %iota3A_843 : vector<128x1024xi32>
    %and3A_851 = arith.andi %gt3A_846, %lt3A_850 : vector<128x1024xi1>
    %convert_element_type3A_852 = arith.extui %and3A_851 : vector<128x1024xi1> to vector<128x1024xi32>
    %convert_element_type3A_853 = arith.sitofp %convert_element_type3A_852 : vector<128x1024xi32> to vector<128x1024xf32>
    %swap3A_854 = arith.constant 1 : index
    %swap3A_855 = arith.constant 256 : index
    %swap3A_856 = arith.constant 0 : index
    %swap3A_857 = vector.load %arg4[%swap3A_854, %swap3A_855, %swap3A_856] : memref<4x1024x1024xf32, #tpu.memory_space<vmem>>, vector<1x128x1024xf32>
    %swap3A_858 = vector.shape_cast %swap3A_857 : vector<1x128x1024xf32> to vector<128x1024xf32>
    %swap3A_859 = vector.shape_cast %convert_element_type3A_853 : vector<128x1024xf32> to vector<1x128x1024xf32>
    tpu.vector_store %arg4[%swap3A_854, %swap3A_855, %swap3A_856], %swap3A_859 {strides = array<i32>} : memref<4x1024x1024xf32, #tpu.memory_space<vmem>>, vector<1x128x1024xf32>,
    %get3A_860 = arith.constant 1 : index
    %get3A_861 = arith.constant 384 : index
    %get3A_862 = arith.constant 0 : index
    %get3A_863 = vector.load %arg2[%get3A_860, %get3A_861, %get3A_862] : memref<4x1024x128xf32, #tpu.memory_space<vmem>>, vector<1x128x1xf32>
    %get3A_864 = vector.shape_cast %get3A_863 : vector<1x128x1xf32> to vector<128x1xf32>
    %get3A_865 = arith.constant 1 : index
    %get3A_866 = arith.constant 384 : index
    %get3A_867 = arith.constant 1 : index
    %get3A_868 = vector.load %arg2[%get3A_865, %get3A_866, %get3A_867] : memref<4x1024x128xf32, #tpu.memory_space<vmem>>, vector<1x128x1xf32>
    %get3A_869 = vector.shape_cast %get3A_868 : vector<1x128x1xf32> to vector<128x1xf32>
    %get3A_870 = arith.constant 1 : index
    %get3A_871 = arith.constant 384 : index
    %get3A_872 = arith.constant 2 : index
    %get3A_873 = vector.load %arg2[%get3A_870, %get3A_871, %get3A_872] : memref<4x1024x128xf32, #tpu.memory_space<vmem>>, vector<1x128x1xf32>
    %get3A_874 = vector.shape_cast %get3A_873 : vector<1x128x1xf32> to vector<128x1xf32>
    %get3A_875 = arith.constant 1 : index
    %get3A_876 = arith.constant 384 : index
    %get3A_877 = arith.constant 3 : index
    %get3A_878 = vector.load %arg2[%get3A_875, %get3A_876, %get3A_877] : memref<4x1024x128xf32, #tpu.memory_space<vmem>>, vector<1x128x1xf32>
    %get3A_879 = vector.shape_cast %get3A_878 : vector<1x128x1xf32> to vector<128x1xf32>
    %sub3A_880 = arith.subf %get3A_874, %get3A_864 : vector<128x1xf32>
    %sub3A_881 = arith.subf %get3A_879, %get3A_869 : vector<128x1xf32>
    %mul3A_882 = arith.mulf %sub3A_880, %sub3A_881 : vector<128x1xf32>
    %max3A_883 = vector.broadcast %get3A_864 : vector<128x1xf32> to vector<128x1024xf32>
    %max3A_884 = vector.broadcast %get3A_608 : vector<1x1024xf32> to vector<128x1024xf32>
    %max3A_885 = arith.maximumf %max3A_883, %max3A_884 : vector<128x1024xf32>
    %max3A_886 = vector.broadcast %get3A_869 : vector<128x1xf32> to vector<128x1024xf32>
    %max3A_887 = vector.broadcast %get3A_613 : vector<1x1024xf32> to vector<128x1024xf32>
    %max3A_888 = arith.maximumf %max3A_886, %max3A_887 : vector<128x1024xf32>
    %min3A_889 = vector.broadcast %get3A_874 : vector<128x1xf32> to vector<128x1024xf32>
    %min3A_890 = vector.broadcast %get3A_618 : vector<1x1024xf32> to vector<128x1024xf32>
    %min3A_891 = arith.minimumf %min3A_889, %min3A_890 : vector<128x1024xf32>
    %min3A_892 = vector.broadcast %get3A_879 : vector<128x1xf32> to vector<128x1024xf32>
    %min3A_893 = vector.broadcast %get3A_623 : vector<1x1024xf32> to vector<128x1024xf32>
    %min3A_894 = arith.minimumf %min3A_892, %min3A_893 : vector<128x1024xf32>
    %sub3A_895 = arith.subf %min3A_891, %max3A_885 : vector<128x1024xf32>
    %max3A_896 = arith.constant 0.000000e+00 : f32
    %max3A_897 = vector.broadcast %max3A_896 : f32 to vector<128x1024xf32>
    %max3A_898 = arith.maximumf %sub3A_895, %max3A_897 : vector<128x1024xf32>
    %sub3A_899 = arith.subf %min3A_894, %max3A_888 : vector<128x1024xf32>
    %max3A_900 = arith.constant 0.000000e+00 : f32
    %max3A_901 = vector.broadcast %max3A_900 : f32 to vector<128x1024xf32>
    %max3A_902 = arith.maximumf %sub3A_899, %max3A_901 : vector<128x1024xf32>
    %mul3A_903 = arith.mulf %max3A_898, %max3A_902 : vector<128x1024xf32>
    %add3A_904 = vector.broadcast %mul3A_882 : vector<128x1xf32> to vector<128x1024xf32>
    %add3A_905 = vector.broadcast %mul3A_631 : vector<1x1024xf32> to vector<128x1024xf32>
    %add3A_906 = arith.addf %add3A_904, %add3A_905 : vector<128x1024xf32>
    %sub3A_907 = arith.subf %add3A_906, %mul3A_903 : vector<128x1024xf32>
    %gt3A_908 = arith.constant 0.000000e+00 : f32
    %gt3A_909 = vector.broadcast %gt3A_908 : f32 to vector<128x1024xf32>
    %gt3A_910 = arith.cmpf ogt, %sub3A_907, %gt3A_909 : vector<128x1024xf32>
    %div3A_911 = arith.divf %mul3A_903, %sub3A_907 : vector<128x1024xf32>
    %jit3A_912 = arith.constant 0.000000e+00 : f32
    %broadcast_in_dim3A_913 = vector.broadcast %jit3A_912 : f32 to vector<128x1024xf32>
    %select_n3A_914 = arith.select %gt3A_910, %div3A_911, %broadcast_in_dim3A_913 : vector<128x1024xi1>, vector<128x1024xf32>
    %iota3A_915 = tpu.iota {dimensions = array<i32: 0>} : vector<128x1024xi32>
    %iota3A_916 = tpu.iota {dimensions = array<i32: 1>} : vector<128x1024xi32>
    %gt3A_917 = arith.constant 5.000000e-01 : f32
    %gt3A_918 = vector.broadcast %gt3A_917 : f32 to vector<128x1024xf32>
    %gt3A_919 = arith.cmpf ogt, %select_n3A_914, %gt3A_918 : vector<128x1024xf32>
    %add3A_920 = arith.constant 384 : i32
    %add3A_921 = vector.broadcast %add3A_920 : i32 to vector<128x1024xi32>
    %add3A_922 = arith.addi %iota3A_915, %add3A_921 : vector<128x1024xi32>
    %lt3A_923 = arith.cmpi slt, %add3A_922, %iota3A_916 : vector<128x1024xi32>
    %and3A_924 = arith.andi %gt3A_919, %lt3A_923 : vector<128x1024xi1>
    %convert_element_type3A_925 = arith.extui %and3A_924 : vector<128x1024xi1> to vector<128x1024xi32>
    %convert_element_type3A_926 = arith.sitofp %convert_element_type3A_925 : vector<128x1024xi32> to vector<128x1024xf32>
    %swap3A_927 = arith.constant 1 : index
    %swap3A_928 = arith.constant 384 : index
    %swap3A_929 = arith.constant 0 : index
    %swap3A_930 = vector.load %arg4[%swap3A_927, %swap3A_928, %swap3A_929] : memref<4x1024x1024xf32, #tpu.memory_space<vmem>>, vector<1x128x1024xf32>
    %swap3A_931 = vector.shape_cast %swap3A_930 : vector<1x128x1024xf32> to vector<128x1024xf32>
    %swap3A_932 = vector.shape_cast %convert_element_type3A_926 : vector<128x1024xf32> to vector<1x128x1024xf32>
    tpu.vector_store %arg4[%swap3A_927, %swap3A_928, %swap3A_929], %swap3A_932 {strides = array<i32>} : memref<4x1024x1024xf32, #tpu.memory_space<vmem>>, vector<1x128x1024xf32>,
    %get3A_933 = arith.constant 1 : index
    %get3A_934 = arith.constant 512 : index
    %get3A_935 = arith.constant 0 : index
    %get3A_936 = vector.load %arg2[%get3A_933, %get3A_934, %get3A_935] : memref<4x1024x128xf32, #tpu.memory_space<vmem>>, vector<1x128x1xf32>
    %get3A_937 = vector.shape_cast %get3A_936 : vector<1x128x1xf32> to vector<128x1xf32>
    %get3A_938 = arith.constant 1 : index
    %get3A_939 = arith.constant 512 : index
    %get3A_940 = arith.constant 1 : index
    %get3A_941 = vector.load %arg2[%get3A_938, %get3A_939, %get3A_940] : memref<4x1024x128xf32, #tpu.memory_space<vmem>>, vector<1x128x1xf32>
    %get3A_942 = vector.shape_cast %get3A_941 : vector<1x128x1xf32> to vector<128x1xf32>
    %get3A_943 = arith.constant 1 : index
    %get3A_944 = arith.constant 512 : index
    %get3A_945 = arith.constant 2 : index
    %get3A_946 = vector.load %arg2[%get3A_943, %get3A_944, %get3A_945] : memref<4x1024x128xf32, #tpu.memory_space<vmem>>, vector<1x128x1xf32>
    %get3A_947 = vector.shape_cast %get3A_946 : vector<1x128x1xf32> to vector<128x1xf32>
    %get3A_948 = arith.constant 1 : index
    %get3A_949 = arith.constant 512 : index
    %get3A_950 = arith.constant 3 : index
    %get3A_951 = vector.load %arg2[%get3A_948, %get3A_949, %get3A_950] : memref<4x1024x128xf32, #tpu.memory_space<vmem>>, vector<1x128x1xf32>
    %get3A_952 = vector.shape_cast %get3A_951 : vector<1x128x1xf32> to vector<128x1xf32>
    %sub3A_953 = arith.subf %get3A_947, %get3A_937 : vector<128x1xf32>
    %sub3A_954 = arith.subf %get3A_952, %get3A_942 : vector<128x1xf32>
    %mul3A_955 = arith.mulf %sub3A_953, %sub3A_954 : vector<128x1xf32>
    %max3A_956 = vector.broadcast %get3A_937 : vector<128x1xf32> to vector<128x1024xf32>
    %max3A_957 = vector.broadcast %get3A_608 : vector<1x1024xf32> to vector<128x1024xf32>
    %max3A_958 = arith.maximumf %max3A_956, %max3A_957 : vector<128x1024xf32>
    %max3A_959 = vector.broadcast %get3A_942 : vector<128x1xf32> to vector<128x1024xf32>
    %max3A_960 = vector.broadcast %get3A_613 : vector<1x1024xf32> to vector<128x1024xf32>
    %max3A_961 = arith.maximumf %max3A_959, %max3A_960 : vector<128x1024xf32>
    %min3A_962 = vector.broadcast %get3A_947 : vector<128x1xf32> to vector<128x1024xf32>
    %min3A_963 = vector.broadcast %get3A_618 : vector<1x1024xf32> to vector<128x1024xf32>
    %min3A_964 = arith.minimumf %min3A_962, %min3A_963 : vector<128x1024xf32>
    %min3A_965 = vector.broadcast %get3A_952 : vector<128x1xf32> to vector<128x1024xf32>
    %min3A_966 = vector.broadcast %get3A_623 : vector<1x1024xf32> to vector<128x1024xf32>
    %min3A_967 = arith.minimumf %min3A_965, %min3A_966 : vector<128x1024xf32>
    %sub3A_968 = arith.subf %min3A_964, %max3A_958 : vector<128x1024xf32>
    %max3A_969 = arith.constant 0.000000e+00 : f32
    %max3A_970 = vector.broadcast %max3A_969 : f32 to vector<128x1024xf32>
    %max3A_971 = arith.maximumf %sub3A_968, %max3A_970 : vector<128x1024xf32>
    %sub3A_972 = arith.subf %min3A_967, %max3A_961 : vector<128x1024xf32>
    %max3A_973 = arith.constant 0.000000e+00 : f32
    %max3A_974 = vector.broadcast %max3A_973 : f32 to vector<128x1024xf32>
    %max3A_975 = arith.maximumf %sub3A_972, %max3A_974 : vector<128x1024xf32>
    %mul3A_976 = arith.mulf %max3A_971, %max3A_975 : vector<128x1024xf32>
    %add3A_977 = vector.broadcast %mul3A_955 : vector<128x1xf32> to vector<128x1024xf32>
    %add3A_978 = vector.broadcast %mul3A_631 : vector<1x1024xf32> to vector<128x1024xf32>
    %add3A_979 = arith.addf %add3A_977, %add3A_978 : vector<128x1024xf32>
    %sub3A_980 = arith.subf %add3A_979, %mul3A_976 : vector<128x1024xf32>
    %gt3A_981 = arith.constant 0.000000e+00 : f32
    %gt3A_982 = vector.broadcast %gt3A_981 : f32 to vector<128x1024xf32>
    %gt3A_983 = arith.cmpf ogt, %sub3A_980, %gt3A_982 : vector<128x1024xf32>
    %div3A_984 = arith.divf %mul3A_976, %sub3A_980 : vector<128x1024xf32>
    %jit3A_985 = arith.constant 0.000000e+00 : f32
    %broadcast_in_dim3A_986 = vector.broadcast %jit3A_985 : f32 to vector<128x1024xf32>
    %select_n3A_987 = arith.select %gt3A_983, %div3A_984, %broadcast_in_dim3A_986 : vector<128x1024xi1>, vector<128x1024xf32>
    %iota3A_988 = tpu.iota {dimensions = array<i32: 0>} : vector<128x1024xi32>
    %iota3A_989 = tpu.iota {dimensions = array<i32: 1>} : vector<128x1024xi32>
    %gt3A_990 = arith.constant 5.000000e-01 : f32
    %gt3A_991 = vector.broadcast %gt3A_990 : f32 to vector<128x1024xf32>
    %gt3A_992 = arith.cmpf ogt, %select_n3A_987, %gt3A_991 : vector<128x1024xf32>
    %add3A_993 = arith.constant 512 : i32
    %add3A_994 = vector.broadcast %add3A_993 : i32 to vector<128x1024xi32>
    %add3A_995 = arith.addi %iota3A_988, %add3A_994 : vector<128x1024xi32>
    %lt3A_996 = arith.cmpi slt, %add3A_995, %iota3A_989 : vector<128x1024xi32>
    %and3A_997 = arith.andi %gt3A_992, %lt3A_996 : vector<128x1024xi1>
    %convert_element_type3A_998 = arith.extui %and3A_997 : vector<128x1024xi1> to vector<128x1024xi32>
    %convert_element_type3A_999 = arith.sitofp %convert_element_type3A_998 : vector<128x1024xi32> to vector<128x1024xf32>
    %swap3A_1000 = arith.constant 1 : index
    %swap3A_1001 = arith.constant 512 : index
    %swap3A_1002 = arith.constant 0 : index
    %swap3A_1003 = vector.load %arg4[%swap3A_1000, %swap3A_1001, %swap3A_1002] : memref<4x1024x1024xf32, #tpu.memory_space<vmem>>, vector<1x128x1024xf32>
    %swap3A_1004 = vector.shape_cast %swap3A_1003 : vector<1x128x1024xf32> to vector<128x1024xf32>
    %swap3A_1005 = vector.shape_cast %convert_element_type3A_999 : vector<128x1024xf32> to vector<1x128x1024xf32>
    tpu.vector_store %arg4[%swap3A_1000, %swap3A_1001, %swap3A_1002], %swap3A_1005 {strides = array<i32>} : memref<4x1024x1024xf32, #tpu.memory_space<vmem>>, vector<1x128x1024xf32>,
    %get3A_1006 = arith.constant 1 : index
    %get3A_1007 = arith.constant 640 : index
    %get3A_1008 = arith.constant 0 : index
    %get3A_1009 = vector.load %arg2[%get3A_1006, %get3A_1007, %get3A_1008] : memref<4x1024x128xf32, #tpu.memory_space<vmem>>, vector<1x128x1xf32>
    %get3A_1010 = vector.shape_cast %get3A_1009 : vector<1x128x1xf32> to vector<128x1xf32>
    %get3A_1011 = arith.constant 1 : index
    %get3A_1012 = arith.constant 640 : index
    %get3A_1013 = arith.constant 1 : index
    %get3A_1014 = vector.load %arg2[%get3A_1011, %get3A_1012, %get3A_1013] : memref<4x1024x128xf32, #tpu.memory_space<vmem>>, vector<1x128x1xf32>
    %get3A_1015 = vector.shape_cast %get3A_1014 : vector<1x128x1xf32> to vector<128x1xf32>
    %get3A_1016 = arith.constant 1 : index
    %get3A_1017 = arith.constant 640 : index
    %get3A_1018 = arith.constant 2 : index
    %get3A_1019 = vector.load %arg2[%get3A_1016, %get3A_1017, %get3A_1018] : memref<4x1024x128xf32, #tpu.memory_space<vmem>>, vector<1x128x1xf32>
    %get3A_1020 = vector.shape_cast %get3A_1019 : vector<1x128x1xf32> to vector<128x1xf32>
    %get3A_1021 = arith.constant 1 : index
    %get3A_1022 = arith.constant 640 : index
    %get3A_1023 = arith.constant 3 : index
    %get3A_1024 = vector.load %arg2[%get3A_1021, %get3A_1022, %get3A_1023] : memref<4x1024x128xf32, #tpu.memory_space<vmem>>, vector<1x128x1xf32>
    %get3A_1025 = vector.shape_cast %get3A_1024 : vector<1x128x1xf32> to vector<128x1xf32>
    %sub3A_1026 = arith.subf %get3A_1020, %get3A_1010 : vector<128x1xf32>
    %sub3A_1027 = arith.subf %get3A_1025, %get3A_1015 : vector<128x1xf32>
    %mul3A_1028 = arith.mulf %sub3A_1026, %sub3A_1027 : vector<128x1xf32>
    %max3A_1029 = vector.broadcast %get3A_1010 : vector<128x1xf32> to vector<128x1024xf32>
    %max3A_1030 = vector.broadcast %get3A_608 : vector<1x1024xf32> to vector<128x1024xf32>
    %max3A_1031 = arith.maximumf %max3A_1029, %max3A_1030 : vector<128x1024xf32>
    %max3A_1032 = vector.broadcast %get3A_1015 : vector<128x1xf32> to vector<128x1024xf32>
    %max3A_1033 = vector.broadcast %get3A_613 : vector<1x1024xf32> to vector<128x1024xf32>
    %max3A_1034 = arith.maximumf %max3A_1032, %max3A_1033 : vector<128x1024xf32>
    %min3A_1035 = vector.broadcast %get3A_1020 : vector<128x1xf32> to vector<128x1024xf32>
    %min3A_1036 = vector.broadcast %get3A_618 : vector<1x1024xf32> to vector<128x1024xf32>
    %min3A_1037 = arith.minimumf %min3A_1035, %min3A_1036 : vector<128x1024xf32>
    %min3A_1038 = vector.broadcast %get3A_1025 : vector<128x1xf32> to vector<128x1024xf32>
    %min3A_1039 = vector.broadcast %get3A_623 : vector<1x1024xf32> to vector<128x1024xf32>
    %min3A_1040 = arith.minimumf %min3A_1038, %min3A_1039 : vector<128x1024xf32>
    %sub3A_1041 = arith.subf %min3A_1037, %max3A_1031 : vector<128x1024xf32>
    %max3A_1042 = arith.constant 0.000000e+00 : f32
    %max3A_1043 = vector.broadcast %max3A_1042 : f32 to vector<128x1024xf32>
    %max3A_1044 = arith.maximumf %sub3A_1041, %max3A_1043 : vector<128x1024xf32>
    %sub3A_1045 = arith.subf %min3A_1040, %max3A_1034 : vector<128x1024xf32>
    %max3A_1046 = arith.constant 0.000000e+00 : f32
    %max3A_1047 = vector.broadcast %max3A_1046 : f32 to vector<128x1024xf32>
    %max3A_1048 = arith.maximumf %sub3A_1045, %max3A_1047 : vector<128x1024xf32>
    %mul3A_1049 = arith.mulf %max3A_1044, %max3A_1048 : vector<128x1024xf32>
    %add3A_1050 = vector.broadcast %mul3A_1028 : vector<128x1xf32> to vector<128x1024xf32>
    %add3A_1051 = vector.broadcast %mul3A_631 : vector<1x1024xf32> to vector<128x1024xf32>
    %add3A_1052 = arith.addf %add3A_1050, %add3A_1051 : vector<128x1024xf32>
    %sub3A_1053 = arith.subf %add3A_1052, %mul3A_1049 : vector<128x1024xf32>
    %gt3A_1054 = arith.constant 0.000000e+00 : f32
    %gt3A_1055 = vector.broadcast %gt3A_1054 : f32 to vector<128x1024xf32>
    %gt3A_1056 = arith.cmpf ogt, %sub3A_1053, %gt3A_1055 : vector<128x1024xf32>
    %div3A_1057 = arith.divf %mul3A_1049, %sub3A_1053 : vector<128x1024xf32>
    %jit3A_1058 = arith.constant 0.000000e+00 : f32
    %broadcast_in_dim3A_1059 = vector.broadcast %jit3A_1058 : f32 to vector<128x1024xf32>
    %select_n3A_1060 = arith.select %gt3A_1056, %div3A_1057, %broadcast_in_dim3A_1059 : vector<128x1024xi1>, vector<128x1024xf32>
    %iota3A_1061 = tpu.iota {dimensions = array<i32: 0>} : vector<128x1024xi32>
    %iota3A_1062 = tpu.iota {dimensions = array<i32: 1>} : vector<128x1024xi32>
    %gt3A_1063 = arith.constant 5.000000e-01 : f32
    %gt3A_1064 = vector.broadcast %gt3A_1063 : f32 to vector<128x1024xf32>
    %gt3A_1065 = arith.cmpf ogt, %select_n3A_1060, %gt3A_1064 : vector<128x1024xf32>
    %add3A_1066 = arith.constant 640 : i32
    %add3A_1067 = vector.broadcast %add3A_1066 : i32 to vector<128x1024xi32>
    %add3A_1068 = arith.addi %iota3A_1061, %add3A_1067 : vector<128x1024xi32>
    %lt3A_1069 = arith.cmpi slt, %add3A_1068, %iota3A_1062 : vector<128x1024xi32>
    %and3A_1070 = arith.andi %gt3A_1065, %lt3A_1069 : vector<128x1024xi1>
    %convert_element_type3A_1071 = arith.extui %and3A_1070 : vector<128x1024xi1> to vector<128x1024xi32>
    %convert_element_type3A_1072 = arith.sitofp %convert_element_type3A_1071 : vector<128x1024xi32> to vector<128x1024xf32>
    %swap3A_1073 = arith.constant 1 : index
    %swap3A_1074 = arith.constant 640 : index
    %swap3A_1075 = arith.constant 0 : index
    %swap3A_1076 = vector.load %arg4[%swap3A_1073, %swap3A_1074, %swap3A_1075] : memref<4x1024x1024xf32, #tpu.memory_space<vmem>>, vector<1x128x1024xf32>
    %swap3A_1077 = vector.shape_cast %swap3A_1076 : vector<1x128x1024xf32> to vector<128x1024xf32>
    %swap3A_1078 = vector.shape_cast %convert_element_type3A_1072 : vector<128x1024xf32> to vector<1x128x1024xf32>
    tpu.vector_store %arg4[%swap3A_1073, %swap3A_1074, %swap3A_1075], %swap3A_1078 {strides = array<i32>} : memref<4x1024x1024xf32, #tpu.memory_space<vmem>>, vector<1x128x1024xf32>,
    %get3A_1079 = arith.constant 1 : index
    %get3A_1080 = arith.constant 768 : index
    %get3A_1081 = arith.constant 0 : index
    %get3A_1082 = vector.load %arg2[%get3A_1079, %get3A_1080, %get3A_1081] : memref<4x1024x128xf32, #tpu.memory_space<vmem>>, vector<1x128x1xf32>
    %get3A_1083 = vector.shape_cast %get3A_1082 : vector<1x128x1xf32> to vector<128x1xf32>
    %get3A_1084 = arith.constant 1 : index
    %get3A_1085 = arith.constant 768 : index
    %get3A_1086 = arith.constant 1 : index
    %get3A_1087 = vector.load %arg2[%get3A_1084, %get3A_1085, %get3A_1086] : memref<4x1024x128xf32, #tpu.memory_space<vmem>>, vector<1x128x1xf32>
    %get3A_1088 = vector.shape_cast %get3A_1087 : vector<1x128x1xf32> to vector<128x1xf32>
    %get3A_1089 = arith.constant 1 : index
    %get3A_1090 = arith.constant 768 : index
    %get3A_1091 = arith.constant 2 : index
    %get3A_1092 = vector.load %arg2[%get3A_1089, %get3A_1090, %get3A_1091] : memref<4x1024x128xf32, #tpu.memory_space<vmem>>, vector<1x128x1xf32>
    %get3A_1093 = vector.shape_cast %get3A_1092 : vector<1x128x1xf32> to vector<128x1xf32>
    %get3A_1094 = arith.constant 1 : index
    %get3A_1095 = arith.constant 768 : index
    %get3A_1096 = arith.constant 3 : index
    %get3A_1097 = vector.load %arg2[%get3A_1094, %get3A_1095, %get3A_1096] : memref<4x1024x128xf32, #tpu.memory_space<vmem>>, vector<1x128x1xf32>
    %get3A_1098 = vector.shape_cast %get3A_1097 : vector<1x128x1xf32> to vector<128x1xf32>
    %sub3A_1099 = arith.subf %get3A_1093, %get3A_1083 : vector<128x1xf32>
    %sub3A_1100 = arith.subf %get3A_1098, %get3A_1088 : vector<128x1xf32>
    %mul3A_1101 = arith.mulf %sub3A_1099, %sub3A_1100 : vector<128x1xf32>
    %max3A_1102 = vector.broadcast %get3A_1083 : vector<128x1xf32> to vector<128x1024xf32>
    %max3A_1103 = vector.broadcast %get3A_608 : vector<1x1024xf32> to vector<128x1024xf32>
    %max3A_1104 = arith.maximumf %max3A_1102, %max3A_1103 : vector<128x1024xf32>
    %max3A_1105 = vector.broadcast %get3A_1088 : vector<128x1xf32> to vector<128x1024xf32>
    %max3A_1106 = vector.broadcast %get3A_613 : vector<1x1024xf32> to vector<128x1024xf32>
    %max3A_1107 = arith.maximumf %max3A_1105, %max3A_1106 : vector<128x1024xf32>
    %min3A_1108 = vector.broadcast %get3A_1093 : vector<128x1xf32> to vector<128x1024xf32>
    %min3A_1109 = vector.broadcast %get3A_618 : vector<1x1024xf32> to vector<128x1024xf32>
    %min3A_1110 = arith.minimumf %min3A_1108, %min3A_1109 : vector<128x1024xf32>
    %min3A_1111 = vector.broadcast %get3A_1098 : vector<128x1xf32> to vector<128x1024xf32>
    %min3A_1112 = vector.broadcast %get3A_623 : vector<1x1024xf32> to vector<128x1024xf32>
    %min3A_1113 = arith.minimumf %min3A_1111, %min3A_1112 : vector<128x1024xf32>
    %sub3A_1114 = arith.subf %min3A_1110, %max3A_1104 : vector<128x1024xf32>
    %max3A_1115 = arith.constant 0.000000e+00 : f32
    %max3A_1116 = vector.broadcast %max3A_1115 : f32 to vector<128x1024xf32>
    %max3A_1117 = arith.maximumf %sub3A_1114, %max3A_1116 : vector<128x1024xf32>
    %sub3A_1118 = arith.subf %min3A_1113, %max3A_1107 : vector<128x1024xf32>
    %max3A_1119 = arith.constant 0.000000e+00 : f32
    %max3A_1120 = vector.broadcast %max3A_1119 : f32 to vector<128x1024xf32>
    %max3A_1121 = arith.maximumf %sub3A_1118, %max3A_1120 : vector<128x1024xf32>
    %mul3A_1122 = arith.mulf %max3A_1117, %max3A_1121 : vector<128x1024xf32>
    %add3A_1123 = vector.broadcast %mul3A_1101 : vector<128x1xf32> to vector<128x1024xf32>
    %add3A_1124 = vector.broadcast %mul3A_631 : vector<1x1024xf32> to vector<128x1024xf32>
    %add3A_1125 = arith.addf %add3A_1123, %add3A_1124 : vector<128x1024xf32>
    %sub3A_1126 = arith.subf %add3A_1125, %mul3A_1122 : vector<128x1024xf32>
    %gt3A_1127 = arith.constant 0.000000e+00 : f32
    %gt3A_1128 = vector.broadcast %gt3A_1127 : f32 to vector<128x1024xf32>
    %gt3A_1129 = arith.cmpf ogt, %sub3A_1126, %gt3A_1128 : vector<128x1024xf32>
    %div3A_1130 = arith.divf %mul3A_1122, %sub3A_1126 : vector<128x1024xf32>
    %jit3A_1131 = arith.constant 0.000000e+00 : f32
    %broadcast_in_dim3A_1132 = vector.broadcast %jit3A_1131 : f32 to vector<128x1024xf32>
    %select_n3A_1133 = arith.select %gt3A_1129, %div3A_1130, %broadcast_in_dim3A_1132 : vector<128x1024xi1>, vector<128x1024xf32>
    %iota3A_1134 = tpu.iota {dimensions = array<i32: 0>} : vector<128x1024xi32>
    %iota3A_1135 = tpu.iota {dimensions = array<i32: 1>} : vector<128x1024xi32>
    %gt3A_1136 = arith.constant 5.000000e-01 : f32
    %gt3A_1137 = vector.broadcast %gt3A_1136 : f32 to vector<128x1024xf32>
    %gt3A_1138 = arith.cmpf ogt, %select_n3A_1133, %gt3A_1137 : vector<128x1024xf32>
    %add3A_1139 = arith.constant 768 : i32
    %add3A_1140 = vector.broadcast %add3A_1139 : i32 to vector<128x1024xi32>
    %add3A_1141 = arith.addi %iota3A_1134, %add3A_1140 : vector<128x1024xi32>
    %lt3A_1142 = arith.cmpi slt, %add3A_1141, %iota3A_1135 : vector<128x1024xi32>
    %and3A_1143 = arith.andi %gt3A_1138, %lt3A_1142 : vector<128x1024xi1>
    %convert_element_type3A_1144 = arith.extui %and3A_1143 : vector<128x1024xi1> to vector<128x1024xi32>
    %convert_element_type3A_1145 = arith.sitofp %convert_element_type3A_1144 : vector<128x1024xi32> to vector<128x1024xf32>
    %swap3A_1146 = arith.constant 1 : index
    %swap3A_1147 = arith.constant 768 : index
    %swap3A_1148 = arith.constant 0 : index
    %swap3A_1149 = vector.load %arg4[%swap3A_1146, %swap3A_1147, %swap3A_1148] : memref<4x1024x1024xf32, #tpu.memory_space<vmem>>, vector<1x128x1024xf32>
    %swap3A_1150 = vector.shape_cast %swap3A_1149 : vector<1x128x1024xf32> to vector<128x1024xf32>
    %swap3A_1151 = vector.shape_cast %convert_element_type3A_1145 : vector<128x1024xf32> to vector<1x128x1024xf32>
    tpu.vector_store %arg4[%swap3A_1146, %swap3A_1147, %swap3A_1148], %swap3A_1151 {strides = array<i32>} : memref<4x1024x1024xf32, #tpu.memory_space<vmem>>, vector<1x128x1024xf32>,
    %get3A_1152 = arith.constant 1 : index
    %get3A_1153 = arith.constant 896 : index
    %get3A_1154 = arith.constant 0 : index
    %get3A_1155 = vector.load %arg2[%get3A_1152, %get3A_1153, %get3A_1154] : memref<4x1024x128xf32, #tpu.memory_space<vmem>>, vector<1x128x1xf32>
    %get3A_1156 = vector.shape_cast %get3A_1155 : vector<1x128x1xf32> to vector<128x1xf32>
    %get3A_1157 = arith.constant 1 : index
    %get3A_1158 = arith.constant 896 : index
    %get3A_1159 = arith.constant 1 : index
    %get3A_1160 = vector.load %arg2[%get3A_1157, %get3A_1158, %get3A_1159] : memref<4x1024x128xf32, #tpu.memory_space<vmem>>, vector<1x128x1xf32>
    %get3A_1161 = vector.shape_cast %get3A_1160 : vector<1x128x1xf32> to vector<128x1xf32>
    %get3A_1162 = arith.constant 1 : index
    %get3A_1163 = arith.constant 896 : index
    %get3A_1164 = arith.constant 2 : index
    %get3A_1165 = vector.load %arg2[%get3A_1162, %get3A_1163, %get3A_1164] : memref<4x1024x128xf32, #tpu.memory_space<vmem>>, vector<1x128x1xf32>
    %get3A_1166 = vector.shape_cast %get3A_1165 : vector<1x128x1xf32> to vector<128x1xf32>
    %get3A_1167 = arith.constant 1 : index
    %get3A_1168 = arith.constant 896 : index
    %get3A_1169 = arith.constant 3 : index
    %get3A_1170 = vector.load %arg2[%get3A_1167, %get3A_1168, %get3A_1169] : memref<4x1024x128xf32, #tpu.memory_space<vmem>>, vector<1x128x1xf32>
    %get3A_1171 = vector.shape_cast %get3A_1170 : vector<1x128x1xf32> to vector<128x1xf32>
    %sub3A_1172 = arith.subf %get3A_1166, %get3A_1156 : vector<128x1xf32>
    %sub3A_1173 = arith.subf %get3A_1171, %get3A_1161 : vector<128x1xf32>
    %mul3A_1174 = arith.mulf %sub3A_1172, %sub3A_1173 : vector<128x1xf32>
    %max3A_1175 = vector.broadcast %get3A_1156 : vector<128x1xf32> to vector<128x1024xf32>
    %max3A_1176 = vector.broadcast %get3A_608 : vector<1x1024xf32> to vector<128x1024xf32>
    %max3A_1177 = arith.maximumf %max3A_1175, %max3A_1176 : vector<128x1024xf32>
    %max3A_1178 = vector.broadcast %get3A_1161 : vector<128x1xf32> to vector<128x1024xf32>
    %max3A_1179 = vector.broadcast %get3A_613 : vector<1x1024xf32> to vector<128x1024xf32>
    %max3A_1180 = arith.maximumf %max3A_1178, %max3A_1179 : vector<128x1024xf32>
    %min3A_1181 = vector.broadcast %get3A_1166 : vector<128x1xf32> to vector<128x1024xf32>
    %min3A_1182 = vector.broadcast %get3A_618 : vector<1x1024xf32> to vector<128x1024xf32>
    %min3A_1183 = arith.minimumf %min3A_1181, %min3A_1182 : vector<128x1024xf32>
    %min3A_1184 = vector.broadcast %get3A_1171 : vector<128x1xf32> to vector<128x1024xf32>
    %min3A_1185 = vector.broadcast %get3A_623 : vector<1x1024xf32> to vector<128x1024xf32>
    %min3A_1186 = arith.minimumf %min3A_1184, %min3A_1185 : vector<128x1024xf32>
    %sub3A_1187 = arith.subf %min3A_1183, %max3A_1177 : vector<128x1024xf32>
    %max3A_1188 = arith.constant 0.000000e+00 : f32
    %max3A_1189 = vector.broadcast %max3A_1188 : f32 to vector<128x1024xf32>
    %max3A_1190 = arith.maximumf %sub3A_1187, %max3A_1189 : vector<128x1024xf32>
    %sub3A_1191 = arith.subf %min3A_1186, %max3A_1180 : vector<128x1024xf32>
    %max3A_1192 = arith.constant 0.000000e+00 : f32
    %max3A_1193 = vector.broadcast %max3A_1192 : f32 to vector<128x1024xf32>
    %max3A_1194 = arith.maximumf %sub3A_1191, %max3A_1193 : vector<128x1024xf32>
    %mul3A_1195 = arith.mulf %max3A_1190, %max3A_1194 : vector<128x1024xf32>
    %add3A_1196 = vector.broadcast %mul3A_1174 : vector<128x1xf32> to vector<128x1024xf32>
    %add3A_1197 = vector.broadcast %mul3A_631 : vector<1x1024xf32> to vector<128x1024xf32>
    %add3A_1198 = arith.addf %add3A_1196, %add3A_1197 : vector<128x1024xf32>
    %sub3A_1199 = arith.subf %add3A_1198, %mul3A_1195 : vector<128x1024xf32>
    %gt3A_1200 = arith.constant 0.000000e+00 : f32
    %gt3A_1201 = vector.broadcast %gt3A_1200 : f32 to vector<128x1024xf32>
    %gt3A_1202 = arith.cmpf ogt, %sub3A_1199, %gt3A_1201 : vector<128x1024xf32>
    %div3A_1203 = arith.divf %mul3A_1195, %sub3A_1199 : vector<128x1024xf32>
    %jit3A_1204 = arith.constant 0.000000e+00 : f32
    %broadcast_in_dim3A_1205 = vector.broadcast %jit3A_1204 : f32 to vector<128x1024xf32>
    %select_n3A_1206 = arith.select %gt3A_1202, %div3A_1203, %broadcast_in_dim3A_1205 : vector<128x1024xi1>, vector<128x1024xf32>
    %iota3A_1207 = tpu.iota {dimensions = array<i32: 0>} : vector<128x1024xi32>
    %iota3A_1208 = tpu.iota {dimensions = array<i32: 1>} : vector<128x1024xi32>
    %gt3A_1209 = arith.constant 5.000000e-01 : f32
    %gt3A_1210 = vector.broadcast %gt3A_1209 : f32 to vector<128x1024xf32>
    %gt3A_1211 = arith.cmpf ogt, %select_n3A_1206, %gt3A_1210 : vector<128x1024xf32>
    %add3A_1212 = arith.constant 896 : i32
    %add3A_1213 = vector.broadcast %add3A_1212 : i32 to vector<128x1024xi32>
    %add3A_1214 = arith.addi %iota3A_1207, %add3A_1213 : vector<128x1024xi32>
    %lt3A_1215 = arith.cmpi slt, %add3A_1214, %iota3A_1208 : vector<128x1024xi32>
    %and3A_1216 = arith.andi %gt3A_1211, %lt3A_1215 : vector<128x1024xi1>
    %convert_element_type3A_1217 = arith.extui %and3A_1216 : vector<128x1024xi1> to vector<128x1024xi32>
    %convert_element_type3A_1218 = arith.sitofp %convert_element_type3A_1217 : vector<128x1024xi32> to vector<128x1024xf32>
    %swap3A_1219 = arith.constant 1 : index
    %swap3A_1220 = arith.constant 896 : index
    %swap3A_1221 = arith.constant 0 : index
    %swap3A_1222 = vector.load %arg4[%swap3A_1219, %swap3A_1220, %swap3A_1221] : memref<4x1024x1024xf32, #tpu.memory_space<vmem>>, vector<1x128x1024xf32>
    %swap3A_1223 = vector.shape_cast %swap3A_1222 : vector<1x128x1024xf32> to vector<128x1024xf32>
    %swap3A_1224 = vector.shape_cast %convert_element_type3A_1218 : vector<128x1024xf32> to vector<1x128x1024xf32>
    tpu.vector_store %arg4[%swap3A_1219, %swap3A_1220, %swap3A_1221], %swap3A_1224 {strides = array<i32>} : memref<4x1024x1024xf32, #tpu.memory_space<vmem>>, vector<1x128x1024xf32>,
    %get3A_1225 = arith.constant 2 : index
    %get3A_1226 = arith.constant 0 : index
    %get3A_1227 = arith.constant 0 : index
    %get3A_1228 = vector.load %arg1[%get3A_1225, %get3A_1226, %get3A_1227] : memref<4x8x1024xf32, #tpu.memory_space<vmem>>, vector<1x1x1024xf32>
    %get3A_1229 = vector.shape_cast %get3A_1228 : vector<1x1x1024xf32> to vector<1x1024xf32>
    %get3A_1230 = arith.constant 2 : index
    %get3A_1231 = arith.constant 1 : index
    %get3A_1232 = arith.constant 0 : index
    %get3A_1233 = vector.load %arg1[%get3A_1230, %get3A_1231, %get3A_1232] : memref<4x8x1024xf32, #tpu.memory_space<vmem>>, vector<1x1x1024xf32>
    %get3A_1234 = vector.shape_cast %get3A_1233 : vector<1x1x1024xf32> to vector<1x1024xf32>
    %get3A_1235 = arith.constant 2 : index
    %get3A_1236 = arith.constant 2 : index
    %get3A_1237 = arith.constant 0 : index
    %get3A_1238 = vector.load %arg1[%get3A_1235, %get3A_1236, %get3A_1237] : memref<4x8x1024xf32, #tpu.memory_space<vmem>>, vector<1x1x1024xf32>
    %get3A_1239 = vector.shape_cast %get3A_1238 : vector<1x1x1024xf32> to vector<1x1024xf32>
    %get3A_1240 = arith.constant 2 : index
    %get3A_1241 = arith.constant 3 : index
    %get3A_1242 = arith.constant 0 : index
    %get3A_1243 = vector.load %arg1[%get3A_1240, %get3A_1241, %get3A_1242] : memref<4x8x1024xf32, #tpu.memory_space<vmem>>, vector<1x1x1024xf32>
    %get3A_1244 = vector.shape_cast %get3A_1243 : vector<1x1x1024xf32> to vector<1x1024xf32>
    %get3A_1245 = arith.constant 2 : index
    %get3A_1246 = arith.constant 5 : index
    %get3A_1247 = arith.constant 0 : index
    %get3A_1248 = vector.load %arg1[%get3A_1245, %get3A_1246, %get3A_1247] : memref<4x8x1024xf32, #tpu.memory_space<vmem>>, vector<1x1x1024xf32>
    %get3A_1249 = vector.shape_cast %get3A_1248 : vector<1x1x1024xf32> to vector<1x1024xf32>
    %sub3A_1250 = arith.subf %get3A_1239, %get3A_1229 : vector<1x1024xf32>
    %sub3A_1251 = arith.subf %get3A_1244, %get3A_1234 : vector<1x1024xf32>
    %mul3A_1252 = arith.mulf %sub3A_1250, %sub3A_1251 : vector<1x1024xf32>
    %ge3A_1253 = arith.constant 5.000000e-02 : f32
    %ge3A_1254 = vector.broadcast %ge3A_1253 : f32 to vector<1x1024xf32>
    %ge3A_1255 = arith.cmpf oge, %get3A_1249, %ge3A_1254 : vector<1x1024xf32>
    %lt3A_1256 = arith.cmpf olt, %get3A_1229, %get3A_1239 : vector<1x1024xf32>
    %and3A_1257 = arith.andi %ge3A_1255, %lt3A_1256 : vector<1x1024xi1>
    %lt3A_1258 = arith.cmpf olt, %get3A_1234, %get3A_1244 : vector<1x1024xf32>
    %and3A_1259 = arith.andi %and3A_1257, %lt3A_1258 : vector<1x1024xi1>
    %convert_element_type3A_1260 = arith.extui %and3A_1259 : vector<1x1024xi1> to vector<1x1024xi32>
    %convert_element_type3A_1261 = arith.sitofp %convert_element_type3A_1260 : vector<1x1024xi32> to vector<1x1024xf32>
    %get3A_1262 = arith.constant 2 : index
    %get3A_1263 = arith.constant 0 : index
    %get3A_1264 = arith.constant 0 : index
    %get3A_1265 = vector.load %arg2[%get3A_1262, %get3A_1263, %get3A_1264] : memref<4x1024x128xf32, #tpu.memory_space<vmem>>, vector<1x128x1xf32>
    %get3A_1266 = vector.shape_cast %get3A_1265 : vector<1x128x1xf32> to vector<128x1xf32>
    %get3A_1267 = arith.constant 2 : index
    %get3A_1268 = arith.constant 0 : index
    %get3A_1269 = arith.constant 1 : index
    %get3A_1270 = vector.load %arg2[%get3A_1267, %get3A_1268, %get3A_1269] : memref<4x1024x128xf32, #tpu.memory_space<vmem>>, vector<1x128x1xf32>
    %get3A_1271 = vector.shape_cast %get3A_1270 : vector<1x128x1xf32> to vector<128x1xf32>
    %get3A_1272 = arith.constant 2 : index
    %get3A_1273 = arith.constant 0 : index
    %get3A_1274 = arith.constant 2 : index
    %get3A_1275 = vector.load %arg2[%get3A_1272, %get3A_1273, %get3A_1274] : memref<4x1024x128xf32, #tpu.memory_space<vmem>>, vector<1x128x1xf32>
    %get3A_1276 = vector.shape_cast %get3A_1275 : vector<1x128x1xf32> to vector<128x1xf32>
    %get3A_1277 = arith.constant 2 : index
    %get3A_1278 = arith.constant 0 : index
    %get3A_1279 = arith.constant 3 : index
    %get3A_1280 = vector.load %arg2[%get3A_1277, %get3A_1278, %get3A_1279] : memref<4x1024x128xf32, #tpu.memory_space<vmem>>, vector<1x128x1xf32>
    %get3A_1281 = vector.shape_cast %get3A_1280 : vector<1x128x1xf32> to vector<128x1xf32>
    %sub3A_1282 = arith.subf %get3A_1276, %get3A_1266 : vector<128x1xf32>
    %sub3A_1283 = arith.subf %get3A_1281, %get3A_1271 : vector<128x1xf32>
    %mul3A_1284 = arith.mulf %sub3A_1282, %sub3A_1283 : vector<128x1xf32>
    %max3A_1285 = vector.broadcast %get3A_1266 : vector<128x1xf32> to vector<128x1024xf32>
    %max3A_1286 = vector.broadcast %get3A_1229 : vector<1x1024xf32> to vector<128x1024xf32>
    %max3A_1287 = arith.maximumf %max3A_1285, %max3A_1286 : vector<128x1024xf32>
    %max3A_1288 = vector.broadcast %get3A_1271 : vector<128x1xf32> to vector<128x1024xf32>
    %max3A_1289 = vector.broadcast %get3A_1234 : vector<1x1024xf32> to vector<128x1024xf32>
    %max3A_1290 = arith.maximumf %max3A_1288, %max3A_1289 : vector<128x1024xf32>
    %min3A_1291 = vector.broadcast %get3A_1276 : vector<128x1xf32> to vector<128x1024xf32>
    %min3A_1292 = vector.broadcast %get3A_1239 : vector<1x1024xf32> to vector<128x1024xf32>
    %min3A_1293 = arith.minimumf %min3A_1291, %min3A_1292 : vector<128x1024xf32>
    %min3A_1294 = vector.broadcast %get3A_1281 : vector<128x1xf32> to vector<128x1024xf32>
    %min3A_1295 = vector.broadcast %get3A_1244 : vector<1x1024xf32> to vector<128x1024xf32>
    %min3A_1296 = arith.minimumf %min3A_1294, %min3A_1295 : vector<128x1024xf32>
    %sub3A_1297 = arith.subf %min3A_1293, %max3A_1287 : vector<128x1024xf32>
    %max3A_1298 = arith.constant 0.000000e+00 : f32
    %max3A_1299 = vector.broadcast %max3A_1298 : f32 to vector<128x1024xf32>
    %max3A_1300 = arith.maximumf %sub3A_1297, %max3A_1299 : vector<128x1024xf32>
    %sub3A_1301 = arith.subf %min3A_1296, %max3A_1290 : vector<128x1024xf32>
    %max3A_1302 = arith.constant 0.000000e+00 : f32
    %max3A_1303 = vector.broadcast %max3A_1302 : f32 to vector<128x1024xf32>
    %max3A_1304 = arith.maximumf %sub3A_1301, %max3A_1303 : vector<128x1024xf32>
    %mul3A_1305 = arith.mulf %max3A_1300, %max3A_1304 : vector<128x1024xf32>
    %add3A_1306 = vector.broadcast %mul3A_1284 : vector<128x1xf32> to vector<128x1024xf32>
    %add3A_1307 = vector.broadcast %mul3A_1252 : vector<1x1024xf32> to vector<128x1024xf32>
    %add3A_1308 = arith.addf %add3A_1306, %add3A_1307 : vector<128x1024xf32>
    %sub3A_1309 = arith.subf %add3A_1308, %mul3A_1305 : vector<128x1024xf32>
    %gt3A_1310 = arith.constant 0.000000e+00 : f32
    %gt3A_1311 = vector.broadcast %gt3A_1310 : f32 to vector<128x1024xf32>
    %gt3A_1312 = arith.cmpf ogt, %sub3A_1309, %gt3A_1311 : vector<128x1024xf32>
    %div3A_1313 = arith.divf %mul3A_1305, %sub3A_1309 : vector<128x1024xf32>
    %jit3A_1314 = arith.constant 0.000000e+00 : f32
    %broadcast_in_dim3A_1315 = vector.broadcast %jit3A_1314 : f32 to vector<128x1024xf32>
    %select_n3A_1316 = arith.select %gt3A_1312, %div3A_1313, %broadcast_in_dim3A_1315 : vector<128x1024xi1>, vector<128x1024xf32>
    %iota3A_1317 = tpu.iota {dimensions = array<i32: 0>} : vector<128x1024xi32>
    %iota3A_1318 = tpu.iota {dimensions = array<i32: 1>} : vector<128x1024xi32>
    %gt3A_1319 = arith.constant 5.000000e-01 : f32
    %gt3A_1320 = vector.broadcast %gt3A_1319 : f32 to vector<128x1024xf32>
    %gt3A_1321 = arith.cmpf ogt, %select_n3A_1316, %gt3A_1320 : vector<128x1024xf32>
    %add3A_1322 = arith.constant 0 : i32
    %add3A_1323 = vector.broadcast %add3A_1322 : i32 to vector<128x1024xi32>
    %add3A_1324 = arith.addi %iota3A_1317, %add3A_1323 : vector<128x1024xi32>
    %lt3A_1325 = arith.cmpi slt, %add3A_1324, %iota3A_1318 : vector<128x1024xi32>
    %and3A_1326 = arith.andi %gt3A_1321, %lt3A_1325 : vector<128x1024xi1>
    %convert_element_type3A_1327 = arith.extui %and3A_1326 : vector<128x1024xi1> to vector<128x1024xi32>
    %convert_element_type3A_1328 = arith.sitofp %convert_element_type3A_1327 : vector<128x1024xi32> to vector<128x1024xf32>
    %swap3A_1329 = arith.constant 2 : index
    %swap3A_1330 = arith.constant 0 : index
    %swap3A_1331 = arith.constant 0 : index
    %swap3A_1332 = vector.load %arg4[%swap3A_1329, %swap3A_1330, %swap3A_1331] : memref<4x1024x1024xf32, #tpu.memory_space<vmem>>, vector<1x128x1024xf32>
    %swap3A_1333 = vector.shape_cast %swap3A_1332 : vector<1x128x1024xf32> to vector<128x1024xf32>
    %swap3A_1334 = vector.shape_cast %convert_element_type3A_1328 : vector<128x1024xf32> to vector<1x128x1024xf32>
    tpu.vector_store %arg4[%swap3A_1329, %swap3A_1330, %swap3A_1331], %swap3A_1334 {strides = array<i32>} : memref<4x1024x1024xf32, #tpu.memory_space<vmem>>, vector<1x128x1024xf32>,
    %get3A_1335 = arith.constant 2 : index
    %get3A_1336 = arith.constant 128 : index
    %get3A_1337 = arith.constant 0 : index
    %get3A_1338 = vector.load %arg2[%get3A_1335, %get3A_1336, %get3A_1337] : memref<4x1024x128xf32, #tpu.memory_space<vmem>>, vector<1x128x1xf32>
    %get3A_1339 = vector.shape_cast %get3A_1338 : vector<1x128x1xf32> to vector<128x1xf32>
    %get3A_1340 = arith.constant 2 : index
    %get3A_1341 = arith.constant 128 : index
    %get3A_1342 = arith.constant 1 : index
    %get3A_1343 = vector.load %arg2[%get3A_1340, %get3A_1341, %get3A_1342] : memref<4x1024x128xf32, #tpu.memory_space<vmem>>, vector<1x128x1xf32>
    %get3A_1344 = vector.shape_cast %get3A_1343 : vector<1x128x1xf32> to vector<128x1xf32>
    %get3A_1345 = arith.constant 2 : index
    %get3A_1346 = arith.constant 128 : index
    %get3A_1347 = arith.constant 2 : index
    %get3A_1348 = vector.load %arg2[%get3A_1345, %get3A_1346, %get3A_1347] : memref<4x1024x128xf32, #tpu.memory_space<vmem>>, vector<1x128x1xf32>
    %get3A_1349 = vector.shape_cast %get3A_1348 : vector<1x128x1xf32> to vector<128x1xf32>
    %get3A_1350 = arith.constant 2 : index
    %get3A_1351 = arith.constant 128 : index
    %get3A_1352 = arith.constant 3 : index
    %get3A_1353 = vector.load %arg2[%get3A_1350, %get3A_1351, %get3A_1352] : memref<4x1024x128xf32, #tpu.memory_space<vmem>>, vector<1x128x1xf32>
    %get3A_1354 = vector.shape_cast %get3A_1353 : vector<1x128x1xf32> to vector<128x1xf32>
    %sub3A_1355 = arith.subf %get3A_1349, %get3A_1339 : vector<128x1xf32>
    %sub3A_1356 = arith.subf %get3A_1354, %get3A_1344 : vector<128x1xf32>
    %mul3A_1357 = arith.mulf %sub3A_1355, %sub3A_1356 : vector<128x1xf32>
    %max3A_1358 = vector.broadcast %get3A_1339 : vector<128x1xf32> to vector<128x1024xf32>
    %max3A_1359 = vector.broadcast %get3A_1229 : vector<1x1024xf32> to vector<128x1024xf32>
    %max3A_1360 = arith.maximumf %max3A_1358, %max3A_1359 : vector<128x1024xf32>
    %max3A_1361 = vector.broadcast %get3A_1344 : vector<128x1xf32> to vector<128x1024xf32>
    %max3A_1362 = vector.broadcast %get3A_1234 : vector<1x1024xf32> to vector<128x1024xf32>
    %max3A_1363 = arith.maximumf %max3A_1361, %max3A_1362 : vector<128x1024xf32>
    %min3A_1364 = vector.broadcast %get3A_1349 : vector<128x1xf32> to vector<128x1024xf32>
    %min3A_1365 = vector.broadcast %get3A_1239 : vector<1x1024xf32> to vector<128x1024xf32>
    %min3A_1366 = arith.minimumf %min3A_1364, %min3A_1365 : vector<128x1024xf32>
    %min3A_1367 = vector.broadcast %get3A_1354 : vector<128x1xf32> to vector<128x1024xf32>
    %min3A_1368 = vector.broadcast %get3A_1244 : vector<1x1024xf32> to vector<128x1024xf32>
    %min3A_1369 = arith.minimumf %min3A_1367, %min3A_1368 : vector<128x1024xf32>
    %sub3A_1370 = arith.subf %min3A_1366, %max3A_1360 : vector<128x1024xf32>
    %max3A_1371 = arith.constant 0.000000e+00 : f32
    %max3A_1372 = vector.broadcast %max3A_1371 : f32 to vector<128x1024xf32>
    %max3A_1373 = arith.maximumf %sub3A_1370, %max3A_1372 : vector<128x1024xf32>
    %sub3A_1374 = arith.subf %min3A_1369, %max3A_1363 : vector<128x1024xf32>
    %max3A_1375 = arith.constant 0.000000e+00 : f32
    %max3A_1376 = vector.broadcast %max3A_1375 : f32 to vector<128x1024xf32>
    %max3A_1377 = arith.maximumf %sub3A_1374, %max3A_1376 : vector<128x1024xf32>
    %mul3A_1378 = arith.mulf %max3A_1373, %max3A_1377 : vector<128x1024xf32>
    %add3A_1379 = vector.broadcast %mul3A_1357 : vector<128x1xf32> to vector<128x1024xf32>
    %add3A_1380 = vector.broadcast %mul3A_1252 : vector<1x1024xf32> to vector<128x1024xf32>
    %add3A_1381 = arith.addf %add3A_1379, %add3A_1380 : vector<128x1024xf32>
    %sub3A_1382 = arith.subf %add3A_1381, %mul3A_1378 : vector<128x1024xf32>
    %gt3A_1383 = arith.constant 0.000000e+00 : f32
    %gt3A_1384 = vector.broadcast %gt3A_1383 : f32 to vector<128x1024xf32>
    %gt3A_1385 = arith.cmpf ogt, %sub3A_1382, %gt3A_1384 : vector<128x1024xf32>
    %div3A_1386 = arith.divf %mul3A_1378, %sub3A_1382 : vector<128x1024xf32>
    %jit3A_1387 = arith.constant 0.000000e+00 : f32
    %broadcast_in_dim3A_1388 = vector.broadcast %jit3A_1387 : f32 to vector<128x1024xf32>
    %select_n3A_1389 = arith.select %gt3A_1385, %div3A_1386, %broadcast_in_dim3A_1388 : vector<128x1024xi1>, vector<128x1024xf32>
    %iota3A_1390 = tpu.iota {dimensions = array<i32: 0>} : vector<128x1024xi32>
    %iota3A_1391 = tpu.iota {dimensions = array<i32: 1>} : vector<128x1024xi32>
    %gt3A_1392 = arith.constant 5.000000e-01 : f32
    %gt3A_1393 = vector.broadcast %gt3A_1392 : f32 to vector<128x1024xf32>
    %gt3A_1394 = arith.cmpf ogt, %select_n3A_1389, %gt3A_1393 : vector<128x1024xf32>
    %add3A_1395 = arith.constant 128 : i32
    %add3A_1396 = vector.broadcast %add3A_1395 : i32 to vector<128x1024xi32>
    %add3A_1397 = arith.addi %iota3A_1390, %add3A_1396 : vector<128x1024xi32>
    %lt3A_1398 = arith.cmpi slt, %add3A_1397, %iota3A_1391 : vector<128x1024xi32>
    %and3A_1399 = arith.andi %gt3A_1394, %lt3A_1398 : vector<128x1024xi1>
    %convert_element_type3A_1400 = arith.extui %and3A_1399 : vector<128x1024xi1> to vector<128x1024xi32>
    %convert_element_type3A_1401 = arith.sitofp %convert_element_type3A_1400 : vector<128x1024xi32> to vector<128x1024xf32>
    %swap3A_1402 = arith.constant 2 : index
    %swap3A_1403 = arith.constant 128 : index
    %swap3A_1404 = arith.constant 0 : index
    %swap3A_1405 = vector.load %arg4[%swap3A_1402, %swap3A_1403, %swap3A_1404] : memref<4x1024x1024xf32, #tpu.memory_space<vmem>>, vector<1x128x1024xf32>
    %swap3A_1406 = vector.shape_cast %swap3A_1405 : vector<1x128x1024xf32> to vector<128x1024xf32>
    %swap3A_1407 = vector.shape_cast %convert_element_type3A_1401 : vector<128x1024xf32> to vector<1x128x1024xf32>
    tpu.vector_store %arg4[%swap3A_1402, %swap3A_1403, %swap3A_1404], %swap3A_1407 {strides = array<i32>} : memref<4x1024x1024xf32, #tpu.memory_space<vmem>>, vector<1x128x1024xf32>,
    %get3A_1408 = arith.constant 2 : index
    %get3A_1409 = arith.constant 256 : index
    %get3A_1410 = arith.constant 0 : index
    %get3A_1411 = vector.load %arg2[%get3A_1408, %get3A_1409, %get3A_1410] : memref<4x1024x128xf32, #tpu.memory_space<vmem>>, vector<1x128x1xf32>
    %get3A_1412 = vector.shape_cast %get3A_1411 : vector<1x128x1xf32> to vector<128x1xf32>
    %get3A_1413 = arith.constant 2 : index
    %get3A_1414 = arith.constant 256 : index
    %get3A_1415 = arith.constant 1 : index
    %get3A_1416 = vector.load %arg2[%get3A_1413, %get3A_1414, %get3A_1415] : memref<4x1024x128xf32, #tpu.memory_space<vmem>>, vector<1x128x1xf32>
    %get3A_1417 = vector.shape_cast %get3A_1416 : vector<1x128x1xf32> to vector<128x1xf32>
    %get3A_1418 = arith.constant 2 : index
    %get3A_1419 = arith.constant 256 : index
    %get3A_1420 = arith.constant 2 : index
    %get3A_1421 = vector.load %arg2[%get3A_1418, %get3A_1419, %get3A_1420] : memref<4x1024x128xf32, #tpu.memory_space<vmem>>, vector<1x128x1xf32>
    %get3A_1422 = vector.shape_cast %get3A_1421 : vector<1x128x1xf32> to vector<128x1xf32>
    %get3A_1423 = arith.constant 2 : index
    %get3A_1424 = arith.constant 256 : index
    %get3A_1425 = arith.constant 3 : index
    %get3A_1426 = vector.load %arg2[%get3A_1423, %get3A_1424, %get3A_1425] : memref<4x1024x128xf32, #tpu.memory_space<vmem>>, vector<1x128x1xf32>
    %get3A_1427 = vector.shape_cast %get3A_1426 : vector<1x128x1xf32> to vector<128x1xf32>
    %sub3A_1428 = arith.subf %get3A_1422, %get3A_1412 : vector<128x1xf32>
    %sub3A_1429 = arith.subf %get3A_1427, %get3A_1417 : vector<128x1xf32>
    %mul3A_1430 = arith.mulf %sub3A_1428, %sub3A_1429 : vector<128x1xf32>
    %max3A_1431 = vector.broadcast %get3A_1412 : vector<128x1xf32> to vector<128x1024xf32>
    %max3A_1432 = vector.broadcast %get3A_1229 : vector<1x1024xf32> to vector<128x1024xf32>
    %max3A_1433 = arith.maximumf %max3A_1431, %max3A_1432 : vector<128x1024xf32>
    %max3A_1434 = vector.broadcast %get3A_1417 : vector<128x1xf32> to vector<128x1024xf32>
    %max3A_1435 = vector.broadcast %get3A_1234 : vector<1x1024xf32> to vector<128x1024xf32>
    %max3A_1436 = arith.maximumf %max3A_1434, %max3A_1435 : vector<128x1024xf32>
    %min3A_1437 = vector.broadcast %get3A_1422 : vector<128x1xf32> to vector<128x1024xf32>
    %min3A_1438 = vector.broadcast %get3A_1239 : vector<1x1024xf32> to vector<128x1024xf32>
    %min3A_1439 = arith.minimumf %min3A_1437, %min3A_1438 : vector<128x1024xf32>
    %min3A_1440 = vector.broadcast %get3A_1427 : vector<128x1xf32> to vector<128x1024xf32>
    %min3A_1441 = vector.broadcast %get3A_1244 : vector<1x1024xf32> to vector<128x1024xf32>
    %min3A_1442 = arith.minimumf %min3A_1440, %min3A_1441 : vector<128x1024xf32>
    %sub3A_1443 = arith.subf %min3A_1439, %max3A_1433 : vector<128x1024xf32>
    %max3A_1444 = arith.constant 0.000000e+00 : f32
    %max3A_1445 = vector.broadcast %max3A_1444 : f32 to vector<128x1024xf32>
    %max3A_1446 = arith.maximumf %sub3A_1443, %max3A_1445 : vector<128x1024xf32>
    %sub3A_1447 = arith.subf %min3A_1442, %max3A_1436 : vector<128x1024xf32>
    %max3A_1448 = arith.constant 0.000000e+00 : f32
    %max3A_1449 = vector.broadcast %max3A_1448 : f32 to vector<128x1024xf32>
    %max3A_1450 = arith.maximumf %sub3A_1447, %max3A_1449 : vector<128x1024xf32>
    %mul3A_1451 = arith.mulf %max3A_1446, %max3A_1450 : vector<128x1024xf32>
    %add3A_1452 = vector.broadcast %mul3A_1430 : vector<128x1xf32> to vector<128x1024xf32>
    %add3A_1453 = vector.broadcast %mul3A_1252 : vector<1x1024xf32> to vector<128x1024xf32>
    %add3A_1454 = arith.addf %add3A_1452, %add3A_1453 : vector<128x1024xf32>
    %sub3A_1455 = arith.subf %add3A_1454, %mul3A_1451 : vector<128x1024xf32>
    %gt3A_1456 = arith.constant 0.000000e+00 : f32
    %gt3A_1457 = vector.broadcast %gt3A_1456 : f32 to vector<128x1024xf32>
    %gt3A_1458 = arith.cmpf ogt, %sub3A_1455, %gt3A_1457 : vector<128x1024xf32>
    %div3A_1459 = arith.divf %mul3A_1451, %sub3A_1455 : vector<128x1024xf32>
    %jit3A_1460 = arith.constant 0.000000e+00 : f32
    %broadcast_in_dim3A_1461 = vector.broadcast %jit3A_1460 : f32 to vector<128x1024xf32>
    %select_n3A_1462 = arith.select %gt3A_1458, %div3A_1459, %broadcast_in_dim3A_1461 : vector<128x1024xi1>, vector<128x1024xf32>
    %iota3A_1463 = tpu.iota {dimensions = array<i32: 0>} : vector<128x1024xi32>
    %iota3A_1464 = tpu.iota {dimensions = array<i32: 1>} : vector<128x1024xi32>
    %gt3A_1465 = arith.constant 5.000000e-01 : f32
    %gt3A_1466 = vector.broadcast %gt3A_1465 : f32 to vector<128x1024xf32>
    %gt3A_1467 = arith.cmpf ogt, %select_n3A_1462, %gt3A_1466 : vector<128x1024xf32>
    %add3A_1468 = arith.constant 256 : i32
    %add3A_1469 = vector.broadcast %add3A_1468 : i32 to vector<128x1024xi32>
    %add3A_1470 = arith.addi %iota3A_1463, %add3A_1469 : vector<128x1024xi32>
    %lt3A_1471 = arith.cmpi slt, %add3A_1470, %iota3A_1464 : vector<128x1024xi32>
    %and3A_1472 = arith.andi %gt3A_1467, %lt3A_1471 : vector<128x1024xi1>
    %convert_element_type3A_1473 = arith.extui %and3A_1472 : vector<128x1024xi1> to vector<128x1024xi32>
    %convert_element_type3A_1474 = arith.sitofp %convert_element_type3A_1473 : vector<128x1024xi32> to vector<128x1024xf32>
    %swap3A_1475 = arith.constant 2 : index
    %swap3A_1476 = arith.constant 256 : index
    %swap3A_1477 = arith.constant 0 : index
    %swap3A_1478 = vector.load %arg4[%swap3A_1475, %swap3A_1476, %swap3A_1477] : memref<4x1024x1024xf32, #tpu.memory_space<vmem>>, vector<1x128x1024xf32>
    %swap3A_1479 = vector.shape_cast %swap3A_1478 : vector<1x128x1024xf32> to vector<128x1024xf32>
    %swap3A_1480 = vector.shape_cast %convert_element_type3A_1474 : vector<128x1024xf32> to vector<1x128x1024xf32>
    tpu.vector_store %arg4[%swap3A_1475, %swap3A_1476, %swap3A_1477], %swap3A_1480 {strides = array<i32>} : memref<4x1024x1024xf32, #tpu.memory_space<vmem>>, vector<1x128x1024xf32>,
    %get3A_1481 = arith.constant 2 : index
    %get3A_1482 = arith.constant 384 : index
    %get3A_1483 = arith.constant 0 : index
    %get3A_1484 = vector.load %arg2[%get3A_1481, %get3A_1482, %get3A_1483] : memref<4x1024x128xf32, #tpu.memory_space<vmem>>, vector<1x128x1xf32>
    %get3A_1485 = vector.shape_cast %get3A_1484 : vector<1x128x1xf32> to vector<128x1xf32>
    %get3A_1486 = arith.constant 2 : index
    %get3A_1487 = arith.constant 384 : index
    %get3A_1488 = arith.constant 1 : index
    %get3A_1489 = vector.load %arg2[%get3A_1486, %get3A_1487, %get3A_1488] : memref<4x1024x128xf32, #tpu.memory_space<vmem>>, vector<1x128x1xf32>
    %get3A_1490 = vector.shape_cast %get3A_1489 : vector<1x128x1xf32> to vector<128x1xf32>
    %get3A_1491 = arith.constant 2 : index
    %get3A_1492 = arith.constant 384 : index
    %get3A_1493 = arith.constant 2 : index
    %get3A_1494 = vector.load %arg2[%get3A_1491, %get3A_1492, %get3A_1493] : memref<4x1024x128xf32, #tpu.memory_space<vmem>>, vector<1x128x1xf32>
    %get3A_1495 = vector.shape_cast %get3A_1494 : vector<1x128x1xf32> to vector<128x1xf32>
    %get3A_1496 = arith.constant 2 : index
    %get3A_1497 = arith.constant 384 : index
    %get3A_1498 = arith.constant 3 : index
    %get3A_1499 = vector.load %arg2[%get3A_1496, %get3A_1497, %get3A_1498] : memref<4x1024x128xf32, #tpu.memory_space<vmem>>, vector<1x128x1xf32>
    %get3A_1500 = vector.shape_cast %get3A_1499 : vector<1x128x1xf32> to vector<128x1xf32>
    %sub3A_1501 = arith.subf %get3A_1495, %get3A_1485 : vector<128x1xf32>
    %sub3A_1502 = arith.subf %get3A_1500, %get3A_1490 : vector<128x1xf32>
    %mul3A_1503 = arith.mulf %sub3A_1501, %sub3A_1502 : vector<128x1xf32>
    %max3A_1504 = vector.broadcast %get3A_1485 : vector<128x1xf32> to vector<128x1024xf32>
    %max3A_1505 = vector.broadcast %get3A_1229 : vector<1x1024xf32> to vector<128x1024xf32>
    %max3A_1506 = arith.maximumf %max3A_1504, %max3A_1505 : vector<128x1024xf32>
    %max3A_1507 = vector.broadcast %get3A_1490 : vector<128x1xf32> to vector<128x1024xf32>
    %max3A_1508 = vector.broadcast %get3A_1234 : vector<1x1024xf32> to vector<128x1024xf32>
    %max3A_1509 = arith.maximumf %max3A_1507, %max3A_1508 : vector<128x1024xf32>
    %min3A_1510 = vector.broadcast %get3A_1495 : vector<128x1xf32> to vector<128x1024xf32>
    %min3A_1511 = vector.broadcast %get3A_1239 : vector<1x1024xf32> to vector<128x1024xf32>
    %min3A_1512 = arith.minimumf %min3A_1510, %min3A_1511 : vector<128x1024xf32>
    %min3A_1513 = vector.broadcast %get3A_1500 : vector<128x1xf32> to vector<128x1024xf32>
    %min3A_1514 = vector.broadcast %get3A_1244 : vector<1x1024xf32> to vector<128x1024xf32>
    %min3A_1515 = arith.minimumf %min3A_1513, %min3A_1514 : vector<128x1024xf32>
    %sub3A_1516 = arith.subf %min3A_1512, %max3A_1506 : vector<128x1024xf32>
    %max3A_1517 = arith.constant 0.000000e+00 : f32
    %max3A_1518 = vector.broadcast %max3A_1517 : f32 to vector<128x1024xf32>
    %max3A_1519 = arith.maximumf %sub3A_1516, %max3A_1518 : vector<128x1024xf32>
    %sub3A_1520 = arith.subf %min3A_1515, %max3A_1509 : vector<128x1024xf32>
    %max3A_1521 = arith.constant 0.000000e+00 : f32
    %max3A_1522 = vector.broadcast %max3A_1521 : f32 to vector<128x1024xf32>
    %max3A_1523 = arith.maximumf %sub3A_1520, %max3A_1522 : vector<128x1024xf32>
    %mul3A_1524 = arith.mulf %max3A_1519, %max3A_1523 : vector<128x1024xf32>
    %add3A_1525 = vector.broadcast %mul3A_1503 : vector<128x1xf32> to vector<128x1024xf32>
    %add3A_1526 = vector.broadcast %mul3A_1252 : vector<1x1024xf32> to vector<128x1024xf32>
    %add3A_1527 = arith.addf %add3A_1525, %add3A_1526 : vector<128x1024xf32>
    %sub3A_1528 = arith.subf %add3A_1527, %mul3A_1524 : vector<128x1024xf32>
    %gt3A_1529 = arith.constant 0.000000e+00 : f32
    %gt3A_1530 = vector.broadcast %gt3A_1529 : f32 to vector<128x1024xf32>
    %gt3A_1531 = arith.cmpf ogt, %sub3A_1528, %gt3A_1530 : vector<128x1024xf32>
    %div3A_1532 = arith.divf %mul3A_1524, %sub3A_1528 : vector<128x1024xf32>
    %jit3A_1533 = arith.constant 0.000000e+00 : f32
    %broadcast_in_dim3A_1534 = vector.broadcast %jit3A_1533 : f32 to vector<128x1024xf32>
    %select_n3A_1535 = arith.select %gt3A_1531, %div3A_1532, %broadcast_in_dim3A_1534 : vector<128x1024xi1>, vector<128x1024xf32>
    %iota3A_1536 = tpu.iota {dimensions = array<i32: 0>} : vector<128x1024xi32>
    %iota3A_1537 = tpu.iota {dimensions = array<i32: 1>} : vector<128x1024xi32>
    %gt3A_1538 = arith.constant 5.000000e-01 : f32
    %gt3A_1539 = vector.broadcast %gt3A_1538 : f32 to vector<128x1024xf32>
    %gt3A_1540 = arith.cmpf ogt, %select_n3A_1535, %gt3A_1539 : vector<128x1024xf32>
    %add3A_1541 = arith.constant 384 : i32
    %add3A_1542 = vector.broadcast %add3A_1541 : i32 to vector<128x1024xi32>
    %add3A_1543 = arith.addi %iota3A_1536, %add3A_1542 : vector<128x1024xi32>
    %lt3A_1544 = arith.cmpi slt, %add3A_1543, %iota3A_1537 : vector<128x1024xi32>
    %and3A_1545 = arith.andi %gt3A_1540, %lt3A_1544 : vector<128x1024xi1>
    %convert_element_type3A_1546 = arith.extui %and3A_1545 : vector<128x1024xi1> to vector<128x1024xi32>
    %convert_element_type3A_1547 = arith.sitofp %convert_element_type3A_1546 : vector<128x1024xi32> to vector<128x1024xf32>
    %swap3A_1548 = arith.constant 2 : index
    %swap3A_1549 = arith.constant 384 : index
    %swap3A_1550 = arith.constant 0 : index
    %swap3A_1551 = vector.load %arg4[%swap3A_1548, %swap3A_1549, %swap3A_1550] : memref<4x1024x1024xf32, #tpu.memory_space<vmem>>, vector<1x128x1024xf32>
    %swap3A_1552 = vector.shape_cast %swap3A_1551 : vector<1x128x1024xf32> to vector<128x1024xf32>
    %swap3A_1553 = vector.shape_cast %convert_element_type3A_1547 : vector<128x1024xf32> to vector<1x128x1024xf32>
    tpu.vector_store %arg4[%swap3A_1548, %swap3A_1549, %swap3A_1550], %swap3A_1553 {strides = array<i32>} : memref<4x1024x1024xf32, #tpu.memory_space<vmem>>, vector<1x128x1024xf32>,
    %get3A_1554 = arith.constant 2 : index
    %get3A_1555 = arith.constant 512 : index
    %get3A_1556 = arith.constant 0 : index
    %get3A_1557 = vector.load %arg2[%get3A_1554, %get3A_1555, %get3A_1556] : memref<4x1024x128xf32, #tpu.memory_space<vmem>>, vector<1x128x1xf32>
    %get3A_1558 = vector.shape_cast %get3A_1557 : vector<1x128x1xf32> to vector<128x1xf32>
    %get3A_1559 = arith.constant 2 : index
    %get3A_1560 = arith.constant 512 : index
    %get3A_1561 = arith.constant 1 : index
    %get3A_1562 = vector.load %arg2[%get3A_1559, %get3A_1560, %get3A_1561] : memref<4x1024x128xf32, #tpu.memory_space<vmem>>, vector<1x128x1xf32>
    %get3A_1563 = vector.shape_cast %get3A_1562 : vector<1x128x1xf32> to vector<128x1xf32>
    %get3A_1564 = arith.constant 2 : index
    %get3A_1565 = arith.constant 512 : index
    %get3A_1566 = arith.constant 2 : index
    %get3A_1567 = vector.load %arg2[%get3A_1564, %get3A_1565, %get3A_1566] : memref<4x1024x128xf32, #tpu.memory_space<vmem>>, vector<1x128x1xf32>
    %get3A_1568 = vector.shape_cast %get3A_1567 : vector<1x128x1xf32> to vector<128x1xf32>
    %get3A_1569 = arith.constant 2 : index
    %get3A_1570 = arith.constant 512 : index
    %get3A_1571 = arith.constant 3 : index
    %get3A_1572 = vector.load %arg2[%get3A_1569, %get3A_1570, %get3A_1571] : memref<4x1024x128xf32, #tpu.memory_space<vmem>>, vector<1x128x1xf32>
    %get3A_1573 = vector.shape_cast %get3A_1572 : vector<1x128x1xf32> to vector<128x1xf32>
    %sub3A_1574 = arith.subf %get3A_1568, %get3A_1558 : vector<128x1xf32>
    %sub3A_1575 = arith.subf %get3A_1573, %get3A_1563 : vector<128x1xf32>
    %mul3A_1576 = arith.mulf %sub3A_1574, %sub3A_1575 : vector<128x1xf32>
    %max3A_1577 = vector.broadcast %get3A_1558 : vector<128x1xf32> to vector<128x1024xf32>
    %max3A_1578 = vector.broadcast %get3A_1229 : vector<1x1024xf32> to vector<128x1024xf32>
    %max3A_1579 = arith.maximumf %max3A_1577, %max3A_1578 : vector<128x1024xf32>
    %max3A_1580 = vector.broadcast %get3A_1563 : vector<128x1xf32> to vector<128x1024xf32>
    %max3A_1581 = vector.broadcast %get3A_1234 : vector<1x1024xf32> to vector<128x1024xf32>
    %max3A_1582 = arith.maximumf %max3A_1580, %max3A_1581 : vector<128x1024xf32>
    %min3A_1583 = vector.broadcast %get3A_1568 : vector<128x1xf32> to vector<128x1024xf32>
    %min3A_1584 = vector.broadcast %get3A_1239 : vector<1x1024xf32> to vector<128x1024xf32>
    %min3A_1585 = arith.minimumf %min3A_1583, %min3A_1584 : vector<128x1024xf32>
    %min3A_1586 = vector.broadcast %get3A_1573 : vector<128x1xf32> to vector<128x1024xf32>
    %min3A_1587 = vector.broadcast %get3A_1244 : vector<1x1024xf32> to vector<128x1024xf32>
    %min3A_1588 = arith.minimumf %min3A_1586, %min3A_1587 : vector<128x1024xf32>
    %sub3A_1589 = arith.subf %min3A_1585, %max3A_1579 : vector<128x1024xf32>
    %max3A_1590 = arith.constant 0.000000e+00 : f32
    %max3A_1591 = vector.broadcast %max3A_1590 : f32 to vector<128x1024xf32>
    %max3A_1592 = arith.maximumf %sub3A_1589, %max3A_1591 : vector<128x1024xf32>
    %sub3A_1593 = arith.subf %min3A_1588, %max3A_1582 : vector<128x1024xf32>
    %max3A_1594 = arith.constant 0.000000e+00 : f32
    %max3A_1595 = vector.broadcast %max3A_1594 : f32 to vector<128x1024xf32>
    %max3A_1596 = arith.maximumf %sub3A_1593, %max3A_1595 : vector<128x1024xf32>
    %mul3A_1597 = arith.mulf %max3A_1592, %max3A_1596 : vector<128x1024xf32>
    %add3A_1598 = vector.broadcast %mul3A_1576 : vector<128x1xf32> to vector<128x1024xf32>
    %add3A_1599 = vector.broadcast %mul3A_1252 : vector<1x1024xf32> to vector<128x1024xf32>
    %add3A_1600 = arith.addf %add3A_1598, %add3A_1599 : vector<128x1024xf32>
    %sub3A_1601 = arith.subf %add3A_1600, %mul3A_1597 : vector<128x1024xf32>
    %gt3A_1602 = arith.constant 0.000000e+00 : f32
    %gt3A_1603 = vector.broadcast %gt3A_1602 : f32 to vector<128x1024xf32>
    %gt3A_1604 = arith.cmpf ogt, %sub3A_1601, %gt3A_1603 : vector<128x1024xf32>
    %div3A_1605 = arith.divf %mul3A_1597, %sub3A_1601 : vector<128x1024xf32>
    %jit3A_1606 = arith.constant 0.000000e+00 : f32
    %broadcast_in_dim3A_1607 = vector.broadcast %jit3A_1606 : f32 to vector<128x1024xf32>
    %select_n3A_1608 = arith.select %gt3A_1604, %div3A_1605, %broadcast_in_dim3A_1607 : vector<128x1024xi1>, vector<128x1024xf32>
    %iota3A_1609 = tpu.iota {dimensions = array<i32: 0>} : vector<128x1024xi32>
    %iota3A_1610 = tpu.iota {dimensions = array<i32: 1>} : vector<128x1024xi32>
    %gt3A_1611 = arith.constant 5.000000e-01 : f32
    %gt3A_1612 = vector.broadcast %gt3A_1611 : f32 to vector<128x1024xf32>
    %gt3A_1613 = arith.cmpf ogt, %select_n3A_1608, %gt3A_1612 : vector<128x1024xf32>
    %add3A_1614 = arith.constant 512 : i32
    %add3A_1615 = vector.broadcast %add3A_1614 : i32 to vector<128x1024xi32>
    %add3A_1616 = arith.addi %iota3A_1609, %add3A_1615 : vector<128x1024xi32>
    %lt3A_1617 = arith.cmpi slt, %add3A_1616, %iota3A_1610 : vector<128x1024xi32>
    %and3A_1618 = arith.andi %gt3A_1613, %lt3A_1617 : vector<128x1024xi1>
    %convert_element_type3A_1619 = arith.extui %and3A_1618 : vector<128x1024xi1> to vector<128x1024xi32>
    %convert_element_type3A_1620 = arith.sitofp %convert_element_type3A_1619 : vector<128x1024xi32> to vector<128x1024xf32>
    %swap3A_1621 = arith.constant 2 : index
    %swap3A_1622 = arith.constant 512 : index
    %swap3A_1623 = arith.constant 0 : index
    %swap3A_1624 = vector.load %arg4[%swap3A_1621, %swap3A_1622, %swap3A_1623] : memref<4x1024x1024xf32, #tpu.memory_space<vmem>>, vector<1x128x1024xf32>
    %swap3A_1625 = vector.shape_cast %swap3A_1624 : vector<1x128x1024xf32> to vector<128x1024xf32>
    %swap3A_1626 = vector.shape_cast %convert_element_type3A_1620 : vector<128x1024xf32> to vector<1x128x1024xf32>
    tpu.vector_store %arg4[%swap3A_1621, %swap3A_1622, %swap3A_1623], %swap3A_1626 {strides = array<i32>} : memref<4x1024x1024xf32, #tpu.memory_space<vmem>>, vector<1x128x1024xf32>,
    %get3A_1627 = arith.constant 2 : index
    %get3A_1628 = arith.constant 640 : index
    %get3A_1629 = arith.constant 0 : index
    %get3A_1630 = vector.load %arg2[%get3A_1627, %get3A_1628, %get3A_1629] : memref<4x1024x128xf32, #tpu.memory_space<vmem>>, vector<1x128x1xf32>
    %get3A_1631 = vector.shape_cast %get3A_1630 : vector<1x128x1xf32> to vector<128x1xf32>
    %get3A_1632 = arith.constant 2 : index
    %get3A_1633 = arith.constant 640 : index
    %get3A_1634 = arith.constant 1 : index
    %get3A_1635 = vector.load %arg2[%get3A_1632, %get3A_1633, %get3A_1634] : memref<4x1024x128xf32, #tpu.memory_space<vmem>>, vector<1x128x1xf32>
    %get3A_1636 = vector.shape_cast %get3A_1635 : vector<1x128x1xf32> to vector<128x1xf32>
    %get3A_1637 = arith.constant 2 : index
    %get3A_1638 = arith.constant 640 : index
    %get3A_1639 = arith.constant 2 : index
    %get3A_1640 = vector.load %arg2[%get3A_1637, %get3A_1638, %get3A_1639] : memref<4x1024x128xf32, #tpu.memory_space<vmem>>, vector<1x128x1xf32>
    %get3A_1641 = vector.shape_cast %get3A_1640 : vector<1x128x1xf32> to vector<128x1xf32>
    %get3A_1642 = arith.constant 2 : index
    %get3A_1643 = arith.constant 640 : index
    %get3A_1644 = arith.constant 3 : index
    %get3A_1645 = vector.load %arg2[%get3A_1642, %get3A_1643, %get3A_1644] : memref<4x1024x128xf32, #tpu.memory_space<vmem>>, vector<1x128x1xf32>
    %get3A_1646 = vector.shape_cast %get3A_1645 : vector<1x128x1xf32> to vector<128x1xf32>
    %sub3A_1647 = arith.subf %get3A_1641, %get3A_1631 : vector<128x1xf32>
    %sub3A_1648 = arith.subf %get3A_1646, %get3A_1636 : vector<128x1xf32>
    %mul3A_1649 = arith.mulf %sub3A_1647, %sub3A_1648 : vector<128x1xf32>
    %max3A_1650 = vector.broadcast %get3A_1631 : vector<128x1xf32> to vector<128x1024xf32>
    %max3A_1651 = vector.broadcast %get3A_1229 : vector<1x1024xf32> to vector<128x1024xf32>
    %max3A_1652 = arith.maximumf %max3A_1650, %max3A_1651 : vector<128x1024xf32>
    %max3A_1653 = vector.broadcast %get3A_1636 : vector<128x1xf32> to vector<128x1024xf32>
    %max3A_1654 = vector.broadcast %get3A_1234 : vector<1x1024xf32> to vector<128x1024xf32>
    %max3A_1655 = arith.maximumf %max3A_1653, %max3A_1654 : vector<128x1024xf32>
    %min3A_1656 = vector.broadcast %get3A_1641 : vector<128x1xf32> to vector<128x1024xf32>
    %min3A_1657 = vector.broadcast %get3A_1239 : vector<1x1024xf32> to vector<128x1024xf32>
    %min3A_1658 = arith.minimumf %min3A_1656, %min3A_1657 : vector<128x1024xf32>
    %min3A_1659 = vector.broadcast %get3A_1646 : vector<128x1xf32> to vector<128x1024xf32>
    %min3A_1660 = vector.broadcast %get3A_1244 : vector<1x1024xf32> to vector<128x1024xf32>
    %min3A_1661 = arith.minimumf %min3A_1659, %min3A_1660 : vector<128x1024xf32>
    %sub3A_1662 = arith.subf %min3A_1658, %max3A_1652 : vector<128x1024xf32>
    %max3A_1663 = arith.constant 0.000000e+00 : f32
    %max3A_1664 = vector.broadcast %max3A_1663 : f32 to vector<128x1024xf32>
    %max3A_1665 = arith.maximumf %sub3A_1662, %max3A_1664 : vector<128x1024xf32>
    %sub3A_1666 = arith.subf %min3A_1661, %max3A_1655 : vector<128x1024xf32>
    %max3A_1667 = arith.constant 0.000000e+00 : f32
    %max3A_1668 = vector.broadcast %max3A_1667 : f32 to vector<128x1024xf32>
    %max3A_1669 = arith.maximumf %sub3A_1666, %max3A_1668 : vector<128x1024xf32>
    %mul3A_1670 = arith.mulf %max3A_1665, %max3A_1669 : vector<128x1024xf32>
    %add3A_1671 = vector.broadcast %mul3A_1649 : vector<128x1xf32> to vector<128x1024xf32>
    %add3A_1672 = vector.broadcast %mul3A_1252 : vector<1x1024xf32> to vector<128x1024xf32>
    %add3A_1673 = arith.addf %add3A_1671, %add3A_1672 : vector<128x1024xf32>
    %sub3A_1674 = arith.subf %add3A_1673, %mul3A_1670 : vector<128x1024xf32>
    %gt3A_1675 = arith.constant 0.000000e+00 : f32
    %gt3A_1676 = vector.broadcast %gt3A_1675 : f32 to vector<128x1024xf32>
    %gt3A_1677 = arith.cmpf ogt, %sub3A_1674, %gt3A_1676 : vector<128x1024xf32>
    %div3A_1678 = arith.divf %mul3A_1670, %sub3A_1674 : vector<128x1024xf32>
    %jit3A_1679 = arith.constant 0.000000e+00 : f32
    %broadcast_in_dim3A_1680 = vector.broadcast %jit3A_1679 : f32 to vector<128x1024xf32>
    %select_n3A_1681 = arith.select %gt3A_1677, %div3A_1678, %broadcast_in_dim3A_1680 : vector<128x1024xi1>, vector<128x1024xf32>
    %iota3A_1682 = tpu.iota {dimensions = array<i32: 0>} : vector<128x1024xi32>
    %iota3A_1683 = tpu.iota {dimensions = array<i32: 1>} : vector<128x1024xi32>
    %gt3A_1684 = arith.constant 5.000000e-01 : f32
    %gt3A_1685 = vector.broadcast %gt3A_1684 : f32 to vector<128x1024xf32>
    %gt3A_1686 = arith.cmpf ogt, %select_n3A_1681, %gt3A_1685 : vector<128x1024xf32>
    %add3A_1687 = arith.constant 640 : i32
    %add3A_1688 = vector.broadcast %add3A_1687 : i32 to vector<128x1024xi32>
    %add3A_1689 = arith.addi %iota3A_1682, %add3A_1688 : vector<128x1024xi32>
    %lt3A_1690 = arith.cmpi slt, %add3A_1689, %iota3A_1683 : vector<128x1024xi32>
    %and3A_1691 = arith.andi %gt3A_1686, %lt3A_1690 : vector<128x1024xi1>
    %convert_element_type3A_1692 = arith.extui %and3A_1691 : vector<128x1024xi1> to vector<128x1024xi32>
    %convert_element_type3A_1693 = arith.sitofp %convert_element_type3A_1692 : vector<128x1024xi32> to vector<128x1024xf32>
    %swap3A_1694 = arith.constant 2 : index
    %swap3A_1695 = arith.constant 640 : index
    %swap3A_1696 = arith.constant 0 : index
    %swap3A_1697 = vector.load %arg4[%swap3A_1694, %swap3A_1695, %swap3A_1696] : memref<4x1024x1024xf32, #tpu.memory_space<vmem>>, vector<1x128x1024xf32>
    %swap3A_1698 = vector.shape_cast %swap3A_1697 : vector<1x128x1024xf32> to vector<128x1024xf32>
    %swap3A_1699 = vector.shape_cast %convert_element_type3A_1693 : vector<128x1024xf32> to vector<1x128x1024xf32>
    tpu.vector_store %arg4[%swap3A_1694, %swap3A_1695, %swap3A_1696], %swap3A_1699 {strides = array<i32>} : memref<4x1024x1024xf32, #tpu.memory_space<vmem>>, vector<1x128x1024xf32>,
    %get3A_1700 = arith.constant 2 : index
    %get3A_1701 = arith.constant 768 : index
    %get3A_1702 = arith.constant 0 : index
    %get3A_1703 = vector.load %arg2[%get3A_1700, %get3A_1701, %get3A_1702] : memref<4x1024x128xf32, #tpu.memory_space<vmem>>, vector<1x128x1xf32>
    %get3A_1704 = vector.shape_cast %get3A_1703 : vector<1x128x1xf32> to vector<128x1xf32>
    %get3A_1705 = arith.constant 2 : index
    %get3A_1706 = arith.constant 768 : index
    %get3A_1707 = arith.constant 1 : index
    %get3A_1708 = vector.load %arg2[%get3A_1705, %get3A_1706, %get3A_1707] : memref<4x1024x128xf32, #tpu.memory_space<vmem>>, vector<1x128x1xf32>
    %get3A_1709 = vector.shape_cast %get3A_1708 : vector<1x128x1xf32> to vector<128x1xf32>
    %get3A_1710 = arith.constant 2 : index
    %get3A_1711 = arith.constant 768 : index
    %get3A_1712 = arith.constant 2 : index
    %get3A_1713 = vector.load %arg2[%get3A_1710, %get3A_1711, %get3A_1712] : memref<4x1024x128xf32, #tpu.memory_space<vmem>>, vector<1x128x1xf32>
    %get3A_1714 = vector.shape_cast %get3A_1713 : vector<1x128x1xf32> to vector<128x1xf32>
    %get3A_1715 = arith.constant 2 : index
    %get3A_1716 = arith.constant 768 : index
    %get3A_1717 = arith.constant 3 : index
    %get3A_1718 = vector.load %arg2[%get3A_1715, %get3A_1716, %get3A_1717] : memref<4x1024x128xf32, #tpu.memory_space<vmem>>, vector<1x128x1xf32>
    %get3A_1719 = vector.shape_cast %get3A_1718 : vector<1x128x1xf32> to vector<128x1xf32>
    %sub3A_1720 = arith.subf %get3A_1714, %get3A_1704 : vector<128x1xf32>
    %sub3A_1721 = arith.subf %get3A_1719, %get3A_1709 : vector<128x1xf32>
    %mul3A_1722 = arith.mulf %sub3A_1720, %sub3A_1721 : vector<128x1xf32>
    %max3A_1723 = vector.broadcast %get3A_1704 : vector<128x1xf32> to vector<128x1024xf32>
    %max3A_1724 = vector.broadcast %get3A_1229 : vector<1x1024xf32> to vector<128x1024xf32>
    %max3A_1725 = arith.maximumf %max3A_1723, %max3A_1724 : vector<128x1024xf32>
    %max3A_1726 = vector.broadcast %get3A_1709 : vector<128x1xf32> to vector<128x1024xf32>
    %max3A_1727 = vector.broadcast %get3A_1234 : vector<1x1024xf32> to vector<128x1024xf32>
    %max3A_1728 = arith.maximumf %max3A_1726, %max3A_1727 : vector<128x1024xf32>
    %min3A_1729 = vector.broadcast %get3A_1714 : vector<128x1xf32> to vector<128x1024xf32>
    %min3A_1730 = vector.broadcast %get3A_1239 : vector<1x1024xf32> to vector<128x1024xf32>
    %min3A_1731 = arith.minimumf %min3A_1729, %min3A_1730 : vector<128x1024xf32>
    %min3A_1732 = vector.broadcast %get3A_1719 : vector<128x1xf32> to vector<128x1024xf32>
    %min3A_1733 = vector.broadcast %get3A_1244 : vector<1x1024xf32> to vector<128x1024xf32>
    %min3A_1734 = arith.minimumf %min3A_1732, %min3A_1733 : vector<128x1024xf32>
    %sub3A_1735 = arith.subf %min3A_1731, %max3A_1725 : vector<128x1024xf32>
    %max3A_1736 = arith.constant 0.000000e+00 : f32
    %max3A_1737 = vector.broadcast %max3A_1736 : f32 to vector<128x1024xf32>
    %max3A_1738 = arith.maximumf %sub3A_1735, %max3A_1737 : vector<128x1024xf32>
    %sub3A_1739 = arith.subf %min3A_1734, %max3A_1728 : vector<128x1024xf32>
    %max3A_1740 = arith.constant 0.000000e+00 : f32
    %max3A_1741 = vector.broadcast %max3A_1740 : f32 to vector<128x1024xf32>
    %max3A_1742 = arith.maximumf %sub3A_1739, %max3A_1741 : vector<128x1024xf32>
    %mul3A_1743 = arith.mulf %max3A_1738, %max3A_1742 : vector<128x1024xf32>
    %add3A_1744 = vector.broadcast %mul3A_1722 : vector<128x1xf32> to vector<128x1024xf32>
    %add3A_1745 = vector.broadcast %mul3A_1252 : vector<1x1024xf32> to vector<128x1024xf32>
    %add3A_1746 = arith.addf %add3A_1744, %add3A_1745 : vector<128x1024xf32>
    %sub3A_1747 = arith.subf %add3A_1746, %mul3A_1743 : vector<128x1024xf32>
    %gt3A_1748 = arith.constant 0.000000e+00 : f32
    %gt3A_1749 = vector.broadcast %gt3A_1748 : f32 to vector<128x1024xf32>
    %gt3A_1750 = arith.cmpf ogt, %sub3A_1747, %gt3A_1749 : vector<128x1024xf32>
    %div3A_1751 = arith.divf %mul3A_1743, %sub3A_1747 : vector<128x1024xf32>
    %jit3A_1752 = arith.constant 0.000000e+00 : f32
    %broadcast_in_dim3A_1753 = vector.broadcast %jit3A_1752 : f32 to vector<128x1024xf32>
    %select_n3A_1754 = arith.select %gt3A_1750, %div3A_1751, %broadcast_in_dim3A_1753 : vector<128x1024xi1>, vector<128x1024xf32>
    %iota3A_1755 = tpu.iota {dimensions = array<i32: 0>} : vector<128x1024xi32>
    %iota3A_1756 = tpu.iota {dimensions = array<i32: 1>} : vector<128x1024xi32>
    %gt3A_1757 = arith.constant 5.000000e-01 : f32
    %gt3A_1758 = vector.broadcast %gt3A_1757 : f32 to vector<128x1024xf32>
    %gt3A_1759 = arith.cmpf ogt, %select_n3A_1754, %gt3A_1758 : vector<128x1024xf32>
    %add3A_1760 = arith.constant 768 : i32
    %add3A_1761 = vector.broadcast %add3A_1760 : i32 to vector<128x1024xi32>
    %add3A_1762 = arith.addi %iota3A_1755, %add3A_1761 : vector<128x1024xi32>
    %lt3A_1763 = arith.cmpi slt, %add3A_1762, %iota3A_1756 : vector<128x1024xi32>
    %and3A_1764 = arith.andi %gt3A_1759, %lt3A_1763 : vector<128x1024xi1>
    %convert_element_type3A_1765 = arith.extui %and3A_1764 : vector<128x1024xi1> to vector<128x1024xi32>
    %convert_element_type3A_1766 = arith.sitofp %convert_element_type3A_1765 : vector<128x1024xi32> to vector<128x1024xf32>
    %swap3A_1767 = arith.constant 2 : index
    %swap3A_1768 = arith.constant 768 : index
    %swap3A_1769 = arith.constant 0 : index
    %swap3A_1770 = vector.load %arg4[%swap3A_1767, %swap3A_1768, %swap3A_1769] : memref<4x1024x1024xf32, #tpu.memory_space<vmem>>, vector<1x128x1024xf32>
    %swap3A_1771 = vector.shape_cast %swap3A_1770 : vector<1x128x1024xf32> to vector<128x1024xf32>
    %swap3A_1772 = vector.shape_cast %convert_element_type3A_1766 : vector<128x1024xf32> to vector<1x128x1024xf32>
    tpu.vector_store %arg4[%swap3A_1767, %swap3A_1768, %swap3A_1769], %swap3A_1772 {strides = array<i32>} : memref<4x1024x1024xf32, #tpu.memory_space<vmem>>, vector<1x128x1024xf32>,
    %get3A_1773 = arith.constant 2 : index
    %get3A_1774 = arith.constant 896 : index
    %get3A_1775 = arith.constant 0 : index
    %get3A_1776 = vector.load %arg2[%get3A_1773, %get3A_1774, %get3A_1775] : memref<4x1024x128xf32, #tpu.memory_space<vmem>>, vector<1x128x1xf32>
    %get3A_1777 = vector.shape_cast %get3A_1776 : vector<1x128x1xf32> to vector<128x1xf32>
    %get3A_1778 = arith.constant 2 : index
    %get3A_1779 = arith.constant 896 : index
    %get3A_1780 = arith.constant 1 : index
    %get3A_1781 = vector.load %arg2[%get3A_1778, %get3A_1779, %get3A_1780] : memref<4x1024x128xf32, #tpu.memory_space<vmem>>, vector<1x128x1xf32>
    %get3A_1782 = vector.shape_cast %get3A_1781 : vector<1x128x1xf32> to vector<128x1xf32>
    %get3A_1783 = arith.constant 2 : index
    %get3A_1784 = arith.constant 896 : index
    %get3A_1785 = arith.constant 2 : index
    %get3A_1786 = vector.load %arg2[%get3A_1783, %get3A_1784, %get3A_1785] : memref<4x1024x128xf32, #tpu.memory_space<vmem>>, vector<1x128x1xf32>
    %get3A_1787 = vector.shape_cast %get3A_1786 : vector<1x128x1xf32> to vector<128x1xf32>
    %get3A_1788 = arith.constant 2 : index
    %get3A_1789 = arith.constant 896 : index
    %get3A_1790 = arith.constant 3 : index
    %get3A_1791 = vector.load %arg2[%get3A_1788, %get3A_1789, %get3A_1790] : memref<4x1024x128xf32, #tpu.memory_space<vmem>>, vector<1x128x1xf32>
    %get3A_1792 = vector.shape_cast %get3A_1791 : vector<1x128x1xf32> to vector<128x1xf32>
    %sub3A_1793 = arith.subf %get3A_1787, %get3A_1777 : vector<128x1xf32>
    %sub3A_1794 = arith.subf %get3A_1792, %get3A_1782 : vector<128x1xf32>
    %mul3A_1795 = arith.mulf %sub3A_1793, %sub3A_1794 : vector<128x1xf32>
    %max3A_1796 = vector.broadcast %get3A_1777 : vector<128x1xf32> to vector<128x1024xf32>
    %max3A_1797 = vector.broadcast %get3A_1229 : vector<1x1024xf32> to vector<128x1024xf32>
    %max3A_1798 = arith.maximumf %max3A_1796, %max3A_1797 : vector<128x1024xf32>
    %max3A_1799 = vector.broadcast %get3A_1782 : vector<128x1xf32> to vector<128x1024xf32>
    %max3A_1800 = vector.broadcast %get3A_1234 : vector<1x1024xf32> to vector<128x1024xf32>
    %max3A_1801 = arith.maximumf %max3A_1799, %max3A_1800 : vector<128x1024xf32>
    %min3A_1802 = vector.broadcast %get3A_1787 : vector<128x1xf32> to vector<128x1024xf32>
    %min3A_1803 = vector.broadcast %get3A_1239 : vector<1x1024xf32> to vector<128x1024xf32>
    %min3A_1804 = arith.minimumf %min3A_1802, %min3A_1803 : vector<128x1024xf32>
    %min3A_1805 = vector.broadcast %get3A_1792 : vector<128x1xf32> to vector<128x1024xf32>
    %min3A_1806 = vector.broadcast %get3A_1244 : vector<1x1024xf32> to vector<128x1024xf32>
    %min3A_1807 = arith.minimumf %min3A_1805, %min3A_1806 : vector<128x1024xf32>
    %sub3A_1808 = arith.subf %min3A_1804, %max3A_1798 : vector<128x1024xf32>
    %max3A_1809 = arith.constant 0.000000e+00 : f32
    %max3A_1810 = vector.broadcast %max3A_1809 : f32 to vector<128x1024xf32>
    %max3A_1811 = arith.maximumf %sub3A_1808, %max3A_1810 : vector<128x1024xf32>
    %sub3A_1812 = arith.subf %min3A_1807, %max3A_1801 : vector<128x1024xf32>
    %max3A_1813 = arith.constant 0.000000e+00 : f32
    %max3A_1814 = vector.broadcast %max3A_1813 : f32 to vector<128x1024xf32>
    %max3A_1815 = arith.maximumf %sub3A_1812, %max3A_1814 : vector<128x1024xf32>
    %mul3A_1816 = arith.mulf %max3A_1811, %max3A_1815 : vector<128x1024xf32>
    %add3A_1817 = vector.broadcast %mul3A_1795 : vector<128x1xf32> to vector<128x1024xf32>
    %add3A_1818 = vector.broadcast %mul3A_1252 : vector<1x1024xf32> to vector<128x1024xf32>
    %add3A_1819 = arith.addf %add3A_1817, %add3A_1818 : vector<128x1024xf32>
    %sub3A_1820 = arith.subf %add3A_1819, %mul3A_1816 : vector<128x1024xf32>
    %gt3A_1821 = arith.constant 0.000000e+00 : f32
    %gt3A_1822 = vector.broadcast %gt3A_1821 : f32 to vector<128x1024xf32>
    %gt3A_1823 = arith.cmpf ogt, %sub3A_1820, %gt3A_1822 : vector<128x1024xf32>
    %div3A_1824 = arith.divf %mul3A_1816, %sub3A_1820 : vector<128x1024xf32>
    %jit3A_1825 = arith.constant 0.000000e+00 : f32
    %broadcast_in_dim3A_1826 = vector.broadcast %jit3A_1825 : f32 to vector<128x1024xf32>
    %select_n3A_1827 = arith.select %gt3A_1823, %div3A_1824, %broadcast_in_dim3A_1826 : vector<128x1024xi1>, vector<128x1024xf32>
    %iota3A_1828 = tpu.iota {dimensions = array<i32: 0>} : vector<128x1024xi32>
    %iota3A_1829 = tpu.iota {dimensions = array<i32: 1>} : vector<128x1024xi32>
    %gt3A_1830 = arith.constant 5.000000e-01 : f32
    %gt3A_1831 = vector.broadcast %gt3A_1830 : f32 to vector<128x1024xf32>
    %gt3A_1832 = arith.cmpf ogt, %select_n3A_1827, %gt3A_1831 : vector<128x1024xf32>
    %add3A_1833 = arith.constant 896 : i32
    %add3A_1834 = vector.broadcast %add3A_1833 : i32 to vector<128x1024xi32>
    %add3A_1835 = arith.addi %iota3A_1828, %add3A_1834 : vector<128x1024xi32>
    %lt3A_1836 = arith.cmpi slt, %add3A_1835, %iota3A_1829 : vector<128x1024xi32>
    %and3A_1837 = arith.andi %gt3A_1832, %lt3A_1836 : vector<128x1024xi1>
    %convert_element_type3A_1838 = arith.extui %and3A_1837 : vector<128x1024xi1> to vector<128x1024xi32>
    %convert_element_type3A_1839 = arith.sitofp %convert_element_type3A_1838 : vector<128x1024xi32> to vector<128x1024xf32>
    %swap3A_1840 = arith.constant 2 : index
    %swap3A_1841 = arith.constant 896 : index
    %swap3A_1842 = arith.constant 0 : index
    %swap3A_1843 = vector.load %arg4[%swap3A_1840, %swap3A_1841, %swap3A_1842] : memref<4x1024x1024xf32, #tpu.memory_space<vmem>>, vector<1x128x1024xf32>
    %swap3A_1844 = vector.shape_cast %swap3A_1843 : vector<1x128x1024xf32> to vector<128x1024xf32>
    %swap3A_1845 = vector.shape_cast %convert_element_type3A_1839 : vector<128x1024xf32> to vector<1x128x1024xf32>
    tpu.vector_store %arg4[%swap3A_1840, %swap3A_1841, %swap3A_1842], %swap3A_1845 {strides = array<i32>} : memref<4x1024x1024xf32, #tpu.memory_space<vmem>>, vector<1x128x1024xf32>,
    %get3A_1846 = arith.constant 3 : index
    %get3A_1847 = arith.constant 0 : index
    %get3A_1848 = arith.constant 0 : index
    %get3A_1849 = vector.load %arg1[%get3A_1846, %get3A_1847, %get3A_1848] : memref<4x8x1024xf32, #tpu.memory_space<vmem>>, vector<1x1x1024xf32>
    %get3A_1850 = vector.shape_cast %get3A_1849 : vector<1x1x1024xf32> to vector<1x1024xf32>
    %get3A_1851 = arith.constant 3 : index
    %get3A_1852 = arith.constant 1 : index
    %get3A_1853 = arith.constant 0 : index
    %get3A_1854 = vector.load %arg1[%get3A_1851, %get3A_1852, %get3A_1853] : memref<4x8x1024xf32, #tpu.memory_space<vmem>>, vector<1x1x1024xf32>
    %get3A_1855 = vector.shape_cast %get3A_1854 : vector<1x1x1024xf32> to vector<1x1024xf32>
    %get3A_1856 = arith.constant 3 : index
    %get3A_1857 = arith.constant 2 : index
    %get3A_1858 = arith.constant 0 : index
    %get3A_1859 = vector.load %arg1[%get3A_1856, %get3A_1857, %get3A_1858] : memref<4x8x1024xf32, #tpu.memory_space<vmem>>, vector<1x1x1024xf32>
    %get3A_1860 = vector.shape_cast %get3A_1859 : vector<1x1x1024xf32> to vector<1x1024xf32>
    %get3A_1861 = arith.constant 3 : index
    %get3A_1862 = arith.constant 3 : index
    %get3A_1863 = arith.constant 0 : index
    %get3A_1864 = vector.load %arg1[%get3A_1861, %get3A_1862, %get3A_1863] : memref<4x8x1024xf32, #tpu.memory_space<vmem>>, vector<1x1x1024xf32>
    %get3A_1865 = vector.shape_cast %get3A_1864 : vector<1x1x1024xf32> to vector<1x1024xf32>
    %get3A_1866 = arith.constant 3 : index
    %get3A_1867 = arith.constant 5 : index
    %get3A_1868 = arith.constant 0 : index
    %get3A_1869 = vector.load %arg1[%get3A_1866, %get3A_1867, %get3A_1868] : memref<4x8x1024xf32, #tpu.memory_space<vmem>>, vector<1x1x1024xf32>
    %get3A_1870 = vector.shape_cast %get3A_1869 : vector<1x1x1024xf32> to vector<1x1024xf32>
    %sub3A_1871 = arith.subf %get3A_1860, %get3A_1850 : vector<1x1024xf32>
    %sub3A_1872 = arith.subf %get3A_1865, %get3A_1855 : vector<1x1024xf32>
    %mul3A_1873 = arith.mulf %sub3A_1871, %sub3A_1872 : vector<1x1024xf32>
    %ge3A_1874 = arith.constant 5.000000e-02 : f32
    %ge3A_1875 = vector.broadcast %ge3A_1874 : f32 to vector<1x1024xf32>
    %ge3A_1876 = arith.cmpf oge, %get3A_1870, %ge3A_1875 : vector<1x1024xf32>
    %lt3A_1877 = arith.cmpf olt, %get3A_1850, %get3A_1860 : vector<1x1024xf32>
    %and3A_1878 = arith.andi %ge3A_1876, %lt3A_1877 : vector<1x1024xi1>
    %lt3A_1879 = arith.cmpf olt, %get3A_1855, %get3A_1865 : vector<1x1024xf32>
    %and3A_1880 = arith.andi %and3A_1878, %lt3A_1879 : vector<1x1024xi1>
    %convert_element_type3A_1881 = arith.extui %and3A_1880 : vector<1x1024xi1> to vector<1x1024xi32>
    %convert_element_type3A_1882 = arith.sitofp %convert_element_type3A_1881 : vector<1x1024xi32> to vector<1x1024xf32>
    %get3A_1883 = arith.constant 3 : index
    %get3A_1884 = arith.constant 0 : index
    %get3A_1885 = arith.constant 0 : index
    %get3A_1886 = vector.load %arg2[%get3A_1883, %get3A_1884, %get3A_1885] : memref<4x1024x128xf32, #tpu.memory_space<vmem>>, vector<1x128x1xf32>
    %get3A_1887 = vector.shape_cast %get3A_1886 : vector<1x128x1xf32> to vector<128x1xf32>
    %get3A_1888 = arith.constant 3 : index
    %get3A_1889 = arith.constant 0 : index
    %get3A_1890 = arith.constant 1 : index
    %get3A_1891 = vector.load %arg2[%get3A_1888, %get3A_1889, %get3A_1890] : memref<4x1024x128xf32, #tpu.memory_space<vmem>>, vector<1x128x1xf32>
    %get3A_1892 = vector.shape_cast %get3A_1891 : vector<1x128x1xf32> to vector<128x1xf32>
    %get3A_1893 = arith.constant 3 : index
    %get3A_1894 = arith.constant 0 : index
    %get3A_1895 = arith.constant 2 : index
    %get3A_1896 = vector.load %arg2[%get3A_1893, %get3A_1894, %get3A_1895] : memref<4x1024x128xf32, #tpu.memory_space<vmem>>, vector<1x128x1xf32>
    %get3A_1897 = vector.shape_cast %get3A_1896 : vector<1x128x1xf32> to vector<128x1xf32>
    %get3A_1898 = arith.constant 3 : index
    %get3A_1899 = arith.constant 0 : index
    %get3A_1900 = arith.constant 3 : index
    %get3A_1901 = vector.load %arg2[%get3A_1898, %get3A_1899, %get3A_1900] : memref<4x1024x128xf32, #tpu.memory_space<vmem>>, vector<1x128x1xf32>
    %get3A_1902 = vector.shape_cast %get3A_1901 : vector<1x128x1xf32> to vector<128x1xf32>
    %sub3A_1903 = arith.subf %get3A_1897, %get3A_1887 : vector<128x1xf32>
    %sub3A_1904 = arith.subf %get3A_1902, %get3A_1892 : vector<128x1xf32>
    %mul3A_1905 = arith.mulf %sub3A_1903, %sub3A_1904 : vector<128x1xf32>
    %max3A_1906 = vector.broadcast %get3A_1887 : vector<128x1xf32> to vector<128x1024xf32>
    %max3A_1907 = vector.broadcast %get3A_1850 : vector<1x1024xf32> to vector<128x1024xf32>
    %max3A_1908 = arith.maximumf %max3A_1906, %max3A_1907 : vector<128x1024xf32>
    %max3A_1909 = vector.broadcast %get3A_1892 : vector<128x1xf32> to vector<128x1024xf32>
    %max3A_1910 = vector.broadcast %get3A_1855 : vector<1x1024xf32> to vector<128x1024xf32>
    %max3A_1911 = arith.maximumf %max3A_1909, %max3A_1910 : vector<128x1024xf32>
    %min3A_1912 = vector.broadcast %get3A_1897 : vector<128x1xf32> to vector<128x1024xf32>
    %min3A_1913 = vector.broadcast %get3A_1860 : vector<1x1024xf32> to vector<128x1024xf32>
    %min3A_1914 = arith.minimumf %min3A_1912, %min3A_1913 : vector<128x1024xf32>
    %min3A_1915 = vector.broadcast %get3A_1902 : vector<128x1xf32> to vector<128x1024xf32>
    %min3A_1916 = vector.broadcast %get3A_1865 : vector<1x1024xf32> to vector<128x1024xf32>
    %min3A_1917 = arith.minimumf %min3A_1915, %min3A_1916 : vector<128x1024xf32>
    %sub3A_1918 = arith.subf %min3A_1914, %max3A_1908 : vector<128x1024xf32>
    %max3A_1919 = arith.constant 0.000000e+00 : f32
    %max3A_1920 = vector.broadcast %max3A_1919 : f32 to vector<128x1024xf32>
    %max3A_1921 = arith.maximumf %sub3A_1918, %max3A_1920 : vector<128x1024xf32>
    %sub3A_1922 = arith.subf %min3A_1917, %max3A_1911 : vector<128x1024xf32>
    %max3A_1923 = arith.constant 0.000000e+00 : f32
    %max3A_1924 = vector.broadcast %max3A_1923 : f32 to vector<128x1024xf32>
    %max3A_1925 = arith.maximumf %sub3A_1922, %max3A_1924 : vector<128x1024xf32>
    %mul3A_1926 = arith.mulf %max3A_1921, %max3A_1925 : vector<128x1024xf32>
    %add3A_1927 = vector.broadcast %mul3A_1905 : vector<128x1xf32> to vector<128x1024xf32>
    %add3A_1928 = vector.broadcast %mul3A_1873 : vector<1x1024xf32> to vector<128x1024xf32>
    %add3A_1929 = arith.addf %add3A_1927, %add3A_1928 : vector<128x1024xf32>
    %sub3A_1930 = arith.subf %add3A_1929, %mul3A_1926 : vector<128x1024xf32>
    %gt3A_1931 = arith.constant 0.000000e+00 : f32
    %gt3A_1932 = vector.broadcast %gt3A_1931 : f32 to vector<128x1024xf32>
    %gt3A_1933 = arith.cmpf ogt, %sub3A_1930, %gt3A_1932 : vector<128x1024xf32>
    %div3A_1934 = arith.divf %mul3A_1926, %sub3A_1930 : vector<128x1024xf32>
    %jit3A_1935 = arith.constant 0.000000e+00 : f32
    %broadcast_in_dim3A_1936 = vector.broadcast %jit3A_1935 : f32 to vector<128x1024xf32>
    %select_n3A_1937 = arith.select %gt3A_1933, %div3A_1934, %broadcast_in_dim3A_1936 : vector<128x1024xi1>, vector<128x1024xf32>
    %iota3A_1938 = tpu.iota {dimensions = array<i32: 0>} : vector<128x1024xi32>
    %iota3A_1939 = tpu.iota {dimensions = array<i32: 1>} : vector<128x1024xi32>
    %gt3A_1940 = arith.constant 5.000000e-01 : f32
    %gt3A_1941 = vector.broadcast %gt3A_1940 : f32 to vector<128x1024xf32>
    %gt3A_1942 = arith.cmpf ogt, %select_n3A_1937, %gt3A_1941 : vector<128x1024xf32>
    %add3A_1943 = arith.constant 0 : i32
    %add3A_1944 = vector.broadcast %add3A_1943 : i32 to vector<128x1024xi32>
    %add3A_1945 = arith.addi %iota3A_1938, %add3A_1944 : vector<128x1024xi32>
    %lt3A_1946 = arith.cmpi slt, %add3A_1945, %iota3A_1939 : vector<128x1024xi32>
    %and3A_1947 = arith.andi %gt3A_1942, %lt3A_1946 : vector<128x1024xi1>
    %convert_element_type3A_1948 = arith.extui %and3A_1947 : vector<128x1024xi1> to vector<128x1024xi32>
    %convert_element_type3A_1949 = arith.sitofp %convert_element_type3A_1948 : vector<128x1024xi32> to vector<128x1024xf32>
    %swap3A_1950 = arith.constant 3 : index
    %swap3A_1951 = arith.constant 0 : index
    %swap3A_1952 = arith.constant 0 : index
    %swap3A_1953 = vector.load %arg4[%swap3A_1950, %swap3A_1951, %swap3A_1952] : memref<4x1024x1024xf32, #tpu.memory_space<vmem>>, vector<1x128x1024xf32>
    %swap3A_1954 = vector.shape_cast %swap3A_1953 : vector<1x128x1024xf32> to vector<128x1024xf32>
    %swap3A_1955 = vector.shape_cast %convert_element_type3A_1949 : vector<128x1024xf32> to vector<1x128x1024xf32>
    tpu.vector_store %arg4[%swap3A_1950, %swap3A_1951, %swap3A_1952], %swap3A_1955 {strides = array<i32>} : memref<4x1024x1024xf32, #tpu.memory_space<vmem>>, vector<1x128x1024xf32>,
    %get3A_1956 = arith.constant 3 : index
    %get3A_1957 = arith.constant 128 : index
    %get3A_1958 = arith.constant 0 : index
    %get3A_1959 = vector.load %arg2[%get3A_1956, %get3A_1957, %get3A_1958] : memref<4x1024x128xf32, #tpu.memory_space<vmem>>, vector<1x128x1xf32>
    %get3A_1960 = vector.shape_cast %get3A_1959 : vector<1x128x1xf32> to vector<128x1xf32>
    %get3A_1961 = arith.constant 3 : index
    %get3A_1962 = arith.constant 128 : index
    %get3A_1963 = arith.constant 1 : index
    %get3A_1964 = vector.load %arg2[%get3A_1961, %get3A_1962, %get3A_1963] : memref<4x1024x128xf32, #tpu.memory_space<vmem>>, vector<1x128x1xf32>
    %get3A_1965 = vector.shape_cast %get3A_1964 : vector<1x128x1xf32> to vector<128x1xf32>
    %get3A_1966 = arith.constant 3 : index
    %get3A_1967 = arith.constant 128 : index
    %get3A_1968 = arith.constant 2 : index
    %get3A_1969 = vector.load %arg2[%get3A_1966, %get3A_1967, %get3A_1968] : memref<4x1024x128xf32, #tpu.memory_space<vmem>>, vector<1x128x1xf32>
    %get3A_1970 = vector.shape_cast %get3A_1969 : vector<1x128x1xf32> to vector<128x1xf32>
    %get3A_1971 = arith.constant 3 : index
    %get3A_1972 = arith.constant 128 : index
    %get3A_1973 = arith.constant 3 : index
    %get3A_1974 = vector.load %arg2[%get3A_1971, %get3A_1972, %get3A_1973] : memref<4x1024x128xf32, #tpu.memory_space<vmem>>, vector<1x128x1xf32>
    %get3A_1975 = vector.shape_cast %get3A_1974 : vector<1x128x1xf32> to vector<128x1xf32>
    %sub3A_1976 = arith.subf %get3A_1970, %get3A_1960 : vector<128x1xf32>
    %sub3A_1977 = arith.subf %get3A_1975, %get3A_1965 : vector<128x1xf32>
    %mul3A_1978 = arith.mulf %sub3A_1976, %sub3A_1977 : vector<128x1xf32>
    %max3A_1979 = vector.broadcast %get3A_1960 : vector<128x1xf32> to vector<128x1024xf32>
    %max3A_1980 = vector.broadcast %get3A_1850 : vector<1x1024xf32> to vector<128x1024xf32>
    %max3A_1981 = arith.maximumf %max3A_1979, %max3A_1980 : vector<128x1024xf32>
    %max3A_1982 = vector.broadcast %get3A_1965 : vector<128x1xf32> to vector<128x1024xf32>
    %max3A_1983 = vector.broadcast %get3A_1855 : vector<1x1024xf32> to vector<128x1024xf32>
    %max3A_1984 = arith.maximumf %max3A_1982, %max3A_1983 : vector<128x1024xf32>
    %min3A_1985 = vector.broadcast %get3A_1970 : vector<128x1xf32> to vector<128x1024xf32>
    %min3A_1986 = vector.broadcast %get3A_1860 : vector<1x1024xf32> to vector<128x1024xf32>
    %min3A_1987 = arith.minimumf %min3A_1985, %min3A_1986 : vector<128x1024xf32>
    %min3A_1988 = vector.broadcast %get3A_1975 : vector<128x1xf32> to vector<128x1024xf32>
    %min3A_1989 = vector.broadcast %get3A_1865 : vector<1x1024xf32> to vector<128x1024xf32>
    %min3A_1990 = arith.minimumf %min3A_1988, %min3A_1989 : vector<128x1024xf32>
    %sub3A_1991 = arith.subf %min3A_1987, %max3A_1981 : vector<128x1024xf32>
    %max3A_1992 = arith.constant 0.000000e+00 : f32
    %max3A_1993 = vector.broadcast %max3A_1992 : f32 to vector<128x1024xf32>
    %max3A_1994 = arith.maximumf %sub3A_1991, %max3A_1993 : vector<128x1024xf32>
    %sub3A_1995 = arith.subf %min3A_1990, %max3A_1984 : vector<128x1024xf32>
    %max3A_1996 = arith.constant 0.000000e+00 : f32
    %max3A_1997 = vector.broadcast %max3A_1996 : f32 to vector<128x1024xf32>
    %max3A_1998 = arith.maximumf %sub3A_1995, %max3A_1997 : vector<128x1024xf32>
    %mul3A_1999 = arith.mulf %max3A_1994, %max3A_1998 : vector<128x1024xf32>
    %add3A_2000 = vector.broadcast %mul3A_1978 : vector<128x1xf32> to vector<128x1024xf32>
    %add3A_2001 = vector.broadcast %mul3A_1873 : vector<1x1024xf32> to vector<128x1024xf32>
    %add3A_2002 = arith.addf %add3A_2000, %add3A_2001 : vector<128x1024xf32>
    %sub3A_2003 = arith.subf %add3A_2002, %mul3A_1999 : vector<128x1024xf32>
    %gt3A_2004 = arith.constant 0.000000e+00 : f32
    %gt3A_2005 = vector.broadcast %gt3A_2004 : f32 to vector<128x1024xf32>
    %gt3A_2006 = arith.cmpf ogt, %sub3A_2003, %gt3A_2005 : vector<128x1024xf32>
    %div3A_2007 = arith.divf %mul3A_1999, %sub3A_2003 : vector<128x1024xf32>
    %jit3A_2008 = arith.constant 0.000000e+00 : f32
    %broadcast_in_dim3A_2009 = vector.broadcast %jit3A_2008 : f32 to vector<128x1024xf32>
    %select_n3A_2010 = arith.select %gt3A_2006, %div3A_2007, %broadcast_in_dim3A_2009 : vector<128x1024xi1>, vector<128x1024xf32>
    %iota3A_2011 = tpu.iota {dimensions = array<i32: 0>} : vector<128x1024xi32>
    %iota3A_2012 = tpu.iota {dimensions = array<i32: 1>} : vector<128x1024xi32>
    %gt3A_2013 = arith.constant 5.000000e-01 : f32
    %gt3A_2014 = vector.broadcast %gt3A_2013 : f32 to vector<128x1024xf32>
    %gt3A_2015 = arith.cmpf ogt, %select_n3A_2010, %gt3A_2014 : vector<128x1024xf32>
    %add3A_2016 = arith.constant 128 : i32
    %add3A_2017 = vector.broadcast %add3A_2016 : i32 to vector<128x1024xi32>
    %add3A_2018 = arith.addi %iota3A_2011, %add3A_2017 : vector<128x1024xi32>
    %lt3A_2019 = arith.cmpi slt, %add3A_2018, %iota3A_2012 : vector<128x1024xi32>
    %and3A_2020 = arith.andi %gt3A_2015, %lt3A_2019 : vector<128x1024xi1>
    %convert_element_type3A_2021 = arith.extui %and3A_2020 : vector<128x1024xi1> to vector<128x1024xi32>
    %convert_element_type3A_2022 = arith.sitofp %convert_element_type3A_2021 : vector<128x1024xi32> to vector<128x1024xf32>
    %swap3A_2023 = arith.constant 3 : index
    %swap3A_2024 = arith.constant 128 : index
    %swap3A_2025 = arith.constant 0 : index
    %swap3A_2026 = vector.load %arg4[%swap3A_2023, %swap3A_2024, %swap3A_2025] : memref<4x1024x1024xf32, #tpu.memory_space<vmem>>, vector<1x128x1024xf32>
    %swap3A_2027 = vector.shape_cast %swap3A_2026 : vector<1x128x1024xf32> to vector<128x1024xf32>
    %swap3A_2028 = vector.shape_cast %convert_element_type3A_2022 : vector<128x1024xf32> to vector<1x128x1024xf32>
    tpu.vector_store %arg4[%swap3A_2023, %swap3A_2024, %swap3A_2025], %swap3A_2028 {strides = array<i32>} : memref<4x1024x1024xf32, #tpu.memory_space<vmem>>, vector<1x128x1024xf32>,
    %get3A_2029 = arith.constant 3 : index
    %get3A_2030 = arith.constant 256 : index
    %get3A_2031 = arith.constant 0 : index
    %get3A_2032 = vector.load %arg2[%get3A_2029, %get3A_2030, %get3A_2031] : memref<4x1024x128xf32, #tpu.memory_space<vmem>>, vector<1x128x1xf32>
    %get3A_2033 = vector.shape_cast %get3A_2032 : vector<1x128x1xf32> to vector<128x1xf32>
    %get3A_2034 = arith.constant 3 : index
    %get3A_2035 = arith.constant 256 : index
    %get3A_2036 = arith.constant 1 : index
    %get3A_2037 = vector.load %arg2[%get3A_2034, %get3A_2035, %get3A_2036] : memref<4x1024x128xf32, #tpu.memory_space<vmem>>, vector<1x128x1xf32>
    %get3A_2038 = vector.shape_cast %get3A_2037 : vector<1x128x1xf32> to vector<128x1xf32>
    %get3A_2039 = arith.constant 3 : index
    %get3A_2040 = arith.constant 256 : index
    %get3A_2041 = arith.constant 2 : index
    %get3A_2042 = vector.load %arg2[%get3A_2039, %get3A_2040, %get3A_2041] : memref<4x1024x128xf32, #tpu.memory_space<vmem>>, vector<1x128x1xf32>
    %get3A_2043 = vector.shape_cast %get3A_2042 : vector<1x128x1xf32> to vector<128x1xf32>
    %get3A_2044 = arith.constant 3 : index
    %get3A_2045 = arith.constant 256 : index
    %get3A_2046 = arith.constant 3 : index
    %get3A_2047 = vector.load %arg2[%get3A_2044, %get3A_2045, %get3A_2046] : memref<4x1024x128xf32, #tpu.memory_space<vmem>>, vector<1x128x1xf32>
    %get3A_2048 = vector.shape_cast %get3A_2047 : vector<1x128x1xf32> to vector<128x1xf32>
    %sub3A_2049 = arith.subf %get3A_2043, %get3A_2033 : vector<128x1xf32>
    %sub3A_2050 = arith.subf %get3A_2048, %get3A_2038 : vector<128x1xf32>
    %mul3A_2051 = arith.mulf %sub3A_2049, %sub3A_2050 : vector<128x1xf32>
    %max3A_2052 = vector.broadcast %get3A_2033 : vector<128x1xf32> to vector<128x1024xf32>
    %max3A_2053 = vector.broadcast %get3A_1850 : vector<1x1024xf32> to vector<128x1024xf32>
    %max3A_2054 = arith.maximumf %max3A_2052, %max3A_2053 : vector<128x1024xf32>
    %max3A_2055 = vector.broadcast %get3A_2038 : vector<128x1xf32> to vector<128x1024xf32>
    %max3A_2056 = vector.broadcast %get3A_1855 : vector<1x1024xf32> to vector<128x1024xf32>
    %max3A_2057 = arith.maximumf %max3A_2055, %max3A_2056 : vector<128x1024xf32>
    %min3A_2058 = vector.broadcast %get3A_2043 : vector<128x1xf32> to vector<128x1024xf32>
    %min3A_2059 = vector.broadcast %get3A_1860 : vector<1x1024xf32> to vector<128x1024xf32>
    %min3A_2060 = arith.minimumf %min3A_2058, %min3A_2059 : vector<128x1024xf32>
    %min3A_2061 = vector.broadcast %get3A_2048 : vector<128x1xf32> to vector<128x1024xf32>
    %min3A_2062 = vector.broadcast %get3A_1865 : vector<1x1024xf32> to vector<128x1024xf32>
    %min3A_2063 = arith.minimumf %min3A_2061, %min3A_2062 : vector<128x1024xf32>
    %sub3A_2064 = arith.subf %min3A_2060, %max3A_2054 : vector<128x1024xf32>
    %max3A_2065 = arith.constant 0.000000e+00 : f32
    %max3A_2066 = vector.broadcast %max3A_2065 : f32 to vector<128x1024xf32>
    %max3A_2067 = arith.maximumf %sub3A_2064, %max3A_2066 : vector<128x1024xf32>
    %sub3A_2068 = arith.subf %min3A_2063, %max3A_2057 : vector<128x1024xf32>
    %max3A_2069 = arith.constant 0.000000e+00 : f32
    %max3A_2070 = vector.broadcast %max3A_2069 : f32 to vector<128x1024xf32>
    %max3A_2071 = arith.maximumf %sub3A_2068, %max3A_2070 : vector<128x1024xf32>
    %mul3A_2072 = arith.mulf %max3A_2067, %max3A_2071 : vector<128x1024xf32>
    %add3A_2073 = vector.broadcast %mul3A_2051 : vector<128x1xf32> to vector<128x1024xf32>
    %add3A_2074 = vector.broadcast %mul3A_1873 : vector<1x1024xf32> to vector<128x1024xf32>
    %add3A_2075 = arith.addf %add3A_2073, %add3A_2074 : vector<128x1024xf32>
    %sub3A_2076 = arith.subf %add3A_2075, %mul3A_2072 : vector<128x1024xf32>
    %gt3A_2077 = arith.constant 0.000000e+00 : f32
    %gt3A_2078 = vector.broadcast %gt3A_2077 : f32 to vector<128x1024xf32>
    %gt3A_2079 = arith.cmpf ogt, %sub3A_2076, %gt3A_2078 : vector<128x1024xf32>
    %div3A_2080 = arith.divf %mul3A_2072, %sub3A_2076 : vector<128x1024xf32>
    %jit3A_2081 = arith.constant 0.000000e+00 : f32
    %broadcast_in_dim3A_2082 = vector.broadcast %jit3A_2081 : f32 to vector<128x1024xf32>
    %select_n3A_2083 = arith.select %gt3A_2079, %div3A_2080, %broadcast_in_dim3A_2082 : vector<128x1024xi1>, vector<128x1024xf32>
    %iota3A_2084 = tpu.iota {dimensions = array<i32: 0>} : vector<128x1024xi32>
    %iota3A_2085 = tpu.iota {dimensions = array<i32: 1>} : vector<128x1024xi32>
    %gt3A_2086 = arith.constant 5.000000e-01 : f32
    %gt3A_2087 = vector.broadcast %gt3A_2086 : f32 to vector<128x1024xf32>
    %gt3A_2088 = arith.cmpf ogt, %select_n3A_2083, %gt3A_2087 : vector<128x1024xf32>
    %add3A_2089 = arith.constant 256 : i32
    %add3A_2090 = vector.broadcast %add3A_2089 : i32 to vector<128x1024xi32>
    %add3A_2091 = arith.addi %iota3A_2084, %add3A_2090 : vector<128x1024xi32>
    %lt3A_2092 = arith.cmpi slt, %add3A_2091, %iota3A_2085 : vector<128x1024xi32>
    %and3A_2093 = arith.andi %gt3A_2088, %lt3A_2092 : vector<128x1024xi1>
    %convert_element_type3A_2094 = arith.extui %and3A_2093 : vector<128x1024xi1> to vector<128x1024xi32>
    %convert_element_type3A_2095 = arith.sitofp %convert_element_type3A_2094 : vector<128x1024xi32> to vector<128x1024xf32>
    %swap3A_2096 = arith.constant 3 : index
    %swap3A_2097 = arith.constant 256 : index
    %swap3A_2098 = arith.constant 0 : index
    %swap3A_2099 = vector.load %arg4[%swap3A_2096, %swap3A_2097, %swap3A_2098] : memref<4x1024x1024xf32, #tpu.memory_space<vmem>>, vector<1x128x1024xf32>
    %swap3A_2100 = vector.shape_cast %swap3A_2099 : vector<1x128x1024xf32> to vector<128x1024xf32>
    %swap3A_2101 = vector.shape_cast %convert_element_type3A_2095 : vector<128x1024xf32> to vector<1x128x1024xf32>
    tpu.vector_store %arg4[%swap3A_2096, %swap3A_2097, %swap3A_2098], %swap3A_2101 {strides = array<i32>} : memref<4x1024x1024xf32, #tpu.memory_space<vmem>>, vector<1x128x1024xf32>,
    %get3A_2102 = arith.constant 3 : index
    %get3A_2103 = arith.constant 384 : index
    %get3A_2104 = arith.constant 0 : index
    %get3A_2105 = vector.load %arg2[%get3A_2102, %get3A_2103, %get3A_2104] : memref<4x1024x128xf32, #tpu.memory_space<vmem>>, vector<1x128x1xf32>
    %get3A_2106 = vector.shape_cast %get3A_2105 : vector<1x128x1xf32> to vector<128x1xf32>
    %get3A_2107 = arith.constant 3 : index
    %get3A_2108 = arith.constant 384 : index
    %get3A_2109 = arith.constant 1 : index
    %get3A_2110 = vector.load %arg2[%get3A_2107, %get3A_2108, %get3A_2109] : memref<4x1024x128xf32, #tpu.memory_space<vmem>>, vector<1x128x1xf32>
    %get3A_2111 = vector.shape_cast %get3A_2110 : vector<1x128x1xf32> to vector<128x1xf32>
    %get3A_2112 = arith.constant 3 : index
    %get3A_2113 = arith.constant 384 : index
    %get3A_2114 = arith.constant 2 : index
    %get3A_2115 = vector.load %arg2[%get3A_2112, %get3A_2113, %get3A_2114] : memref<4x1024x128xf32, #tpu.memory_space<vmem>>, vector<1x128x1xf32>
    %get3A_2116 = vector.shape_cast %get3A_2115 : vector<1x128x1xf32> to vector<128x1xf32>
    %get3A_2117 = arith.constant 3 : index
    %get3A_2118 = arith.constant 384 : index
    %get3A_2119 = arith.constant 3 : index
    %get3A_2120 = vector.load %arg2[%get3A_2117, %get3A_2118, %get3A_2119] : memref<4x1024x128xf32, #tpu.memory_space<vmem>>, vector<1x128x1xf32>
    %get3A_2121 = vector.shape_cast %get3A_2120 : vector<1x128x1xf32> to vector<128x1xf32>
    %sub3A_2122 = arith.subf %get3A_2116, %get3A_2106 : vector<128x1xf32>
    %sub3A_2123 = arith.subf %get3A_2121, %get3A_2111 : vector<128x1xf32>
    %mul3A_2124 = arith.mulf %sub3A_2122, %sub3A_2123 : vector<128x1xf32>
    %max3A_2125 = vector.broadcast %get3A_2106 : vector<128x1xf32> to vector<128x1024xf32>
    %max3A_2126 = vector.broadcast %get3A_1850 : vector<1x1024xf32> to vector<128x1024xf32>
    %max3A_2127 = arith.maximumf %max3A_2125, %max3A_2126 : vector<128x1024xf32>
    %max3A_2128 = vector.broadcast %get3A_2111 : vector<128x1xf32> to vector<128x1024xf32>
    %max3A_2129 = vector.broadcast %get3A_1855 : vector<1x1024xf32> to vector<128x1024xf32>
    %max3A_2130 = arith.maximumf %max3A_2128, %max3A_2129 : vector<128x1024xf32>
    %min3A_2131 = vector.broadcast %get3A_2116 : vector<128x1xf32> to vector<128x1024xf32>
    %min3A_2132 = vector.broadcast %get3A_1860 : vector<1x1024xf32> to vector<128x1024xf32>
    %min3A_2133 = arith.minimumf %min3A_2131, %min3A_2132 : vector<128x1024xf32>
    %min3A_2134 = vector.broadcast %get3A_2121 : vector<128x1xf32> to vector<128x1024xf32>
    %min3A_2135 = vector.broadcast %get3A_1865 : vector<1x1024xf32> to vector<128x1024xf32>
    %min3A_2136 = arith.minimumf %min3A_2134, %min3A_2135 : vector<128x1024xf32>
    %sub3A_2137 = arith.subf %min3A_2133, %max3A_2127 : vector<128x1024xf32>
    %max3A_2138 = arith.constant 0.000000e+00 : f32
    %max3A_2139 = vector.broadcast %max3A_2138 : f32 to vector<128x1024xf32>
    %max3A_2140 = arith.maximumf %sub3A_2137, %max3A_2139 : vector<128x1024xf32>
    %sub3A_2141 = arith.subf %min3A_2136, %max3A_2130 : vector<128x1024xf32>
    %max3A_2142 = arith.constant 0.000000e+00 : f32
    %max3A_2143 = vector.broadcast %max3A_2142 : f32 to vector<128x1024xf32>
    %max3A_2144 = arith.maximumf %sub3A_2141, %max3A_2143 : vector<128x1024xf32>
    %mul3A_2145 = arith.mulf %max3A_2140, %max3A_2144 : vector<128x1024xf32>
    %add3A_2146 = vector.broadcast %mul3A_2124 : vector<128x1xf32> to vector<128x1024xf32>
    %add3A_2147 = vector.broadcast %mul3A_1873 : vector<1x1024xf32> to vector<128x1024xf32>
    %add3A_2148 = arith.addf %add3A_2146, %add3A_2147 : vector<128x1024xf32>
    %sub3A_2149 = arith.subf %add3A_2148, %mul3A_2145 : vector<128x1024xf32>
    %gt3A_2150 = arith.constant 0.000000e+00 : f32
    %gt3A_2151 = vector.broadcast %gt3A_2150 : f32 to vector<128x1024xf32>
    %gt3A_2152 = arith.cmpf ogt, %sub3A_2149, %gt3A_2151 : vector<128x1024xf32>
    %div3A_2153 = arith.divf %mul3A_2145, %sub3A_2149 : vector<128x1024xf32>
    %jit3A_2154 = arith.constant 0.000000e+00 : f32
    %broadcast_in_dim3A_2155 = vector.broadcast %jit3A_2154 : f32 to vector<128x1024xf32>
    %select_n3A_2156 = arith.select %gt3A_2152, %div3A_2153, %broadcast_in_dim3A_2155 : vector<128x1024xi1>, vector<128x1024xf32>
    %iota3A_2157 = tpu.iota {dimensions = array<i32: 0>} : vector<128x1024xi32>
    %iota3A_2158 = tpu.iota {dimensions = array<i32: 1>} : vector<128x1024xi32>
    %gt3A_2159 = arith.constant 5.000000e-01 : f32
    %gt3A_2160 = vector.broadcast %gt3A_2159 : f32 to vector<128x1024xf32>
    %gt3A_2161 = arith.cmpf ogt, %select_n3A_2156, %gt3A_2160 : vector<128x1024xf32>
    %add3A_2162 = arith.constant 384 : i32
    %add3A_2163 = vector.broadcast %add3A_2162 : i32 to vector<128x1024xi32>
    %add3A_2164 = arith.addi %iota3A_2157, %add3A_2163 : vector<128x1024xi32>
    %lt3A_2165 = arith.cmpi slt, %add3A_2164, %iota3A_2158 : vector<128x1024xi32>
    %and3A_2166 = arith.andi %gt3A_2161, %lt3A_2165 : vector<128x1024xi1>
    %convert_element_type3A_2167 = arith.extui %and3A_2166 : vector<128x1024xi1> to vector<128x1024xi32>
    %convert_element_type3A_2168 = arith.sitofp %convert_element_type3A_2167 : vector<128x1024xi32> to vector<128x1024xf32>
    %swap3A_2169 = arith.constant 3 : index
    %swap3A_2170 = arith.constant 384 : index
    %swap3A_2171 = arith.constant 0 : index
    %swap3A_2172 = vector.load %arg4[%swap3A_2169, %swap3A_2170, %swap3A_2171] : memref<4x1024x1024xf32, #tpu.memory_space<vmem>>, vector<1x128x1024xf32>
    %swap3A_2173 = vector.shape_cast %swap3A_2172 : vector<1x128x1024xf32> to vector<128x1024xf32>
    %swap3A_2174 = vector.shape_cast %convert_element_type3A_2168 : vector<128x1024xf32> to vector<1x128x1024xf32>
    tpu.vector_store %arg4[%swap3A_2169, %swap3A_2170, %swap3A_2171], %swap3A_2174 {strides = array<i32>} : memref<4x1024x1024xf32, #tpu.memory_space<vmem>>, vector<1x128x1024xf32>,
    %get3A_2175 = arith.constant 3 : index
    %get3A_2176 = arith.constant 512 : index
    %get3A_2177 = arith.constant 0 : index
    %get3A_2178 = vector.load %arg2[%get3A_2175, %get3A_2176, %get3A_2177] : memref<4x1024x128xf32, #tpu.memory_space<vmem>>, vector<1x128x1xf32>
    %get3A_2179 = vector.shape_cast %get3A_2178 : vector<1x128x1xf32> to vector<128x1xf32>
    %get3A_2180 = arith.constant 3 : index
    %get3A_2181 = arith.constant 512 : index
    %get3A_2182 = arith.constant 1 : index
    %get3A_2183 = vector.load %arg2[%get3A_2180, %get3A_2181, %get3A_2182] : memref<4x1024x128xf32, #tpu.memory_space<vmem>>, vector<1x128x1xf32>
    %get3A_2184 = vector.shape_cast %get3A_2183 : vector<1x128x1xf32> to vector<128x1xf32>
    %get3A_2185 = arith.constant 3 : index
    %get3A_2186 = arith.constant 512 : index
    %get3A_2187 = arith.constant 2 : index
    %get3A_2188 = vector.load %arg2[%get3A_2185, %get3A_2186, %get3A_2187] : memref<4x1024x128xf32, #tpu.memory_space<vmem>>, vector<1x128x1xf32>
    %get3A_2189 = vector.shape_cast %get3A_2188 : vector<1x128x1xf32> to vector<128x1xf32>
    %get3A_2190 = arith.constant 3 : index
    %get3A_2191 = arith.constant 512 : index
    %get3A_2192 = arith.constant 3 : index
    %get3A_2193 = vector.load %arg2[%get3A_2190, %get3A_2191, %get3A_2192] : memref<4x1024x128xf32, #tpu.memory_space<vmem>>, vector<1x128x1xf32>
    %get3A_2194 = vector.shape_cast %get3A_2193 : vector<1x128x1xf32> to vector<128x1xf32>
    %sub3A_2195 = arith.subf %get3A_2189, %get3A_2179 : vector<128x1xf32>
    %sub3A_2196 = arith.subf %get3A_2194, %get3A_2184 : vector<128x1xf32>
    %mul3A_2197 = arith.mulf %sub3A_2195, %sub3A_2196 : vector<128x1xf32>
    %max3A_2198 = vector.broadcast %get3A_2179 : vector<128x1xf32> to vector<128x1024xf32>
    %max3A_2199 = vector.broadcast %get3A_1850 : vector<1x1024xf32> to vector<128x1024xf32>
    %max3A_2200 = arith.maximumf %max3A_2198, %max3A_2199 : vector<128x1024xf32>
    %max3A_2201 = vector.broadcast %get3A_2184 : vector<128x1xf32> to vector<128x1024xf32>
    %max3A_2202 = vector.broadcast %get3A_1855 : vector<1x1024xf32> to vector<128x1024xf32>
    %max3A_2203 = arith.maximumf %max3A_2201, %max3A_2202 : vector<128x1024xf32>
    %min3A_2204 = vector.broadcast %get3A_2189 : vector<128x1xf32> to vector<128x1024xf32>
    %min3A_2205 = vector.broadcast %get3A_1860 : vector<1x1024xf32> to vector<128x1024xf32>
    %min3A_2206 = arith.minimumf %min3A_2204, %min3A_2205 : vector<128x1024xf32>
    %min3A_2207 = vector.broadcast %get3A_2194 : vector<128x1xf32> to vector<128x1024xf32>
    %min3A_2208 = vector.broadcast %get3A_1865 : vector<1x1024xf32> to vector<128x1024xf32>
    %min3A_2209 = arith.minimumf %min3A_2207, %min3A_2208 : vector<128x1024xf32>
    %sub3A_2210 = arith.subf %min3A_2206, %max3A_2200 : vector<128x1024xf32>
    %max3A_2211 = arith.constant 0.000000e+00 : f32
    %max3A_2212 = vector.broadcast %max3A_2211 : f32 to vector<128x1024xf32>
    %max3A_2213 = arith.maximumf %sub3A_2210, %max3A_2212 : vector<128x1024xf32>
    %sub3A_2214 = arith.subf %min3A_2209, %max3A_2203 : vector<128x1024xf32>
    %max3A_2215 = arith.constant 0.000000e+00 : f32
    %max3A_2216 = vector.broadcast %max3A_2215 : f32 to vector<128x1024xf32>
    %max3A_2217 = arith.maximumf %sub3A_2214, %max3A_2216 : vector<128x1024xf32>
    %mul3A_2218 = arith.mulf %max3A_2213, %max3A_2217 : vector<128x1024xf32>
    %add3A_2219 = vector.broadcast %mul3A_2197 : vector<128x1xf32> to vector<128x1024xf32>
    %add3A_2220 = vector.broadcast %mul3A_1873 : vector<1x1024xf32> to vector<128x1024xf32>
    %add3A_2221 = arith.addf %add3A_2219, %add3A_2220 : vector<128x1024xf32>
    %sub3A_2222 = arith.subf %add3A_2221, %mul3A_2218 : vector<128x1024xf32>
    %gt3A_2223 = arith.constant 0.000000e+00 : f32
    %gt3A_2224 = vector.broadcast %gt3A_2223 : f32 to vector<128x1024xf32>
    %gt3A_2225 = arith.cmpf ogt, %sub3A_2222, %gt3A_2224 : vector<128x1024xf32>
    %div3A_2226 = arith.divf %mul3A_2218, %sub3A_2222 : vector<128x1024xf32>
    %jit3A_2227 = arith.constant 0.000000e+00 : f32
    %broadcast_in_dim3A_2228 = vector.broadcast %jit3A_2227 : f32 to vector<128x1024xf32>
    %select_n3A_2229 = arith.select %gt3A_2225, %div3A_2226, %broadcast_in_dim3A_2228 : vector<128x1024xi1>, vector<128x1024xf32>
    %iota3A_2230 = tpu.iota {dimensions = array<i32: 0>} : vector<128x1024xi32>
    %iota3A_2231 = tpu.iota {dimensions = array<i32: 1>} : vector<128x1024xi32>
    %gt3A_2232 = arith.constant 5.000000e-01 : f32
    %gt3A_2233 = vector.broadcast %gt3A_2232 : f32 to vector<128x1024xf32>
    %gt3A_2234 = arith.cmpf ogt, %select_n3A_2229, %gt3A_2233 : vector<128x1024xf32>
    %add3A_2235 = arith.constant 512 : i32
    %add3A_2236 = vector.broadcast %add3A_2235 : i32 to vector<128x1024xi32>
    %add3A_2237 = arith.addi %iota3A_2230, %add3A_2236 : vector<128x1024xi32>
    %lt3A_2238 = arith.cmpi slt, %add3A_2237, %iota3A_2231 : vector<128x1024xi32>
    %and3A_2239 = arith.andi %gt3A_2234, %lt3A_2238 : vector<128x1024xi1>
    %convert_element_type3A_2240 = arith.extui %and3A_2239 : vector<128x1024xi1> to vector<128x1024xi32>
    %convert_element_type3A_2241 = arith.sitofp %convert_element_type3A_2240 : vector<128x1024xi32> to vector<128x1024xf32>
    %swap3A_2242 = arith.constant 3 : index
    %swap3A_2243 = arith.constant 512 : index
    %swap3A_2244 = arith.constant 0 : index
    %swap3A_2245 = vector.load %arg4[%swap3A_2242, %swap3A_2243, %swap3A_2244] : memref<4x1024x1024xf32, #tpu.memory_space<vmem>>, vector<1x128x1024xf32>
    %swap3A_2246 = vector.shape_cast %swap3A_2245 : vector<1x128x1024xf32> to vector<128x1024xf32>
    %swap3A_2247 = vector.shape_cast %convert_element_type3A_2241 : vector<128x1024xf32> to vector<1x128x1024xf32>
    tpu.vector_store %arg4[%swap3A_2242, %swap3A_2243, %swap3A_2244], %swap3A_2247 {strides = array<i32>} : memref<4x1024x1024xf32, #tpu.memory_space<vmem>>, vector<1x128x1024xf32>,
    %get3A_2248 = arith.constant 3 : index
    %get3A_2249 = arith.constant 640 : index
    %get3A_2250 = arith.constant 0 : index
    %get3A_2251 = vector.load %arg2[%get3A_2248, %get3A_2249, %get3A_2250] : memref<4x1024x128xf32, #tpu.memory_space<vmem>>, vector<1x128x1xf32>
    %get3A_2252 = vector.shape_cast %get3A_2251 : vector<1x128x1xf32> to vector<128x1xf32>
    %get3A_2253 = arith.constant 3 : index
    %get3A_2254 = arith.constant 640 : index
    %get3A_2255 = arith.constant 1 : index
    %get3A_2256 = vector.load %arg2[%get3A_2253, %get3A_2254, %get3A_2255] : memref<4x1024x128xf32, #tpu.memory_space<vmem>>, vector<1x128x1xf32>
    %get3A_2257 = vector.shape_cast %get3A_2256 : vector<1x128x1xf32> to vector<128x1xf32>
    %get3A_2258 = arith.constant 3 : index
    %get3A_2259 = arith.constant 640 : index
    %get3A_2260 = arith.constant 2 : index
    %get3A_2261 = vector.load %arg2[%get3A_2258, %get3A_2259, %get3A_2260] : memref<4x1024x128xf32, #tpu.memory_space<vmem>>, vector<1x128x1xf32>
    %get3A_2262 = vector.shape_cast %get3A_2261 : vector<1x128x1xf32> to vector<128x1xf32>
    %get3A_2263 = arith.constant 3 : index
    %get3A_2264 = arith.constant 640 : index
    %get3A_2265 = arith.constant 3 : index
    %get3A_2266 = vector.load %arg2[%get3A_2263, %get3A_2264, %get3A_2265] : memref<4x1024x128xf32, #tpu.memory_space<vmem>>, vector<1x128x1xf32>
    %get3A_2267 = vector.shape_cast %get3A_2266 : vector<1x128x1xf32> to vector<128x1xf32>
    %sub3A_2268 = arith.subf %get3A_2262, %get3A_2252 : vector<128x1xf32>
    %sub3A_2269 = arith.subf %get3A_2267, %get3A_2257 : vector<128x1xf32>
    %mul3A_2270 = arith.mulf %sub3A_2268, %sub3A_2269 : vector<128x1xf32>
    %max3A_2271 = vector.broadcast %get3A_2252 : vector<128x1xf32> to vector<128x1024xf32>
    %max3A_2272 = vector.broadcast %get3A_1850 : vector<1x1024xf32> to vector<128x1024xf32>
    %max3A_2273 = arith.maximumf %max3A_2271, %max3A_2272 : vector<128x1024xf32>
    %max3A_2274 = vector.broadcast %get3A_2257 : vector<128x1xf32> to vector<128x1024xf32>
    %max3A_2275 = vector.broadcast %get3A_1855 : vector<1x1024xf32> to vector<128x1024xf32>
    %max3A_2276 = arith.maximumf %max3A_2274, %max3A_2275 : vector<128x1024xf32>
    %min3A_2277 = vector.broadcast %get3A_2262 : vector<128x1xf32> to vector<128x1024xf32>
    %min3A_2278 = vector.broadcast %get3A_1860 : vector<1x1024xf32> to vector<128x1024xf32>
    %min3A_2279 = arith.minimumf %min3A_2277, %min3A_2278 : vector<128x1024xf32>
    %min3A_2280 = vector.broadcast %get3A_2267 : vector<128x1xf32> to vector<128x1024xf32>
    %min3A_2281 = vector.broadcast %get3A_1865 : vector<1x1024xf32> to vector<128x1024xf32>
    %min3A_2282 = arith.minimumf %min3A_2280, %min3A_2281 : vector<128x1024xf32>
    %sub3A_2283 = arith.subf %min3A_2279, %max3A_2273 : vector<128x1024xf32>
    %max3A_2284 = arith.constant 0.000000e+00 : f32
    %max3A_2285 = vector.broadcast %max3A_2284 : f32 to vector<128x1024xf32>
    %max3A_2286 = arith.maximumf %sub3A_2283, %max3A_2285 : vector<128x1024xf32>
    %sub3A_2287 = arith.subf %min3A_2282, %max3A_2276 : vector<128x1024xf32>
    %max3A_2288 = arith.constant 0.000000e+00 : f32
    %max3A_2289 = vector.broadcast %max3A_2288 : f32 to vector<128x1024xf32>
    %max3A_2290 = arith.maximumf %sub3A_2287, %max3A_2289 : vector<128x1024xf32>
    %mul3A_2291 = arith.mulf %max3A_2286, %max3A_2290 : vector<128x1024xf32>
    %add3A_2292 = vector.broadcast %mul3A_2270 : vector<128x1xf32> to vector<128x1024xf32>
    %add3A_2293 = vector.broadcast %mul3A_1873 : vector<1x1024xf32> to vector<128x1024xf32>
    %add3A_2294 = arith.addf %add3A_2292, %add3A_2293 : vector<128x1024xf32>
    %sub3A_2295 = arith.subf %add3A_2294, %mul3A_2291 : vector<128x1024xf32>
    %gt3A_2296 = arith.constant 0.000000e+00 : f32
    %gt3A_2297 = vector.broadcast %gt3A_2296 : f32 to vector<128x1024xf32>
    %gt3A_2298 = arith.cmpf ogt, %sub3A_2295, %gt3A_2297 : vector<128x1024xf32>
    %div3A_2299 = arith.divf %mul3A_2291, %sub3A_2295 : vector<128x1024xf32>
    %jit3A_2300 = arith.constant 0.000000e+00 : f32
    %broadcast_in_dim3A_2301 = vector.broadcast %jit3A_2300 : f32 to vector<128x1024xf32>
    %select_n3A_2302 = arith.select %gt3A_2298, %div3A_2299, %broadcast_in_dim3A_2301 : vector<128x1024xi1>, vector<128x1024xf32>
    %iota3A_2303 = tpu.iota {dimensions = array<i32: 0>} : vector<128x1024xi32>
    %iota3A_2304 = tpu.iota {dimensions = array<i32: 1>} : vector<128x1024xi32>
    %gt3A_2305 = arith.constant 5.000000e-01 : f32
    %gt3A_2306 = vector.broadcast %gt3A_2305 : f32 to vector<128x1024xf32>
    %gt3A_2307 = arith.cmpf ogt, %select_n3A_2302, %gt3A_2306 : vector<128x1024xf32>
    %add3A_2308 = arith.constant 640 : i32
    %add3A_2309 = vector.broadcast %add3A_2308 : i32 to vector<128x1024xi32>
    %add3A_2310 = arith.addi %iota3A_2303, %add3A_2309 : vector<128x1024xi32>
    %lt3A_2311 = arith.cmpi slt, %add3A_2310, %iota3A_2304 : vector<128x1024xi32>
    %and3A_2312 = arith.andi %gt3A_2307, %lt3A_2311 : vector<128x1024xi1>
    %convert_element_type3A_2313 = arith.extui %and3A_2312 : vector<128x1024xi1> to vector<128x1024xi32>
    %convert_element_type3A_2314 = arith.sitofp %convert_element_type3A_2313 : vector<128x1024xi32> to vector<128x1024xf32>
    %swap3A_2315 = arith.constant 3 : index
    %swap3A_2316 = arith.constant 640 : index
    %swap3A_2317 = arith.constant 0 : index
    %swap3A_2318 = vector.load %arg4[%swap3A_2315, %swap3A_2316, %swap3A_2317] : memref<4x1024x1024xf32, #tpu.memory_space<vmem>>, vector<1x128x1024xf32>
    %swap3A_2319 = vector.shape_cast %swap3A_2318 : vector<1x128x1024xf32> to vector<128x1024xf32>
    %swap3A_2320 = vector.shape_cast %convert_element_type3A_2314 : vector<128x1024xf32> to vector<1x128x1024xf32>
    tpu.vector_store %arg4[%swap3A_2315, %swap3A_2316, %swap3A_2317], %swap3A_2320 {strides = array<i32>} : memref<4x1024x1024xf32, #tpu.memory_space<vmem>>, vector<1x128x1024xf32>,
    %get3A_2321 = arith.constant 3 : index
    %get3A_2322 = arith.constant 768 : index
    %get3A_2323 = arith.constant 0 : index
    %get3A_2324 = vector.load %arg2[%get3A_2321, %get3A_2322, %get3A_2323] : memref<4x1024x128xf32, #tpu.memory_space<vmem>>, vector<1x128x1xf32>
    %get3A_2325 = vector.shape_cast %get3A_2324 : vector<1x128x1xf32> to vector<128x1xf32>
    %get3A_2326 = arith.constant 3 : index
    %get3A_2327 = arith.constant 768 : index
    %get3A_2328 = arith.constant 1 : index
    %get3A_2329 = vector.load %arg2[%get3A_2326, %get3A_2327, %get3A_2328] : memref<4x1024x128xf32, #tpu.memory_space<vmem>>, vector<1x128x1xf32>
    %get3A_2330 = vector.shape_cast %get3A_2329 : vector<1x128x1xf32> to vector<128x1xf32>
    %get3A_2331 = arith.constant 3 : index
    %get3A_2332 = arith.constant 768 : index
    %get3A_2333 = arith.constant 2 : index
    %get3A_2334 = vector.load %arg2[%get3A_2331, %get3A_2332, %get3A_2333] : memref<4x1024x128xf32, #tpu.memory_space<vmem>>, vector<1x128x1xf32>
    %get3A_2335 = vector.shape_cast %get3A_2334 : vector<1x128x1xf32> to vector<128x1xf32>
    %get3A_2336 = arith.constant 3 : index
    %get3A_2337 = arith.constant 768 : index
    %get3A_2338 = arith.constant 3 : index
    %get3A_2339 = vector.load %arg2[%get3A_2336, %get3A_2337, %get3A_2338] : memref<4x1024x128xf32, #tpu.memory_space<vmem>>, vector<1x128x1xf32>
    %get3A_2340 = vector.shape_cast %get3A_2339 : vector<1x128x1xf32> to vector<128x1xf32>
    %sub3A_2341 = arith.subf %get3A_2335, %get3A_2325 : vector<128x1xf32>
    %sub3A_2342 = arith.subf %get3A_2340, %get3A_2330 : vector<128x1xf32>
    %mul3A_2343 = arith.mulf %sub3A_2341, %sub3A_2342 : vector<128x1xf32>
    %max3A_2344 = vector.broadcast %get3A_2325 : vector<128x1xf32> to vector<128x1024xf32>
    %max3A_2345 = vector.broadcast %get3A_1850 : vector<1x1024xf32> to vector<128x1024xf32>
    %max3A_2346 = arith.maximumf %max3A_2344, %max3A_2345 : vector<128x1024xf32>
    %max3A_2347 = vector.broadcast %get3A_2330 : vector<128x1xf32> to vector<128x1024xf32>
    %max3A_2348 = vector.broadcast %get3A_1855 : vector<1x1024xf32> to vector<128x1024xf32>
    %max3A_2349 = arith.maximumf %max3A_2347, %max3A_2348 : vector<128x1024xf32>
    %min3A_2350 = vector.broadcast %get3A_2335 : vector<128x1xf32> to vector<128x1024xf32>
    %min3A_2351 = vector.broadcast %get3A_1860 : vector<1x1024xf32> to vector<128x1024xf32>
    %min3A_2352 = arith.minimumf %min3A_2350, %min3A_2351 : vector<128x1024xf32>
    %min3A_2353 = vector.broadcast %get3A_2340 : vector<128x1xf32> to vector<128x1024xf32>
    %min3A_2354 = vector.broadcast %get3A_1865 : vector<1x1024xf32> to vector<128x1024xf32>
    %min3A_2355 = arith.minimumf %min3A_2353, %min3A_2354 : vector<128x1024xf32>
    %sub3A_2356 = arith.subf %min3A_2352, %max3A_2346 : vector<128x1024xf32>
    %max3A_2357 = arith.constant 0.000000e+00 : f32
    %max3A_2358 = vector.broadcast %max3A_2357 : f32 to vector<128x1024xf32>
    %max3A_2359 = arith.maximumf %sub3A_2356, %max3A_2358 : vector<128x1024xf32>
    %sub3A_2360 = arith.subf %min3A_2355, %max3A_2349 : vector<128x1024xf32>
    %max3A_2361 = arith.constant 0.000000e+00 : f32
    %max3A_2362 = vector.broadcast %max3A_2361 : f32 to vector<128x1024xf32>
    %max3A_2363 = arith.maximumf %sub3A_2360, %max3A_2362 : vector<128x1024xf32>
    %mul3A_2364 = arith.mulf %max3A_2359, %max3A_2363 : vector<128x1024xf32>
    %add3A_2365 = vector.broadcast %mul3A_2343 : vector<128x1xf32> to vector<128x1024xf32>
    %add3A_2366 = vector.broadcast %mul3A_1873 : vector<1x1024xf32> to vector<128x1024xf32>
    %add3A_2367 = arith.addf %add3A_2365, %add3A_2366 : vector<128x1024xf32>
    %sub3A_2368 = arith.subf %add3A_2367, %mul3A_2364 : vector<128x1024xf32>
    %gt3A_2369 = arith.constant 0.000000e+00 : f32
    %gt3A_2370 = vector.broadcast %gt3A_2369 : f32 to vector<128x1024xf32>
    %gt3A_2371 = arith.cmpf ogt, %sub3A_2368, %gt3A_2370 : vector<128x1024xf32>
    %div3A_2372 = arith.divf %mul3A_2364, %sub3A_2368 : vector<128x1024xf32>
    %jit3A_2373 = arith.constant 0.000000e+00 : f32
    %broadcast_in_dim3A_2374 = vector.broadcast %jit3A_2373 : f32 to vector<128x1024xf32>
    %select_n3A_2375 = arith.select %gt3A_2371, %div3A_2372, %broadcast_in_dim3A_2374 : vector<128x1024xi1>, vector<128x1024xf32>
    %iota3A_2376 = tpu.iota {dimensions = array<i32: 0>} : vector<128x1024xi32>
    %iota3A_2377 = tpu.iota {dimensions = array<i32: 1>} : vector<128x1024xi32>
    %gt3A_2378 = arith.constant 5.000000e-01 : f32
    %gt3A_2379 = vector.broadcast %gt3A_2378 : f32 to vector<128x1024xf32>
    %gt3A_2380 = arith.cmpf ogt, %select_n3A_2375, %gt3A_2379 : vector<128x1024xf32>
    %add3A_2381 = arith.constant 768 : i32
    %add3A_2382 = vector.broadcast %add3A_2381 : i32 to vector<128x1024xi32>
    %add3A_2383 = arith.addi %iota3A_2376, %add3A_2382 : vector<128x1024xi32>
    %lt3A_2384 = arith.cmpi slt, %add3A_2383, %iota3A_2377 : vector<128x1024xi32>
    %and3A_2385 = arith.andi %gt3A_2380, %lt3A_2384 : vector<128x1024xi1>
    %convert_element_type3A_2386 = arith.extui %and3A_2385 : vector<128x1024xi1> to vector<128x1024xi32>
    %convert_element_type3A_2387 = arith.sitofp %convert_element_type3A_2386 : vector<128x1024xi32> to vector<128x1024xf32>
    %swap3A_2388 = arith.constant 3 : index
    %swap3A_2389 = arith.constant 768 : index
    %swap3A_2390 = arith.constant 0 : index
    %swap3A_2391 = vector.load %arg4[%swap3A_2388, %swap3A_2389, %swap3A_2390] : memref<4x1024x1024xf32, #tpu.memory_space<vmem>>, vector<1x128x1024xf32>
    %swap3A_2392 = vector.shape_cast %swap3A_2391 : vector<1x128x1024xf32> to vector<128x1024xf32>
    %swap3A_2393 = vector.shape_cast %convert_element_type3A_2387 : vector<128x1024xf32> to vector<1x128x1024xf32>
    tpu.vector_store %arg4[%swap3A_2388, %swap3A_2389, %swap3A_2390], %swap3A_2393 {strides = array<i32>} : memref<4x1024x1024xf32, #tpu.memory_space<vmem>>, vector<1x128x1024xf32>,
    %get3A_2394 = arith.constant 3 : index
    %get3A_2395 = arith.constant 896 : index
    %get3A_2396 = arith.constant 0 : index
    %get3A_2397 = vector.load %arg2[%get3A_2394, %get3A_2395, %get3A_2396] : memref<4x1024x128xf32, #tpu.memory_space<vmem>>, vector<1x128x1xf32>
    %get3A_2398 = vector.shape_cast %get3A_2397 : vector<1x128x1xf32> to vector<128x1xf32>
    %get3A_2399 = arith.constant 3 : index
    %get3A_2400 = arith.constant 896 : index
    %get3A_2401 = arith.constant 1 : index
    %get3A_2402 = vector.load %arg2[%get3A_2399, %get3A_2400, %get3A_2401] : memref<4x1024x128xf32, #tpu.memory_space<vmem>>, vector<1x128x1xf32>
    %get3A_2403 = vector.shape_cast %get3A_2402 : vector<1x128x1xf32> to vector<128x1xf32>
    %get3A_2404 = arith.constant 3 : index
    %get3A_2405 = arith.constant 896 : index
    %get3A_2406 = arith.constant 2 : index
    %get3A_2407 = vector.load %arg2[%get3A_2404, %get3A_2405, %get3A_2406] : memref<4x1024x128xf32, #tpu.memory_space<vmem>>, vector<1x128x1xf32>
    %get3A_2408 = vector.shape_cast %get3A_2407 : vector<1x128x1xf32> to vector<128x1xf32>
    %get3A_2409 = arith.constant 3 : index
    %get3A_2410 = arith.constant 896 : index
    %get3A_2411 = arith.constant 3 : index
    %get3A_2412 = vector.load %arg2[%get3A_2409, %get3A_2410, %get3A_2411] : memref<4x1024x128xf32, #tpu.memory_space<vmem>>, vector<1x128x1xf32>
    %get3A_2413 = vector.shape_cast %get3A_2412 : vector<1x128x1xf32> to vector<128x1xf32>
    %sub3A_2414 = arith.subf %get3A_2408, %get3A_2398 : vector<128x1xf32>
    %sub3A_2415 = arith.subf %get3A_2413, %get3A_2403 : vector<128x1xf32>
    %mul3A_2416 = arith.mulf %sub3A_2414, %sub3A_2415 : vector<128x1xf32>
    %max3A_2417 = vector.broadcast %get3A_2398 : vector<128x1xf32> to vector<128x1024xf32>
    %max3A_2418 = vector.broadcast %get3A_1850 : vector<1x1024xf32> to vector<128x1024xf32>
    %max3A_2419 = arith.maximumf %max3A_2417, %max3A_2418 : vector<128x1024xf32>
    %max3A_2420 = vector.broadcast %get3A_2403 : vector<128x1xf32> to vector<128x1024xf32>
    %max3A_2421 = vector.broadcast %get3A_1855 : vector<1x1024xf32> to vector<128x1024xf32>
    %max3A_2422 = arith.maximumf %max3A_2420, %max3A_2421 : vector<128x1024xf32>
    %min3A_2423 = vector.broadcast %get3A_2408 : vector<128x1xf32> to vector<128x1024xf32>
    %min3A_2424 = vector.broadcast %get3A_1860 : vector<1x1024xf32> to vector<128x1024xf32>
    %min3A_2425 = arith.minimumf %min3A_2423, %min3A_2424 : vector<128x1024xf32>
    %min3A_2426 = vector.broadcast %get3A_2413 : vector<128x1xf32> to vector<128x1024xf32>
    %min3A_2427 = vector.broadcast %get3A_1865 : vector<1x1024xf32> to vector<128x1024xf32>
    %min3A_2428 = arith.minimumf %min3A_2426, %min3A_2427 : vector<128x1024xf32>
    %sub3A_2429 = arith.subf %min3A_2425, %max3A_2419 : vector<128x1024xf32>
    %max3A_2430 = arith.constant 0.000000e+00 : f32
    %max3A_2431 = vector.broadcast %max3A_2430 : f32 to vector<128x1024xf32>
    %max3A_2432 = arith.maximumf %sub3A_2429, %max3A_2431 : vector<128x1024xf32>
    %sub3A_2433 = arith.subf %min3A_2428, %max3A_2422 : vector<128x1024xf32>
    %max3A_2434 = arith.constant 0.000000e+00 : f32
    %max3A_2435 = vector.broadcast %max3A_2434 : f32 to vector<128x1024xf32>
    %max3A_2436 = arith.maximumf %sub3A_2433, %max3A_2435 : vector<128x1024xf32>
    %mul3A_2437 = arith.mulf %max3A_2432, %max3A_2436 : vector<128x1024xf32>
    %add3A_2438 = vector.broadcast %mul3A_2416 : vector<128x1xf32> to vector<128x1024xf32>
    %add3A_2439 = vector.broadcast %mul3A_1873 : vector<1x1024xf32> to vector<128x1024xf32>
    %add3A_2440 = arith.addf %add3A_2438, %add3A_2439 : vector<128x1024xf32>
    %sub3A_2441 = arith.subf %add3A_2440, %mul3A_2437 : vector<128x1024xf32>
    %gt3A_2442 = arith.constant 0.000000e+00 : f32
    %gt3A_2443 = vector.broadcast %gt3A_2442 : f32 to vector<128x1024xf32>
    %gt3A_2444 = arith.cmpf ogt, %sub3A_2441, %gt3A_2443 : vector<128x1024xf32>
    %div3A_2445 = arith.divf %mul3A_2437, %sub3A_2441 : vector<128x1024xf32>
    %jit3A_2446 = arith.constant 0.000000e+00 : f32
    %broadcast_in_dim3A_2447 = vector.broadcast %jit3A_2446 : f32 to vector<128x1024xf32>
    %select_n3A_2448 = arith.select %gt3A_2444, %div3A_2445, %broadcast_in_dim3A_2447 : vector<128x1024xi1>, vector<128x1024xf32>
    %iota3A_2449 = tpu.iota {dimensions = array<i32: 0>} : vector<128x1024xi32>
    %iota3A_2450 = tpu.iota {dimensions = array<i32: 1>} : vector<128x1024xi32>
    %gt3A_2451 = arith.constant 5.000000e-01 : f32
    %gt3A_2452 = vector.broadcast %gt3A_2451 : f32 to vector<128x1024xf32>
    %gt3A_2453 = arith.cmpf ogt, %select_n3A_2448, %gt3A_2452 : vector<128x1024xf32>
    %add3A_2454 = arith.constant 896 : i32
    %add3A_2455 = vector.broadcast %add3A_2454 : i32 to vector<128x1024xi32>
    %add3A_2456 = arith.addi %iota3A_2449, %add3A_2455 : vector<128x1024xi32>
    %lt3A_2457 = arith.cmpi slt, %add3A_2456, %iota3A_2450 : vector<128x1024xi32>
    %and3A_2458 = arith.andi %gt3A_2453, %lt3A_2457 : vector<128x1024xi1>
    %convert_element_type3A_2459 = arith.extui %and3A_2458 : vector<128x1024xi1> to vector<128x1024xi32>
    %convert_element_type3A_2460 = arith.sitofp %convert_element_type3A_2459 : vector<128x1024xi32> to vector<128x1024xf32>
    %swap3A_2461 = arith.constant 3 : index
    %swap3A_2462 = arith.constant 896 : index
    %swap3A_2463 = arith.constant 0 : index
    %swap3A_2464 = vector.load %arg4[%swap3A_2461, %swap3A_2462, %swap3A_2463] : memref<4x1024x1024xf32, #tpu.memory_space<vmem>>, vector<1x128x1024xf32>
    %swap3A_2465 = vector.shape_cast %swap3A_2464 : vector<1x128x1024xf32> to vector<128x1024xf32>
    %swap3A_2466 = vector.shape_cast %convert_element_type3A_2460 : vector<128x1024xf32> to vector<1x128x1024xf32>
    tpu.vector_store %arg4[%swap3A_2461, %swap3A_2462, %swap3A_2463], %swap3A_2466 {strides = array<i32>} : memref<4x1024x1024xf32, #tpu.memory_space<vmem>>, vector<1x128x1024xf32>,
    %concatenate3A = tpu.concatenate %convert_element_type3A_29, %convert_element_type3A_640, %convert_element_type3A_1261, %convert_element_type3A_1882 in 0 : vector<1x1024xf32>, vector<1x1024xf32>, vector<1x1024xf32>, vector<1x1024xf32> -> vector<4x1024xf32>
    %while3A = arith.constant true
    %while3A_2467:2 = scf.while (%while3A_2590 = %concatenate3A, %while3A_2591 = %while3A) : (vector<4x1024xf32>, i1) -> (vector<4x1024xf32>, i1) {
      scf.condition(%while3A_2591) %while3A_2590, %while3A_2591 : vector<4x1024xf32>, i1
    } do {
    ^bb0(%while3A_2590: vector<4x1024xf32>, %while3A_2591: i1):
      %slice3A_2592 = vector.extract_strided_slice %while3A_2590 {offsets = [0, 0], sizes = [1, 1024], strides = [1, 1]} : vector<4x1024xf32> to vector<1x1024xf32>
      %get3A_2593 = arith.constant 0 : index
      %get3A_2594 = arith.constant 0 : index
      %get3A_2595 = arith.constant 0 : index
      %get3A_2596 = vector.load %arg4[%get3A_2593, %get3A_2594, %get3A_2595] : memref<4x1024x1024xf32, #tpu.memory_space<vmem>>, vector<1x1024x1024xf32>
      %get3A_2597 = vector.shape_cast %get3A_2596 : vector<1x1024x1024xf32> to vector<1024x1024xf32>
      %dot_general3A_2598 = arith.constant dense<0.000000e+00> : vector<1x1024xf32>
      %dot_general3A_2599 = tpu.matmul %slice3A_2592, %get3A_2597, %dot_general3A_2598 {dimension_numbers = #tpu.dot_dimension_numbers<[1], [0], [0], [1], [0, 0, 1, 1], [], []>, transpose_lhs_hint = false} : vector<1x1024xf32>, vector<1024x1024xf32>, vector<1x1024xf32> -> vector<1x1024xf32>
      %slice3A_2600 = vector.extract_strided_slice %concatenate3A {offsets = [0, 0], sizes = [1, 1024], strides = [1, 1]} : vector<4x1024xf32> to vector<1x1024xf32>
      %gt3A_2601 = arith.constant 0.000000e+00 : f32
      %gt3A_2602 = vector.broadcast %gt3A_2601 : f32 to vector<1x1024xf32>
      %gt3A_2603 = arith.cmpf ogt, %dot_general3A_2599, %gt3A_2602 : vector<1x1024xf32>
      %convert_element_type3A_2604 = arith.extui %gt3A_2603 : vector<1x1024xi1> to vector<1x1024xi32>
      %convert_element_type3A_2605 = arith.sitofp %convert_element_type3A_2604 : vector<1x1024xi32> to vector<1x1024xf32>
      %sub3A_2606 = arith.constant 1.000000e+00 : f32
      %sub3A_2607 = vector.broadcast %sub3A_2606 : f32 to vector<1x1024xf32>
      %sub3A_2608 = arith.subf %sub3A_2607, %convert_element_type3A_2605 : vector<1x1024xf32>
      %mul3A_2609 = arith.mulf %slice3A_2600, %sub3A_2608 : vector<1x1024xf32>
      %slice3A_2610 = vector.extract_strided_slice %while3A_2590 {offsets = [1, 0], sizes = [1, 1024], strides = [1, 1]} : vector<4x1024xf32> to vector<1x1024xf32>
      %get3A_2611 = arith.constant 1 : index
      %get3A_2612 = arith.constant 0 : index
      %get3A_2613 = arith.constant 0 : index
      %get3A_2614 = vector.load %arg4[%get3A_2611, %get3A_2612, %get3A_2613] : memref<4x1024x1024xf32, #tpu.memory_space<vmem>>, vector<1x1024x1024xf32>
      %get3A_2615 = vector.shape_cast %get3A_2614 : vector<1x1024x1024xf32> to vector<1024x1024xf32>
      %dot_general3A_2616 = arith.constant dense<0.000000e+00> : vector<1x1024xf32>
      %dot_general3A_2617 = tpu.matmul %slice3A_2610, %get3A_2615, %dot_general3A_2616 {dimension_numbers = #tpu.dot_dimension_numbers<[1], [0], [0], [1], [0, 0, 1, 1], [], []>, transpose_lhs_hint = false} : vector<1x1024xf32>, vector<1024x1024xf32>, vector<1x1024xf32> -> vector<1x1024xf32>
      %slice3A_2618 = vector.extract_strided_slice %concatenate3A {offsets = [1, 0], sizes = [1, 1024], strides = [1, 1]} : vector<4x1024xf32> to vector<1x1024xf32>
      %gt3A_2619 = arith.constant 0.000000e+00 : f32
      %gt3A_2620 = vector.broadcast %gt3A_2619 : f32 to vector<1x1024xf32>
      %gt3A_2621 = arith.cmpf ogt, %dot_general3A_2617, %gt3A_2620 : vector<1x1024xf32>
      %convert_element_type3A_2622 = arith.extui %gt3A_2621 : vector<1x1024xi1> to vector<1x1024xi32>
      %convert_element_type3A_2623 = arith.sitofp %convert_element_type3A_2622 : vector<1x1024xi32> to vector<1x1024xf32>
      %sub3A_2624 = arith.constant 1.000000e+00 : f32
      %sub3A_2625 = vector.broadcast %sub3A_2624 : f32 to vector<1x1024xf32>
      %sub3A_2626 = arith.subf %sub3A_2625, %convert_element_type3A_2623 : vector<1x1024xf32>
      %mul3A_2627 = arith.mulf %slice3A_2618, %sub3A_2626 : vector<1x1024xf32>
      %slice3A_2628 = vector.extract_strided_slice %while3A_2590 {offsets = [2, 0], sizes = [1, 1024], strides = [1, 1]} : vector<4x1024xf32> to vector<1x1024xf32>
      %get3A_2629 = arith.constant 2 : index
      %get3A_2630 = arith.constant 0 : index
      %get3A_2631 = arith.constant 0 : index
      %get3A_2632 = vector.load %arg4[%get3A_2629, %get3A_2630, %get3A_2631] : memref<4x1024x1024xf32, #tpu.memory_space<vmem>>, vector<1x1024x1024xf32>
      %get3A_2633 = vector.shape_cast %get3A_2632 : vector<1x1024x1024xf32> to vector<1024x1024xf32>
      %dot_general3A_2634 = arith.constant dense<0.000000e+00> : vector<1x1024xf32>
      %dot_general3A_2635 = tpu.matmul %slice3A_2628, %get3A_2633, %dot_general3A_2634 {dimension_numbers = #tpu.dot_dimension_numbers<[1], [0], [0], [1], [0, 0, 1, 1], [], []>, transpose_lhs_hint = false} : vector<1x1024xf32>, vector<1024x1024xf32>, vector<1x1024xf32> -> vector<1x1024xf32>
      %slice3A_2636 = vector.extract_strided_slice %concatenate3A {offsets = [2, 0], sizes = [1, 1024], strides = [1, 1]} : vector<4x1024xf32> to vector<1x1024xf32>
      %gt3A_2637 = arith.constant 0.000000e+00 : f32
      %gt3A_2638 = vector.broadcast %gt3A_2637 : f32 to vector<1x1024xf32>
      %gt3A_2639 = arith.cmpf ogt, %dot_general3A_2635, %gt3A_2638 : vector<1x1024xf32>
      %convert_element_type3A_2640 = arith.extui %gt3A_2639 : vector<1x1024xi1> to vector<1x1024xi32>
      %convert_element_type3A_2641 = arith.sitofp %convert_element_type3A_2640 : vector<1x1024xi32> to vector<1x1024xf32>
      %sub3A_2642 = arith.constant 1.000000e+00 : f32
      %sub3A_2643 = vector.broadcast %sub3A_2642 : f32 to vector<1x1024xf32>
      %sub3A_2644 = arith.subf %sub3A_2643, %convert_element_type3A_2641 : vector<1x1024xf32>
      %mul3A_2645 = arith.mulf %slice3A_2636, %sub3A_2644 : vector<1x1024xf32>
      %slice3A_2646 = vector.extract_strided_slice %while3A_2590 {offsets = [3, 0], sizes = [1, 1024], strides = [1, 1]} : vector<4x1024xf32> to vector<1x1024xf32>
      %get3A_2647 = arith.constant 3 : index
      %get3A_2648 = arith.constant 0 : index
      %get3A_2649 = arith.constant 0 : index
      %get3A_2650 = vector.load %arg4[%get3A_2647, %get3A_2648, %get3A_2649] : memref<4x1024x1024xf32, #tpu.memory_space<vmem>>, vector<1x1024x1024xf32>
      %get3A_2651 = vector.shape_cast %get3A_2650 : vector<1x1024x1024xf32> to vector<1024x1024xf32>
      %dot_general3A_2652 = arith.constant dense<0.000000e+00> : vector<1x1024xf32>
      %dot_general3A_2653 = tpu.matmul %slice3A_2646, %get3A_2651, %dot_general3A_2652 {dimension_numbers = #tpu.dot_dimension_numbers<[1], [0], [0], [1], [0, 0, 1, 1], [], []>, transpose_lhs_hint = false} : vector<1x1024xf32>, vector<1024x1024xf32>, vector<1x1024xf32> -> vector<1x1024xf32>
      %slice3A_2654 = vector.extract_strided_slice %concatenate3A {offsets = [3, 0], sizes = [1, 1024], strides = [1, 1]} : vector<4x1024xf32> to vector<1x1024xf32>
      %gt3A_2655 = arith.constant 0.000000e+00 : f32
      %gt3A_2656 = vector.broadcast %gt3A_2655 : f32 to vector<1x1024xf32>
      %gt3A_2657 = arith.cmpf ogt, %dot_general3A_2653, %gt3A_2656 : vector<1x1024xf32>
      %convert_element_type3A_2658 = arith.extui %gt3A_2657 : vector<1x1024xi1> to vector<1x1024xi32>
      %convert_element_type3A_2659 = arith.sitofp %convert_element_type3A_2658 : vector<1x1024xi32> to vector<1x1024xf32>
      %sub3A_2660 = arith.constant 1.000000e+00 : f32
      %sub3A_2661 = vector.broadcast %sub3A_2660 : f32 to vector<1x1024xf32>
      %sub3A_2662 = arith.subf %sub3A_2661, %convert_element_type3A_2659 : vector<1x1024xf32>
      %mul3A_2663 = arith.mulf %slice3A_2654, %sub3A_2662 : vector<1x1024xf32>
      %concatenate3A_2664 = tpu.concatenate %mul3A_2609, %mul3A_2627, %mul3A_2645, %mul3A_2663 in 0 : vector<1x1024xf32>, vector<1x1024xf32>, vector<1x1024xf32>, vector<1x1024xf32> -> vector<4x1024xf32>
      %ne3A = arith.cmpf one, %concatenate3A_2664, %while3A_2590 : vector<4x1024xf32>
      %reduce_or3A = arith.constant 1.000000e+00 : f32
      %reduce_or3A_2665 = arith.constant 0.000000e+00 : f32
      %reduce_or3A_2666 = vector.broadcast %reduce_or3A : f32 to vector<4x1024xf32>
      %reduce_or3A_2667 = vector.broadcast %reduce_or3A_2665 : f32 to vector<4x1024xf32>
      %reduce_or3A_2668 = arith.select %ne3A, %reduce_or3A_2666, %reduce_or3A_2667 : vector<4x1024xi1>, vector<4x1024xf32>
      %reduce_or3A_2669 = vector.shape_cast %reduce_or3A_2668 : vector<4x1024xf32> to vector<1x4x1024xf32>
      %reduce_or3A_2670 = arith.constant dense<0xFF800000> : vector<1xf32>
      %reduce_or3A_2671 = vector.multi_reduction <maximumf>, %reduce_or3A_2669, %reduce_or3A_2670 [1, 2] : vector<1x4x1024xf32> to vector<1xf32>
      %reduce_or3A_2672 = vector.shape_cast %reduce_or3A_2671 : vector<1xf32> to vector<1x1x1xf32>
      %reduce_or3A_2673 = vector.extract %reduce_or3A_2672[0, 0, 0] : f32 from vector<1x1x1xf32>
      %reduce_or3A_2674 = arith.constant 0.000000e+00 : f32
      %reduce_or3A_2675 = arith.cmpf ogt, %reduce_or3A_2673, %reduce_or3A_2674 : f32
      scf.yield %concatenate3A_2664, %reduce_or3A_2675 : vector<4x1024xf32>, i1
    }
    %iota3A_2468 = tpu.iota {dimensions = array<i32: 0>} : vector<1024x1024xi32>
    %iota3A_2469 = tpu.iota {dimensions = array<i32: 1>} : vector<1024x1024xi32>
    %le3A = arith.cmpi sle, %iota3A_2468, %iota3A_2469 : vector<1024x1024xi32>
    %convert_element_type3A_2470 = arith.extui %le3A : vector<1024x1024xi1> to vector<1024x1024xi32>
    %convert_element_type3A_2471 = arith.sitofp %convert_element_type3A_2470 : vector<1024x1024xi32> to vector<1024x1024xf32>
    %iota3A_2472 = tpu.iota {dimensions = array<i32: 0>} : vector<304x1024xi32>
    %slice3A = vector.extract_strided_slice %while3A_2467#0 {offsets = [0, 0], sizes = [1, 1024], strides = [1, 1]} : vector<4x1024xf32> to vector<1x1024xf32>
    %dot_general3A = arith.constant dense<0.000000e+00> : vector<1x1024xf32>
    %dot_general3A_2473 = tpu.matmul %slice3A, %convert_element_type3A_2471, %dot_general3A {dimension_numbers = #tpu.dot_dimension_numbers<[1], [0], [0], [1], [0, 0, 1, 1], [], []>, transpose_lhs_hint = false} : vector<1x1024xf32>, vector<1024x1024xf32>, vector<1x1024xf32> -> vector<1x1024xf32>
    %convert_element_type3A_2474 = arith.fptosi %dot_general3A_2473 : vector<1x1024xf32> to vector<1x1024xi32>
    %sub3A_2475 = arith.constant 1 : i32
    %sub3A_2476 = vector.broadcast %sub3A_2475 : i32 to vector<1x1024xi32>
    %sub3A_2477 = arith.subi %convert_element_type3A_2474, %sub3A_2476 : vector<1x1024xi32>
    %broadcast_in_dim3A_2478 = vector.shape_cast %sub3A_2477 : vector<1x1024xi32> to vector<1x1024xi32>
    %broadcast_in_dim3A_2479 = vector.broadcast %broadcast_in_dim3A_2478 : vector<1x1024xi32> to vector<304x1024xi32>
    %eq3A = arith.cmpi eq, %broadcast_in_dim3A_2479, %iota3A_2472 : vector<304x1024xi32>
    %gt3A_2480 = arith.constant 0.000000e+00 : f32
    %gt3A_2481 = vector.broadcast %gt3A_2480 : f32 to vector<1x1024xf32>
    %gt3A_2482 = arith.cmpf ogt, %slice3A, %gt3A_2481 : vector<1x1024xf32>
    %and3A_2483 = vector.broadcast %gt3A_2482 : vector<1x1024xi1> to vector<304x1024xi1>
    %and3A_2484 = arith.andi %eq3A, %and3A_2483 : vector<304x1024xi1>
    %convert_element_type3A_2485 = arith.extui %and3A_2484 : vector<304x1024xi1> to vector<304x1024xi32>
    %convert_element_type3A_2486 = arith.sitofp %convert_element_type3A_2485 : vector<304x1024xi32> to vector<304x1024xf32>
    %get3A_2487 = arith.constant 0 : index
    %get3A_2488 = arith.constant 0 : index
    %get3A_2489 = arith.constant 0 : index
    %get3A_2490 = vector.load %arg2[%get3A_2487, %get3A_2488, %get3A_2489] : memref<4x1024x128xf32, #tpu.memory_space<vmem>>, vector<1x1024x128xf32>
    %get3A_2491 = vector.shape_cast %get3A_2490 : vector<1x1024x128xf32> to vector<1024x128xf32>
    %dot_general3A_2492 = arith.constant dense<0.000000e+00> : vector<304x128xf32>
    %dot_general3A_2493 = tpu.matmul %convert_element_type3A_2486, %get3A_2491, %dot_general3A_2492 {dimension_numbers = #tpu.dot_dimension_numbers<[1], [0], [0], [1], [0, 0, 1, 1], [], []>, transpose_lhs_hint = false} : vector<304x1024xf32>, vector<1024x128xf32>, vector<304x128xf32> -> vector<304x128xf32>
    %swap3A_2494 = arith.constant 0 : index
    %swap3A_2495 = arith.constant 0 : index
    %swap3A_2496 = arith.constant 0 : index
    %swap3A_2497 = vector.load %arg3[%swap3A_2494, %swap3A_2495, %swap3A_2496] : memref<4x304x128xf32, #tpu.memory_space<vmem>>, vector<1x304x128xf32>
    %swap3A_2498 = vector.shape_cast %swap3A_2497 : vector<1x304x128xf32> to vector<304x128xf32>
    %swap3A_2499 = vector.shape_cast %dot_general3A_2493 : vector<304x128xf32> to vector<1x304x128xf32>
    tpu.vector_store %arg3[%swap3A_2494, %swap3A_2495, %swap3A_2496], %swap3A_2499 {strides = array<i32>} : memref<4x304x128xf32, #tpu.memory_space<vmem>>, vector<1x304x128xf32>,
    %slice3A_2500 = vector.extract_strided_slice %while3A_2467#0 {offsets = [1, 0], sizes = [1, 1024], strides = [1, 1]} : vector<4x1024xf32> to vector<1x1024xf32>
    %dot_general3A_2501 = arith.constant dense<0.000000e+00> : vector<1x1024xf32>
    %dot_general3A_2502 = tpu.matmul %slice3A_2500, %convert_element_type3A_2471, %dot_general3A_2501 {dimension_numbers = #tpu.dot_dimension_numbers<[1], [0], [0], [1], [0, 0, 1, 1], [], []>, transpose_lhs_hint = false} : vector<1x1024xf32>, vector<1024x1024xf32>, vector<1x1024xf32> -> vector<1x1024xf32>
    %convert_element_type3A_2503 = arith.fptosi %dot_general3A_2502 : vector<1x1024xf32> to vector<1x1024xi32>
    %sub3A_2504 = arith.constant 1 : i32
    %sub3A_2505 = vector.broadcast %sub3A_2504 : i32 to vector<1x1024xi32>
    %sub3A_2506 = arith.subi %convert_element_type3A_2503, %sub3A_2505 : vector<1x1024xi32>
    %broadcast_in_dim3A_2507 = vector.shape_cast %sub3A_2506 : vector<1x1024xi32> to vector<1x1024xi32>
    %broadcast_in_dim3A_2508 = vector.broadcast %broadcast_in_dim3A_2507 : vector<1x1024xi32> to vector<304x1024xi32>
    %eq3A_2509 = arith.cmpi eq, %broadcast_in_dim3A_2508, %iota3A_2472 : vector<304x1024xi32>
    %gt3A_2510 = arith.constant 0.000000e+00 : f32
    %gt3A_2511 = vector.broadcast %gt3A_2510 : f32 to vector<1x1024xf32>
    %gt3A_2512 = arith.cmpf ogt, %slice3A_2500, %gt3A_2511 : vector<1x1024xf32>
    %and3A_2513 = vector.broadcast %gt3A_2512 : vector<1x1024xi1> to vector<304x1024xi1>
    %and3A_2514 = arith.andi %eq3A_2509, %and3A_2513 : vector<304x1024xi1>
    %convert_element_type3A_2515 = arith.extui %and3A_2514 : vector<304x1024xi1> to vector<304x1024xi32>
    %convert_element_type3A_2516 = arith.sitofp %convert_element_type3A_2515 : vector<304x1024xi32> to vector<304x1024xf32>
    %get3A_2517 = arith.constant 1 : index
    %get3A_2518 = arith.constant 0 : index
    %get3A_2519 = arith.constant 0 : index
    %get3A_2520 = vector.load %arg2[%get3A_2517, %get3A_2518, %get3A_2519] : memref<4x1024x128xf32, #tpu.memory_space<vmem>>, vector<1x1024x128xf32>
    %get3A_2521 = vector.shape_cast %get3A_2520 : vector<1x1024x128xf32> to vector<1024x128xf32>
    %dot_general3A_2522 = arith.constant dense<0.000000e+00> : vector<304x128xf32>
    %dot_general3A_2523 = tpu.matmul %convert_element_type3A_2516, %get3A_2521, %dot_general3A_2522 {dimension_numbers = #tpu.dot_dimension_numbers<[1], [0], [0], [1], [0, 0, 1, 1], [], []>, transpose_lhs_hint = false} : vector<304x1024xf32>, vector<1024x128xf32>, vector<304x128xf32> -> vector<304x128xf32>
    %swap3A_2524 = arith.constant 1 : index
    %swap3A_2525 = arith.constant 0 : index
    %swap3A_2526 = arith.constant 0 : index
    %swap3A_2527 = vector.load %arg3[%swap3A_2524, %swap3A_2525, %swap3A_2526] : memref<4x304x128xf32, #tpu.memory_space<vmem>>, vector<1x304x128xf32>
    %swap3A_2528 = vector.shape_cast %swap3A_2527 : vector<1x304x128xf32> to vector<304x128xf32>
    %swap3A_2529 = vector.shape_cast %dot_general3A_2523 : vector<304x128xf32> to vector<1x304x128xf32>
    tpu.vector_store %arg3[%swap3A_2524, %swap3A_2525, %swap3A_2526], %swap3A_2529 {strides = array<i32>} : memref<4x304x128xf32, #tpu.memory_space<vmem>>, vector<1x304x128xf32>,
    %slice3A_2530 = vector.extract_strided_slice %while3A_2467#0 {offsets = [2, 0], sizes = [1, 1024], strides = [1, 1]} : vector<4x1024xf32> to vector<1x1024xf32>
    %dot_general3A_2531 = arith.constant dense<0.000000e+00> : vector<1x1024xf32>
    %dot_general3A_2532 = tpu.matmul %slice3A_2530, %convert_element_type3A_2471, %dot_general3A_2531 {dimension_numbers = #tpu.dot_dimension_numbers<[1], [0], [0], [1], [0, 0, 1, 1], [], []>, transpose_lhs_hint = false} : vector<1x1024xf32>, vector<1024x1024xf32>, vector<1x1024xf32> -> vector<1x1024xf32>
    %convert_element_type3A_2533 = arith.fptosi %dot_general3A_2532 : vector<1x1024xf32> to vector<1x1024xi32>
    %sub3A_2534 = arith.constant 1 : i32
    %sub3A_2535 = vector.broadcast %sub3A_2534 : i32 to vector<1x1024xi32>
    %sub3A_2536 = arith.subi %convert_element_type3A_2533, %sub3A_2535 : vector<1x1024xi32>
    %broadcast_in_dim3A_2537 = vector.shape_cast %sub3A_2536 : vector<1x1024xi32> to vector<1x1024xi32>
    %broadcast_in_dim3A_2538 = vector.broadcast %broadcast_in_dim3A_2537 : vector<1x1024xi32> to vector<304x1024xi32>
    %eq3A_2539 = arith.cmpi eq, %broadcast_in_dim3A_2538, %iota3A_2472 : vector<304x1024xi32>
    %gt3A_2540 = arith.constant 0.000000e+00 : f32
    %gt3A_2541 = vector.broadcast %gt3A_2540 : f32 to vector<1x1024xf32>
    %gt3A_2542 = arith.cmpf ogt, %slice3A_2530, %gt3A_2541 : vector<1x1024xf32>
    %and3A_2543 = vector.broadcast %gt3A_2542 : vector<1x1024xi1> to vector<304x1024xi1>
    %and3A_2544 = arith.andi %eq3A_2539, %and3A_2543 : vector<304x1024xi1>
    %convert_element_type3A_2545 = arith.extui %and3A_2544 : vector<304x1024xi1> to vector<304x1024xi32>
    %convert_element_type3A_2546 = arith.sitofp %convert_element_type3A_2545 : vector<304x1024xi32> to vector<304x1024xf32>
    %get3A_2547 = arith.constant 2 : index
    %get3A_2548 = arith.constant 0 : index
    %get3A_2549 = arith.constant 0 : index
    %get3A_2550 = vector.load %arg2[%get3A_2547, %get3A_2548, %get3A_2549] : memref<4x1024x128xf32, #tpu.memory_space<vmem>>, vector<1x1024x128xf32>
    %get3A_2551 = vector.shape_cast %get3A_2550 : vector<1x1024x128xf32> to vector<1024x128xf32>
    %dot_general3A_2552 = arith.constant dense<0.000000e+00> : vector<304x128xf32>
    %dot_general3A_2553 = tpu.matmul %convert_element_type3A_2546, %get3A_2551, %dot_general3A_2552 {dimension_numbers = #tpu.dot_dimension_numbers<[1], [0], [0], [1], [0, 0, 1, 1], [], []>, transpose_lhs_hint = false} : vector<304x1024xf32>, vector<1024x128xf32>, vector<304x128xf32> -> vector<304x128xf32>
    %swap3A_2554 = arith.constant 2 : index
    %swap3A_2555 = arith.constant 0 : index
    %swap3A_2556 = arith.constant 0 : index
    %swap3A_2557 = vector.load %arg3[%swap3A_2554, %swap3A_2555, %swap3A_2556] : memref<4x304x128xf32, #tpu.memory_space<vmem>>, vector<1x304x128xf32>
    %swap3A_2558 = vector.shape_cast %swap3A_2557 : vector<1x304x128xf32> to vector<304x128xf32>
    %swap3A_2559 = vector.shape_cast %dot_general3A_2553 : vector<304x128xf32> to vector<1x304x128xf32>
    tpu.vector_store %arg3[%swap3A_2554, %swap3A_2555, %swap3A_2556], %swap3A_2559 {strides = array<i32>} : memref<4x304x128xf32, #tpu.memory_space<vmem>>, vector<1x304x128xf32>,
    %slice3A_2560 = vector.extract_strided_slice %while3A_2467#0 {offsets = [3, 0], sizes = [1, 1024], strides = [1, 1]} : vector<4x1024xf32> to vector<1x1024xf32>
    %dot_general3A_2561 = arith.constant dense<0.000000e+00> : vector<1x1024xf32>
    %dot_general3A_2562 = tpu.matmul %slice3A_2560, %convert_element_type3A_2471, %dot_general3A_2561 {dimension_numbers = #tpu.dot_dimension_numbers<[1], [0], [0], [1], [0, 0, 1, 1], [], []>, transpose_lhs_hint = false} : vector<1x1024xf32>, vector<1024x1024xf32>, vector<1x1024xf32> -> vector<1x1024xf32>
    %convert_element_type3A_2563 = arith.fptosi %dot_general3A_2562 : vector<1x1024xf32> to vector<1x1024xi32>
    %sub3A_2564 = arith.constant 1 : i32
    %sub3A_2565 = vector.broadcast %sub3A_2564 : i32 to vector<1x1024xi32>
    %sub3A_2566 = arith.subi %convert_element_type3A_2563, %sub3A_2565 : vector<1x1024xi32>
    %broadcast_in_dim3A_2567 = vector.shape_cast %sub3A_2566 : vector<1x1024xi32> to vector<1x1024xi32>
    %broadcast_in_dim3A_2568 = vector.broadcast %broadcast_in_dim3A_2567 : vector<1x1024xi32> to vector<304x1024xi32>
    %eq3A_2569 = arith.cmpi eq, %broadcast_in_dim3A_2568, %iota3A_2472 : vector<304x1024xi32>
    %gt3A_2570 = arith.constant 0.000000e+00 : f32
    %gt3A_2571 = vector.broadcast %gt3A_2570 : f32 to vector<1x1024xf32>
    %gt3A_2572 = arith.cmpf ogt, %slice3A_2560, %gt3A_2571 : vector<1x1024xf32>
    %and3A_2573 = vector.broadcast %gt3A_2572 : vector<1x1024xi1> to vector<304x1024xi1>
    %and3A_2574 = arith.andi %eq3A_2569, %and3A_2573 : vector<304x1024xi1>
    %convert_element_type3A_2575 = arith.extui %and3A_2574 : vector<304x1024xi1> to vector<304x1024xi32>
    %convert_element_type3A_2576 = arith.sitofp %convert_element_type3A_2575 : vector<304x1024xi32> to vector<304x1024xf32>
    %get3A_2577 = arith.constant 3 : index
    %get3A_2578 = arith.constant 0 : index
    %get3A_2579 = arith.constant 0 : index
    %get3A_2580 = vector.load %arg2[%get3A_2577, %get3A_2578, %get3A_2579] : memref<4x1024x128xf32, #tpu.memory_space<vmem>>, vector<1x1024x128xf32>
    %get3A_2581 = vector.shape_cast %get3A_2580 : vector<1x1024x128xf32> to vector<1024x128xf32>
    %dot_general3A_2582 = arith.constant dense<0.000000e+00> : vector<304x128xf32>
    %dot_general3A_2583 = tpu.matmul %convert_element_type3A_2576, %get3A_2581, %dot_general3A_2582 {dimension_numbers = #tpu.dot_dimension_numbers<[1], [0], [0], [1], [0, 0, 1, 1], [], []>, transpose_lhs_hint = false} : vector<304x1024xf32>, vector<1024x128xf32>, vector<304x128xf32> -> vector<304x128xf32>
    %swap3A_2584 = arith.constant 3 : index
    %swap3A_2585 = arith.constant 0 : index
    %swap3A_2586 = arith.constant 0 : index
    %swap3A_2587 = vector.load %arg3[%swap3A_2584, %swap3A_2585, %swap3A_2586] : memref<4x304x128xf32, #tpu.memory_space<vmem>>, vector<1x304x128xf32>
    %swap3A_2588 = vector.shape_cast %swap3A_2587 : vector<1x304x128xf32> to vector<304x128xf32>
    %swap3A_2589 = vector.shape_cast %dot_general3A_2583 : vector<304x128xf32> to vector<1x304x128xf32>
    tpu.vector_store %arg3[%swap3A_2584, %swap3A_2585, %swap3A_2586], %swap3A_2589 {strides = array<i32>} : memref<4x304x128xf32, #tpu.memory_space<vmem>>, vector<1x304x128xf32>,
    return
  }
  func.func @transform_0(%arg0: i32) -> (i32, i32, i32) {
    %c0_i32 = arith.constant 0 : i32
    %c0_i32_0 = arith.constant 0 : i32
    %c0_i32_1 = arith.constant 0 : i32
    %c0_i32_2 = arith.constant 0 : i32
    return %c0_i32, %c0_i32_0, %c0_i32_1 : i32, i32, i32
  }
  func.func @transform_1(%arg0: i32) -> (i32, i32, i32) {
    %c0_i32 = arith.constant 0 : i32
    %c0_i32_0 = arith.constant 0 : i32
    %c0_i32_1 = arith.constant 0 : i32
    %c0_i32_2 = arith.constant 0 : i32
    return %c0_i32, %c0_i32_0, %c0_i32_1 : i32, i32, i32
  }
  func.func @transform_2(%arg0: i32) -> (i32, i32, i32) {
    %c0_i32 = arith.constant 0 : i32
    %c0_i32_0 = arith.constant 0 : i32
    %c0_i32_1 = arith.constant 0 : i32
    %c0_i32_2 = arith.constant 0 : i32
    return %c0_i32, %c0_i32_0, %c0_i32_1 : i32, i32, i32
  }
}

</mosaic_0001>

<sc_bundles>
// kernel: gather_offload_async_start
scs
__scs_entry_jumppad:
0x0: {  	(pc) =	sbr.rel $0x88, $3  }
0x1: {  	(tag) =	ssettag $0x0;
	lr =	simm.s32 $0x1  }
0x2: {  	[smem:$0x3F9F] =	sst lr;
	_ =	strace $0xD0000000  }
0x3: {  	_ = 	snop  }
0x4: {  	_ = 	snop  }
0x5: {  	_ = 	snop  }
0x6: {  	_ = 	snop  }
0x7: {  	_ = 	snop  }
__scs_overlays_trampoline_lowered:
0x8: {  	[smem:$0x3FAE] =	sst s0  }
0x9: {  	[smem:$0x3FAF] =	sst s1  }
0xa: {  	[smem:$0x3FB0] =	sst s2  }
0xb: {  	[smem:$0x3FB1] =	sst s3  }
0xc: {  	[smem:$0x3FB2] =	sst s4  }
0xd: {  	[smem:$0x3FB3] =	sst s5  }
0xe: {  	[smem:$0x3FB4] =	sst s6  }
0xf: {  	[smem:$0x3FB5] =	sst s7  }
0x10: {  	[smem:$0x3FB6] =	sst s8  }
0x11: {  	[smem:$0x3FB7] =	sst s9;
	s0 =	simm.s32 @!p0 $0x0  }
0x12: {  	s1 =	sld [smem:$0x3F9D];
	s0 =	simm.s32 @p0 $0x1  }
0x13: {  	[smem:$0x3FB8] =	sst s0;
	s0 =	simm.s32 @!p1 $0x0  }
0x14: {  	s2 =	sld [smem:$0x3F9C];
	s0 =	simm.s32 @p1 $0x1  }
0x15: {  	[smem:$0x3FB9] =	sst s0;
	s0 =	simm.s32 @!p2 $0x0  }
0x16: {  	s3 =	sld [smem:$0x3FDB];
	s0 =	simm.s32 @p2 $0x1  }
0x17: {  	s4 =	simm.s32 $0x1BF5;
	[smem:$0x3FBB] =	sst s0  }
0x18: {  	s0 =	sld [smem:$0x3F9E];
	_ =	swait.ge [sflag:s4], $0x0  }
0x19: {  	s7 =	sld [smem:$0x3F9F]  }
0x1a: {  	s8 =	sadd.s32 $0xFFFFE003, lr  }
0x1b: {  	s9 =	sadd.s32 $0xFFFFFEF7, lr;
	s5 =	simm.s32 $0xFFFFFFFF;
	p2 =	slt.u32 s8, $0xFFFFF086  }
0x1c: {  	p1 =	slt.u32 s9, $0xF7A;
	s5 =	simm.s32 @!p2 $0x0  }
0x1d: {  	s5 =	simm.s32 @p1 $0x1;
	p0 =	seq.s32 s7, s2  }
0x1e: {  	s7 =	smul.u32 @!p0 $0xF7A, s2;
	p2 =	seq.s32 @!p0 s5, $0x0  }
0x1f: {  	s9 =	smul.u32 $0xF7A, s1;
	s8 =	simm.s32 @!p0 $0x1BF5;
	p2 =	por !p2, p0  }
0x20: {  	[sflag:s8] =	ssyncset.s32 @!p0 $0xFFFFF086;
	s6 =	sadd.s32 @!p0 s3, s7;
	s7 =	simm.s32 @!p0 $0x108  }
0x21: {  	s3 =	sadd.s32 s3, s9;
	s6 =	sadd.s32 @!p0 $0x88, s6;
	s7 =	simm.s32 @p2 $0x1082  }
0x22: {  	[simem:s7], [sflag:s8] =	dma.local @!p0 [hbm:s6], $0xF7A  }
0x23: {  	s9 =	sor.u32 $0xD0000000, s2;
	s6 =	simm.s32 $0x108;
	_ =	swait.ge @!p0 [sflag:s8], $0x0  }
0x24: {  	s3 =	sadd.s32 $0x88, s3;
	s6 =	simm.s32 @!p1 $0x1082;
	[sflag:s4] =	ssyncset.s32 $0xFFFFF086  }
0x25: {  	[simem:s6], [sflag:s4] =	dma.local [hbm:s3], $0xF7A  }
0x26: {  	[smem:$0x3F9F] =	sst s1;
	(tag) =	ssettag s2;
	_ =	strace s9  }
0x27: {  	s1 =	sld [smem:$0x3FAF]  }
0x28: {  	s2 =	sld [smem:$0x3FB0]  }
0x29: {  	s4 =	sld [smem:$0x3FB2]  }
0x2a: {  	p0 =	seq.s32 s5, $0x0;
	s5 =	sld [smem:$0x3FB3]  }
0x2b: {  	s6 =	sld [smem:$0x3FB4]  }
0x2c: {  	s7 =	sld [smem:$0x3FB5]  }
0x2d: {  	s3 =	simm.s32 $0x108;
	s8 =	sld [smem:$0x3FB6]  }
0x2e: {  	s3 =	simm.s32 @!p0 $0x1082;
	s9 =	sld [smem:$0x3FB7]  }
0x2f: {  	lr =	sadd.s32 s0, s3;
	s0 =	sld [smem:$0x3FAE]  }
0x30: {  	s3 =	sld [smem:$0x3FB1]  }
0x31: {  	[smem:$0x3FBA] =	sst s10  }
0x32: {  	s10 =	sld [smem:$0x3FB8];
	_ =	sdelay $0x3  }
0x33: {  	p0 =	seq.s32 s10, $0x1;
	s10 =	sld [smem:$0x3FBA];
	_ =	sdelay $0x3  }
0x34: {  	[smem:$0x3FBA] =	sst s10  }
0x35: {  	s10 =	sld [smem:$0x3FB9];
	_ =	sdelay $0x3  }
0x36: {  	p1 =	seq.s32 s10, $0x1;
	s10 =	sld [smem:$0x3FBA];
	_ =	sdelay $0x3  }
0x37: {  	[smem:$0x3FBA] =	sst s10  }
0x38: {  	s10 =	sld [smem:$0x3FBB]  }
0x39: {  	_ = 	snop;
	(pc) =	sbr.ind lr, $3  }
0x3a: {  	_ = 	snop  }
0x3b: {  	_ = 	snop  }
0x3c: {  	p2 =	seq.s32 s10, $0x1;
	s10 =	sld [smem:$0x3FBA]  }
0x3d: {  	_ =	shalt  }
0x3e: {  	_ =	shalt  }
0x3f: {  	_ =	shalt  }
0x40: {  	_ =	shalt  }
0x41: {  	_ =	shalt  }
0x42: {  	_ =	shalt  }
0x43: {  	_ =	shalt  }
0x44: {  	_ =	shalt  }
0x45: {  	_ =	shalt  }
0x46: {  	_ =	shalt  }
0x47: {  	_ =	shalt  }
0x48: {  	_ =	shalt  }
0x49: {  	_ =	shalt  }
0x4a: {  	_ =	shalt  }
0x4b: {  	_ =	shalt  }
0x4c: {  	_ =	shalt  }
0x4d: {  	_ =	shalt  }
0x4e: {  	_ =	shalt  }
0x4f: {  	_ =	shalt  }
0x50: {  	_ =	shalt  }
0x51: {  	_ =	shalt  }
0x52: {  	_ =	shalt  }
0x53: {  	_ =	shalt  }
0x54: {  	_ =	shalt  }
0x55: {  	_ =	shalt  }
0x56: {  	_ =	shalt  }
0x57: {  	_ =	shalt  }
0x58: {  	_ =	shalt  }
0x59: {  	_ =	shalt  }
0x5a: {  	_ =	shalt  }
0x5b: {  	_ =	shalt  }
0x5c: {  	_ =	shalt  }
0x5d: {  	_ =	shalt  }
0x5e: {  	_ =	shalt  }
0x5f: {  	_ =	shalt  }
0x60: {  	_ =	shalt  }
0x61: {  	_ =	shalt  }
0x62: {  	_ =	shalt  }
0x63: {  	_ =	shalt  }
0x64: {  	_ =	shalt  }
0x65: {  	_ =	shalt  }
0x66: {  	_ =	shalt  }
0x67: {  	_ =	shalt  }
0x68: {  	_ =	shalt  }
0x69: {  	_ =	shalt  }
0x6a: {  	_ =	shalt  }
0x6b: {  	_ =	shalt  }
0x6c: {  	_ =	shalt  }
0x6d: {  	_ =	shalt  }
0x6e: {  	_ =	shalt  }
0x6f: {  	_ =	shalt  }
0x70: {  	_ =	shalt  }
0x71: {  	_ =	shalt  }
0x72: {  	_ =	shalt  }
0x73: {  	_ =	shalt  }
0x74: {  	_ =	shalt  }
0x75: {  	_ =	shalt  }
0x76: {  	_ =	shalt  }
0x77: {  	_ =	shalt  }
0x78: {  	_ =	shalt  }
0x79: {  	_ =	shalt  }
0x7a: {  	_ =	shalt  }
0x7b: {  	_ =	shalt  }
0x7c: {  	_ =	shalt  }
0x7d: {  	_ =	shalt  }
0x7e: {  	_ =	shalt  }
0x7f: {  	_ =	shalt  }
0x80: {  	_ =	shalt  }
0x81: {  	_ =	shalt  }
0x82: {  	_ =	shalt  }
0x83: {  	_ =	shalt  }
0x84: {  	_ =	shalt  }
0x85: {  	_ =	shalt  }
0x86: {  	_ =	shalt  }
0x87: {  	_ =	shalt  }
.Lfunc_end0:
.L_simem_size_0:
called_computation_lowered:
.L_overlay_start_0:
0x88: {  	s2 =	sld [smem:$0x3FD9]  }
0x89: {  	s3 =	sld [smem:$0x3FFE];
	_ =	sdelay $0x1  }
0x8a: {  	s1 =	srdreg.scid  }
0x8b: {  	s0 =	sand.u32 $0x1, s1  }
0x8c: {  	s17 =	sshll.u32 s0, $0xA;
	s2 =	sadd.s32 s3, s2  }
0x8d: {  	s2 =	sadd.s32 s2, s17  }
0x8e: {  	[smem:$0x3FC6] =	sst s2  }
0x8f: {  	_ = 	snop  }
0x90: {  	s2 =	sld [smem:$0x3FD0];
	(tm) =	ssettm $0x1  }
0x91: {  	s18 =	sld [smem:$0x3FFB];
	_ =	sdelay $0x3  }
0x92: {  	_ =	strace s18  }
0x93: {  	s3 =	sld [smem:$0x3FFC];
	_ =	sdelay $0x3  }
0x94: {  	_ =	strace s3  }
0x95: {  	s3 =	sld [smem:$0x3FFD];
	_ =	sdelay $0x3  }
0x96: {  	_ =	strace s3  }
0x97: {  	_ =	strace $0x8FFFFFFF  }
0x98: {  	s19 =	sld [smem:$0x3FDB];
	_ =	sdelay $0x1  }
0x99: {  	s4 =	simm.s32 $_scs_section_size  }
0x9a: {  	s5 =	simm.s32 $_size__tile_overlayer_lowered;
	s6 =	simm.s32 $_tile_overlayer_lowered  }
0x9b: {  	s22 =	simm.s32 $0x1BFF;
	s21 =	sshll.u32 s6, $0x1;
	s3 =	sadd.s32 s4, s19  }
0x9c: {  	s7 =	simm.s32 $0x0;
	s20 =	sshll.u32 s5, $0x1;
	s5 =	sadd.s32 s21, s3  }
0x9d: {  	[timem:s7], [sflag:s22] =	dma.local [hbm:s5], s20  }
0x9e: {  	_ =	swait.ge [sflag:s22], s20  }
0x9f: {  	s4 =	ssub.s32 $0x0, s20;
	[sflag:s22] =	ssyncset.done $0x0  }
0xa0: {  	[sflag:s22] =	ssyncadd.s32 s4;
	_ =	sdelay $0x1  }
0xa1: {  	s23 =	simm.s32 $0x1B8B  }
0xa2: {  	_ =	swait.ge [sflag:s23], $0x1  }
0xa3: {  	[sflag:s23] =	ssyncset.done $0x0  }
0xa4: {  	s25 =	simm.s32 $0x1B8E;
	s24 =	sld [smem:$0x3FFE];
	[sflag:s23] =	ssyncadd.s32 $0xFFFFFFFF  }
0xa5: {  	s26 =	simm.s32 $execute0_lowered;
	[smem:$0x3FD2] =	sst s25  }
0xa6: {  	s5 =	sshll.u32 s26, $0x1;
	_ =	strace $0x80000046;
	[dreg:$0x1] =	wrdreg $0xFFFFFFFF  }
0xa7: {  	s28 =	simm.s32 $_size_execute0_lowered;
	s3 =	sadd.s32 s3, s5;
	[dreg:$0x0] =	wrdreg $0x0  }
0xa8: {  	s5 =	sshll.u32 s28, $0x1;
	[dreg:$0x2] =	wrdreg s3  }
0xa9: {  	[dreg:$0x3] =	wrdreg s5  }
0xaa: {  	[dreg:$0x4] =	wrdreg $0xC0  }
0xab: {  	_ =	task [dreg:s7], $0x5FFFF  }
0xac: {  	[dreg:$0x1] =	wrdreg $0xFFFFFFFF  }
0xad: {  	[dreg:$0x0] =	wrdreg $0x60  }
0xae: {  	[dreg:$0x2] =	wrdreg s24  }
0xaf: {  	[dreg:$0x3] =	wrdreg s2  }
0xb0: {  	[dreg:$0x4] =	wrdreg $0x9  }
0xb1: {  	_ =	task.clear_ibuf [dreg:s7], $0x5FFFF;
	_ =	strace $0x90000046  }
0xb2: {  	s29 =	simm.s32 $0x9;
	_ =	strace $0x80000048  }
0xb3: {  	_ =	swait.ge [sflag:s29], $0x1  }
0xb4: {  	[sflag:s29] =	ssyncadd.s32 $0xFFFFFFFF  }
0xb5: {  	_ =	strace $0x90000048  }
0xb6: {  	_ =	sfence  }
0xb7: {  	s30 =	sld [smem:$0x0];
	_ =	sdelay $0x2  }
0xb8: {  	s31 =	sshll.u32 s1, $0xD;
	s1 =	sshrl.u32 s1, $0x2  }
0xb9: {  	s3 =	sand.u32 $0x4000, s31;
	s1 =	sadd.s32 s1, s30  }
0xba: {  	s0 =	sor.u32 s3, s0;
	s1 =	sshll.u32 s1, $0x11  }
0xbb: {  	s0 =	sor.u32 s1, s0  }
0xbc: {  	s0 =	sadd.s32 $0x8F2B, s0  }
0xbd: {  	[sflag:s0] =	ssyncadd.remote.s32 $0x1  }
0xbe: {  	_ =	sfence.sel $0xFFFF  }
0xbf: {  	[dreg:$0x0] =	wrdreg $0xFFFFFFFF;
	(pc) =	sbr.abs _section_cstart, $3  }
0xc0: {  	[dreg:$0x1] =	wrdreg $0xFFFFFFFF  }
0xc1: {  	_ =	task.clear_ibuf [dreg:s7], $0x2FFFF;
	_ =	strace $0x9FFFFFFF  }
0xc2: {  	(tm) =	ssettm $0x7FFFFFFF  }
0xc3: {  	_ =	shalt  }
tec
execute0_lowered:
.L_overlay_start_1:
0x0: {  	(tag) =	ssettag $0x1  }
0x1: {  	s0 =	srdreg.scid  }
0x2: {  	s1 =	sshll.u32 s0, $0x4  }
0x3: {  	s0 =	stileid.u32;
	s1 =	sand.u32 $0x10, s1  }
0x4: {  	s2 =	sor.u32 s0, s1  }
0x5: {  	s1 =	smin.u32 s2, $0x12  }
0x6: {  	s1 =	sadd.s32 s2, s1  }
0x7: {  	p0 =	slt.u32 s2, $0x12;
	s2 =	simm.s32 $0xA0;
	s1 =	smul.u32 $0x50, s1  }
0x8: {  	s2 =	simm.s32 @!p0 $0x50  }
0x9: {  	s2 =	sadd.s32 s2, s1  }
0xa: {  	s3 =	smin.u32 s2, $0xFA0  }
0xb: {  	s7 =	ssub.s32 s3, s1  }
0xc: {  	p0 =	sgt.s32 s7, $0x0  }
0xd: {  	s7 =	simm.s32 @!p0 $0x0  }
0xe: {  	s4 =	rddreg [dreg:$0x0];
	s31 =	smul.u32 $0xCCCD, s7  }
0xf: {  	s5 =	rddreg [dreg:$0x1]  }
0x10: {  	s6 =	simm.s32 $0x1;
	s10 =	simm.s32 $0x3;
	s8 =	sshrl.u32 s31, $0x16  }
0x11: {  	s13 =	simm.s32 $0x0;
	s12 =	simm.s32 $0x0;
	s9 =	smul.u32 $0x50, s8  }
.Ltmp0:
0x12: {  	s11 =	smov.u32 s1;
	s2 =	rddreg [dreg:$0x2];
	(pc) =	sbr.rel .LBB2_1-.Ltmp0, $4  }
0x13: {  	_ =	strace $0x80000047;
	p0 =	sne.s32 s7, s9;
	s9 =	simm.s32 $0x1  }
0x14: {  	[sflag:s6] =	ssyncpa.u1 $0x0;
	s7 =	simm.s32 $0x2;
	s9 =	simm.s32 @!p0 $0x0  }
0x15: {  	[sflag:s7] =	ssyncpa.u1 $0x0;
	p0 =	por $0x0, $0x0;
	s8 =	sadd.s32 s8, s9  }
0x16: {  	vm0 =	vmmov $0xff;
	vm1 =	vcmask $0x3F20;
	s9 =	sadd.s32 $0x138800, s4;
	[sflag:s10] =	ssyncpa.u1 $0x0;
	s10 =	sadd.s32 $0x1, s8  }
.LBB2_6:
0x17: {  	[hbm:s17] =	stream.linear.scatter [tilespmem:s14], [sflag:$0x3], $0x400, $0x38;
	[tilespmem:$0x50A0] =	vst v63  }
.LBB2_7:
0x18: {  	s13 =	sadd.s32 $0x50, s11  }
0x19: {  	s15 =	smov.u32 s1;
	p2 =	slt.s32 s13, s3  }
0x1a: {  	s15 =	smov.u32 @p2 s13;
	p2 =	sne.s32 s12, s10  }
.Ltmp1:
0x1b: {  	p1 =	slt.u32 s12, $0x2;
	(pc) =	sbr.rel @!p2 .LBB2_8-.Ltmp1, $4  }
0x1c: {  	s14 =	simm.s32 @!p1 $0x3  }
0x1d: {  	s16 =	sadd.s32 $0x1, s12;
	_ =	swait.ge @!p1 [sflag:s14], $0x2800  }
0x1e: {  	p0 =	por !p0, !p0;
	s13 =	smov.u32 s11;
	[sflag:s14] =	ssyncset.done @!p1 $0x0  }
0x1f: {  	s12 =	smov.u32 s16;
	s11 =	smov.u32 s15;
	[sflag:s14] =	ssyncadd.s32 @!p1 $0xFFFFD800  }
.LBB2_1:
0x20: {  	p1 =	sge.u32 s12, s8  }
0x21: {  	s14 =	sxor.u32 @!p1 $0xFFFFFFFF, s12  }
0x22: {  	s14 =	sand.u32 @!p1 $0x1, s14  }
0x23: {  	s14 =	smul.u32 @!p1 $0x140, s14  }
0x24: {  	s31 =	sadd.s32 $0xFFFFFFFF, s12;
	s15 =	sshrl.u32 @!p1 s11, $0x3  }
0x25: {  	s16 =	sand.u32 @!p1 $0x7, s11;
	s15 =	sadd.s32 @!p1 s5, s15;
	s14 =	sshrl.u32 @!p1 s14, $0x2  }
0x26: {  	[tilespmem:s14], [sflag:$0x2] =	stream.linear.gather @!p1 [hbm4b:s15+s16], $0x50, $0x38;
	[tilespmem:$0x50A0] =	vst v63  }
0x27: {  	p1 =	sge.u32 s31, s8  }
.Ltmp2:
0x28: {  	_ = 	snop;
	(pc) =	sbr.rel @p1 .LBB2_7-.Ltmp2, $1  }
0x29: {  	_ =	sdelay $0x3  }
0x2a: {  	s14 =	simm.s32 $0x1  }
0x2b: {  	s14 =	simm.s32 @!p0 $0x0  }
0x2c: {  	s15 =	smul.u32 $0x140, s14  }
0x2d: {  	_ =	swait.ge [sflag:s7], $0x50  }
0x2e: {  	[sflag:s7] =	ssyncset.done $0x0;
	s16 =	sshrl.u32 s15, $0x2  }
0x2f: {  	[sflag:s7] =	ssyncadd.s32 $0xFFFFFFB0;
	s15 =	sadd.s32 $0x0, s16  }
0x30: {  	v0 =	vld.msk [tilespmem:s15+$0x0 ss:$0x1], $0xffff;
	_ =	sdelay $0x4  }
0x31: {  	v1 =	vand.u32 $0x3, v0;
	v2 =	vshll.u32 v0, $0x5  }
0x32: {  	vm2 =	veq.s32 v0, $0x80000000;
	v0 =	vmul.u32 $0x271000, v1;
	v1 =	vand.u32 $0x3FFF80, v2  }
0x33: {  	v1 =	vsel vm2, $0xFFFFFF80, v1  }
0x34: {  	v0 =	vsel vm2, $0xFFD8F000, v0;
	v2 =	vand.u32 $0xFFFFFC00, v1  }
0x35: {  	v1 =	vand.u32 $0x380, v1;
	v0 =	vadd.s32 v0, v2  }
0x36: {  	v0 =	vor.u32 v1, v0  }
0x37: {  	v0 =	vshrl.u32 v0, $0x3  }
0x38: {  	s14 =	smul.u32 $0xA000, s14;
	_ =	sdelay $0x1  }
0x39: {  	s14 =	sshrl.u32 s14, $0x2  }
0x3a: {  	s14 =	sor.u32 $0xA0, s14  }
0x3b: {  	[tilespmem:s14], [sflag:$0x1] =	stream.indirect_vreg.gather [hbm:s4], $0x80, v0, vm0, $0x38;
	[tilespmem:$0x50A0] =	vst v63  }
0x3c: {  	s17 =	sadd.s32 $0x10, s16;
	s15 =	sadd.s32 $0x400, s14  }
0x3d: {  	[tilespmem:s15], [sflag:$0x1] =	stream.indirect_vreg.gather [hbm:s4], $0x80, v0, vm1, $0x38;
	[tilespmem:$0x50A0] =	vst v63  }
0x3e: {  	s18 =	simm.s32 $0x80;
	v0 =	vld.msk [tilespmem:s17+$0x0 ss:$0x1], $0xffff;
	s17 =	smov.u32 s14  }
.LBB2_3:
0x3f: {  	p1 =	sne.s32 s18, $0x100;
	_ =	sdelay $0x4  }
0x40: {  	v1 =	vand.u32 $0x3, v0;
	v2 =	vshll.u32 v0, $0x5  }
0x41: {  	vm2 =	veq.s32 v0, $0x80000000;
	v0 =	vmul.u32 $0x271000, v1;
	v1 =	vand.u32 $0x3FFF80, v2  }
0x42: {  	v1 =	vsel vm2, $0xFFFFFF80, v1  }
0x43: {  	v0 =	vsel vm2, $0xFFD8F000, v0;
	v2 =	vand.u32 $0xFFFFFC00, v1  }
0x44: {  	v1 =	vand.u32 $0x380, v1;
	v0 =	vadd.s32 v0, v2  }
0x45: {  	v0 =	vor.u32 v1, v0  }
0x46: {  	v0 =	vshrl.u32 v0, $0x3;
	_ =	sdelay $0x3  }
.Ltmp3:
0x47: {  	s19 =	sshra.s32 s18, $0x2;
	s17 =	sadd.s32 $0x800, s17;
	(pc) =	sbr.rel @p1 .LBB2_3-.Ltmp3, $4  }
0x48: {  	[tilespmem:s17], [sflag:$0x1] =	stream.indirect_vreg.gather [hbm:s4], $0x80, v0, vm0, $0x38;
	[tilespmem:$0x50A0] =	vst v63  }
0x49: {  	s19 =	sadd.s32 s19, s16;
	s20 =	sadd.s32 $0x400, s17  }
0x4a: {  	[tilespmem:s20], [sflag:$0x1] =	stream.indirect_vreg.gather [hbm:s4], $0x80, v0, vm1, $0x38;
	[tilespmem:$0x50A0] =	vst v63  }
0x4b: {  	s18 =	sadd.s32 $0x40, s18;
	v0 =	vld.msk [tilespmem:s19+$0x0 ss:$0x1], $0xffff  }
0x4c: {  	_ =	sdelay $0x3  }
0x4d: {  	v1 =	vand.u32 $0x3, v0;
	v2 =	vshll.u32 v0, $0x5  }
0x4e: {  	vm2 =	veq.s32 v0, $0x80000000;
	v61 =	vmul.u32 $0x271000, v1;
	v62 =	vand.u32 $0x3FFF80, v2  }
0x4f: {  	v1 =	vsel vm2, $0xFFFFFF80, v62  }
0x50: {  	v0 =	vsel vm2, $0xFFD8F000, v61;
	v63 =	vand.u32 $0xFFFFFC00, v1  }
0x51: {  	v1 =	vand.u32 $0x380, v1;
	v0 =	vadd.s32 v0, v63  }
0x52: {  	v0 =	vor.u32 v1, v0  }
0x53: {  	v0 =	vshrl.u32 v0, $0x3;
	_ =	sdelay $0x3  }
0x54: {  	s16 =	sadd.s32 $0x800, s17  }
0x55: {  	[tilespmem:s16], [sflag:$0x1] =	stream.indirect_vreg.gather [hbm:s4], $0x80, v0, vm0, $0x38;
	[tilespmem:$0x50A0] =	vst v63  }
0x56: {  	s16 =	sadd.s32 $0x400, s16  }
0x57: {  	[tilespmem:s16], [sflag:$0x1] =	stream.indirect_vreg.gather [hbm:s4], $0x80, v0, vm1, $0x38;
	[tilespmem:$0x50A0] =	vst v63  }
0x58: {  	s13 =	sshll.u32 s13, $0x4;
	_ =	swait.ge [sflag:s6], $0x2800  }
0x59: {  	s13 =	sadd.s32 s13, s9;
	[sflag:s6] =	ssyncset.done $0x0  }
0x5a: {  	s17 =	sadd.s32 $0x0, s13;
	s16 =	simm.s32 $0x80;
	[sflag:s6] =	ssyncadd.s32 $0xFFFFD800  }
.LBB2_5:
0x5b: {  	[hbm:s17] =	stream.linear.scatter [tilespmem:s14], [sflag:$0x3], $0x400, $0x38;
	[tilespmem:$0x50A0] =	vst v63  }
0x5c: {  	s17 =	smov.u32 s16;
	s14 =	smov.u32 s15;
	p1 =	sne.s32 s16, $0x480  }
.Ltmp4:
0x5d: {  	s16 =	sadd.s32 $0x80, s16;
	(pc) =	sbr.rel @p1 .LBB2_5-.Ltmp4, $2  }
0x5e: {  	_ =	sdelay $0x2  }
0x5f: {  	s15 =	sadd.s32 $0x400, s15;
	s17 =	sadd.s32 s17, s13  }
.Ltmp5:
0x60: {  	_ = 	snop;
	(pc) =	sbr.rel .LBB2_6-.Ltmp5, $1  }
0x61: {  	_ =	sdelay $0x3  }
.LBB2_8:
0x62: {  	_ =	sfence.sel $0x180000  }
0x63: {  	s1 =	simm.s32 $0x2;
	[bflag:$0x0] =	sbarrier.arrive $0xFFFF  }
0x64: {  	s30 =	simm.s32 $0x3;
	[sflag:s1] =	ssyncpa.u1 $0x1  }
0x65: {  	s31 =	simm.s32 $0x1;
	[sflag:s30] =	ssyncpa.u1 $0x1  }
0x66: {  	[sflag:s31] =	ssyncpa.u1 $0x1  }
0x67: {  	p0 =	sne.s32 s0, $0x0;
	_ =	strace $0x90000047  }
0x68: {  	s0 =	sadd.s32 @!p0 $0x100000, s2;
	[bflag:$0x2] =	sbarrier.arrive $0xFFFF  }
0x69: {  	[sflag:s0] =	ssyncadd.tile.s32 @!p0 $0x1;
	_ =	shalt  }
.Lfunc_end2:
_tile_overlayer_lowered:
.L_overlay_start_2:
0x6a: {  	(tag) =	ssettag $0x2  }
0x6b: {  	s0 =	rddreg [dreg:$0x0];
	s2 =	stileid.u32  }
0x6c: {  	s1 =	rddreg [dreg:$0x1];
	p0 =	sne.s32 s2, $0x0  }
0x6d: {  	s3 =	rddreg [dreg:$0x2];
	[bflag:$0x3] =	sbarrier.arrive $0xFFFF;
	s2 =	simm.s32 @!p0 $0x1C01  }
0x6e: {  	[timem:s3], [sflag:s2] =	dma.local @!p0 [hbm:s0], s1  }
0x6f: {  	s0 =	simm.s32 @!p0 $0x1  }
0x70: {  	_ =	swait.ge @!p0 [sflag:s0], s1  }
0x71: {  	s1 =	ssub.s32 @!p0 $0x0, s1;
	[sflag:s0] =	ssyncset.done @!p0 $0x0  }
0x72: {  	[sflag:s0] =	ssyncadd.s32 @!p0 s1  }
0x73: {  	[bflag:$0x3] =	sbarrier.arrive $0xFFFF  }
0x74: {  	_ =	shalt  }

</sc_bundles>
